<compile_context>
chip_gen: v7x
topology: tpu7x:2x2x1
jax: 0.10.2.dev20260603
libtpu: 0.0.44.dev20260713+nightly
codegen_flags: <defaults>
</compile_context>

<pallas_src>
import numpy as np

import jax
import jax.numpy as jnp
from jax import lax
from jax.experimental import pallas as pl
from jax.experimental.pallas import tpu as pltpu
from jax.experimental.pallas import tpu_sc as plsc

NC = 2
NS = 16
NW = NC * NS
L = 16

CE = 128
CN = 80


def _dot3(a, w):
    a_hi = a.astype(jnp.bfloat16)
    a_lo = (a - a_hi.astype(jnp.float32)).astype(jnp.bfloat16)
    w_hi = w.astype(jnp.bfloat16)
    w_lo = (w - w_hi.astype(jnp.float32)).astype(jnp.bfloat16)
    d = lambda x, y: jnp.dot(x, y, preferred_element_type=jnp.float32)
    return d(a_hi, w_hi) + d(a_hi, w_lo) + d(a_lo, w_hi)


def _mm_bias(A, W, b, block_rows):
    M, K = A.shape
    Hout = W.shape[1]
    assert M % block_rows == 0

    def body(a_ref, w_ref, b_ref, o_ref):
        o_ref[...] = _dot3(a_ref[...], w_ref[...]) + b_ref[...]

    return pl.pallas_call(
        body,
        grid=(M // block_rows,),
        in_specs=[
            pl.BlockSpec((block_rows, K), lambda i: (i, 0)),
            pl.BlockSpec((K, Hout), lambda i: (0, 0)),
            pl.BlockSpec((1, Hout), lambda i: (0, 0)),
        ],
        out_specs=pl.BlockSpec((block_rows, Hout), lambda i: (i, 0)),
        out_shape=jax.ShapeDtypeStruct((M, Hout), jnp.float32),
    )(A, W, b.reshape(1, Hout))


def _mm_two(A, W1, W2, block_rows):
    M, K = A.shape
    Hout = W1.shape[1]
    assert M % block_rows == 0

    def body(a_ref, w1_ref, w2_ref, o1_ref, o2_ref):
        a = a_ref[...]
        o1_ref[...] = _dot3(a, w1_ref[...])
        o2_ref[...] = _dot3(a, w2_ref[...])

    return pl.pallas_call(
        body,
        grid=(M // block_rows,),
        in_specs=[
            pl.BlockSpec((block_rows, K), lambda i: (i, 0)),
            pl.BlockSpec((K, Hout), lambda i: (0, 0)),
            pl.BlockSpec((K, Hout), lambda i: (0, 0)),
        ],
        out_specs=[
            pl.BlockSpec((block_rows, Hout), lambda i: (i, 0)),
            pl.BlockSpec((block_rows, Hout), lambda i: (i, 0)),
        ],
        out_shape=[
            jax.ShapeDtypeStruct((M, Hout), jnp.float32),
            jax.ShapeDtypeStruct((M, Hout), jnp.float32),
        ],
    )(A, W1, W2)


def _sc_aggregate(xa, eb, edge_index, batch, xc, G):
    N, HID = xa.shape
    E = eb.shape[0]
    assert E % CE == 0 and N % CN == 0
    nchunk_e = E // CE
    nchunk_n = N // CN
    rows_per_tile = G // NS

    mesh = plsc.VectorSubcoreMesh(core_axis_name="c", subcore_axis_name="s")

    npair_total = nchunk_e // 2
    assert npair_total * 2 == nchunk_e

    def body(xa_hbm, eb_hbm, ei_hbm, batch_hbm, xc_hbm,
             t_out, gx_out, q_out, cnt_out,
             row0, col0, row1, col1, ge0, ge1, nb_v,
             eb0, eb1, xa0, xa1, h0, h1,
             cnt_v, qstage, stage, xbuf,
             sharedT, sharedGX,
             isem0, isem1, esem0, esem1, gsem0, gsem1,
             bsem0, bsem1, ssem0, ssem1, nsem):
        cid = lax.axis_index("c")
        sid = lax.axis_index("s")
        wid = sid * NC + cid

        zf = jnp.zeros((L,), jnp.float32)
        ones = jnp.ones((L,), jnp.float32)

        for j in range(G // L):
            cnt_v[pl.ds(j * L, L)] = zf

        def zrow(i, _):
            for k in range(HID // L):
                stage[i, pl.ds(k * L, L)] = zf
            return 0

        lax.fori_loop(0, rows_per_tile, zrow, 0)
        pltpu.sync_copy(stage, sharedT.at[pl.ds(sid * rows_per_tile, rows_per_tile)])
        pltpu.sync_copy(stage, sharedGX.at[pl.ds(sid * rows_per_tile, rows_per_tile)])
        plsc.subcore_barrier()

        qn, rn = divmod(npair_total, NW)
        npairs = qn + jnp.where(wid < rn, 1, 0)
        start = jnp.where(
            wid < rn, wid * 2 * (qn + 1), rn * 2 * (qn + 1) + (wid - rn) * 2 * qn
        )

        def compute(ebb, xab, hb, q):
            def ebody(i, qq):
                nq = list(qq)
                for u in range(2):
                    e = 2 * i + u
                    for k in range(HID // L):
                        z = ebb[e, pl.ds(k * L, L)] + xab[e, pl.ds(k * L, L)]
                        hh = jnp.maximum(z, 0.01 * z)
                        hb[e, pl.ds(k * L, L)] = hh
                        nq[k] = nq[k] + hh * hh
                return tuple(nq)

            return lax.fori_loop(0, CE // 2, ebody, q)

        def cnt_add(ge):
            for j in range(CE // L):
                gv = ge[pl.ds(j * L, L)]
                plsc.addupdate_scatter(cnt_v, [gv], ones)

        base_p = start * CE
        pltpu.sync_copy(ei_hbm.at[0, pl.ds(base_p, CE)], row0)
        pltpu.sync_copy(ei_hbm.at[1, pl.ds(base_p, CE)], col0)
        pltpu.async_copy(ei_hbm.at[0, pl.ds(base_p + CE, CE)], row1, isem1)
        pltpu.async_copy(ei_hbm.at[1, pl.ds(base_p + CE, CE)], col1, isem1)
        pltpu.async_copy(eb_hbm.at[pl.ds(base_p, CE)], eb0, esem0)
        pltpu.async_copy(xa_hbm.at[row0], xa0, gsem0)

        def pair_body(j, q):
            base0 = (start + 2 * j) * CE
            base1 = base0 + CE
            base2 = base0 + 2 * CE
            base3 = base0 + 3 * CE
            more = j + 1 < npairs

            pltpu.make_async_copy(ei_hbm.at[0, pl.ds(base1, CE)], row1, isem1).wait()
            pltpu.make_async_copy(ei_hbm.at[1, pl.ds(base1, CE)], col1, isem1).wait()
            pltpu.async_copy(eb_hbm.at[pl.ds(base1, CE)], eb1, esem1)
            pltpu.async_copy(xa_hbm.at[row1], xa1, gsem1)

            @pl.when(j > 0)
            def _():
                pltpu.make_async_copy(h0, sharedT.at[ge0], ssem0).wait()

            pltpu.async_copy(batch_hbm.at[col0], ge0, bsem0)
            pltpu.make_async_copy(eb_hbm.at[pl.ds(base0, CE)], eb0, esem0).wait()
            pltpu.make_async_copy(xa_hbm.at[row0], xa0, gsem0).wait()
            pltpu.make_async_copy(batch_hbm.at[col0], ge0, bsem0).wait()

            @pl.when(more)
            def _():
                pltpu.async_copy(ei_hbm.at[0, pl.ds(base2, CE)], row0, isem0)
                pltpu.async_copy(ei_hbm.at[1, pl.ds(base2, CE)], col0, isem0)

            q = compute(eb0, xa0, h0, q)
            cnt_add(ge0)
            pltpu.async_copy(h0, sharedT.at[ge0], ssem0, add=True)

            @pl.when(more)
            def _():
                pltpu.make_async_copy(ei_hbm.at[0, pl.ds(base2, CE)], row0, isem0).wait()
                pltpu.make_async_copy(ei_hbm.at[1, pl.ds(base2, CE)], col0, isem0).wait()
                pltpu.async_copy(eb_hbm.at[pl.ds(base2, CE)], eb0, esem0)
                pltpu.async_copy(xa_hbm.at[row0], xa0, gsem0)

            @pl.when(j > 0)
            def _():
                pltpu.make_async_copy(h1, sharedT.at[ge1], ssem1).wait()

            pltpu.async_copy(batch_hbm.at[col1], ge1, bsem1)
            pltpu.make_async_copy(eb_hbm.at[pl.ds(base1, CE)], eb1, esem1).wait()
            pltpu.make_async_copy(xa_hbm.at[row1], xa1, gsem1).wait()
            pltpu.make_async_copy(batch_hbm.at[col1], ge1, bsem1).wait()

            @pl.when(more)
            def _():
                pltpu.async_copy(ei_hbm.at[0, pl.ds(base3, CE)], row1, isem1)
                pltpu.async_copy(ei_hbm.at[1, pl.ds(base3, CE)], col1, isem1)

            q = compute(eb1, xa1, h1, q)
            cnt_add(ge1)
            pltpu.async_copy(h1, sharedT.at[ge1], ssem1, add=True)
            return q

        q0 = tuple(jnp.zeros((L,), jnp.float32) for _ in range(HID // L))
        q = lax.fori_loop(0, npairs, pair_body, q0)
        pltpu.make_async_copy(h0, sharedT.at[ge0], ssem0).wait()
        pltpu.make_async_copy(h1, sharedT.at[ge1], ssem1).wait()
        for k in range(HID // L):
            qstage[pl.ds(k * L, L)] = q[k]

        n_iter_n = (nchunk_n - wid + NW - 1) // NW

        def nchunk(i, _):
            c = wid + i * NW
            base = c * CN
            gb = pltpu.async_copy(batch_hbm.at[pl.ds(base, CN)], nb_v, nsem)
            pltpu.sync_copy(xc_hbm.at[pl.ds(base, CN)], xbuf)
            gb.wait()
            pltpu.sync_copy(xbuf, sharedGX.at[nb_v], add=True)
            return 0

        lax.fori_loop(0, n_iter_n, nchunk, 0)

        pltpu.sync_copy(qstage, q_out.at[wid])
        pltpu.sync_copy(cnt_v, cnt_out.at[wid])
        plsc.subcore_barrier()
        r0 = sid * rows_per_tile
        pltpu.sync_copy(sharedT.at[pl.ds(r0, rows_per_tile)], stage)
        pltpu.sync_copy(stage, t_out.at[cid, pl.ds(r0, rows_per_tile)])
        pltpu.sync_copy(sharedGX.at[pl.ds(r0, rows_per_tile)], stage)
        pltpu.sync_copy(stage, gx_out.at[cid, pl.ds(r0, rows_per_tile)])

    fn = pl.kernel(
        body,
        out_type=(
            jax.ShapeDtypeStruct((NC, G, HID), jnp.float32),
            jax.ShapeDtypeStruct((NC, G, HID), jnp.float32),
            jax.ShapeDtypeStruct((NW, HID), jnp.float32),
            jax.ShapeDtypeStruct((NW, G), jnp.float32),
        ),
        mesh=mesh,
        scratch_types=[
            pltpu.VMEM((CE,), jnp.int32),
            pltpu.VMEM((CE,), jnp.int32),
            pltpu.VMEM((CE,), jnp.int32),
            pltpu.VMEM((CE,), jnp.int32),
            pltpu.VMEM((CE,), jnp.int32),
            pltpu.VMEM((CE,), jnp.int32),
            pltpu.VMEM((CN,), jnp.int32),
            pltpu.VMEM((CE, HID), jnp.float32),
            pltpu.VMEM((CE, HID), jnp.float32),
            pltpu.VMEM((CE, HID), jnp.float32),
            pltpu.VMEM((CE, HID), jnp.float32),
            pltpu.VMEM((CE, HID), jnp.float32),
            pltpu.VMEM((CE, HID), jnp.float32),
            pltpu.VMEM((G,), jnp.float32),
            pltpu.VMEM((HID,), jnp.float32),
            pltpu.VMEM((G // NS, HID), jnp.float32),
            pltpu.VMEM((CN, HID), jnp.float32),
            pltpu.VMEM_SHARED((G, HID), jnp.float32),
            pltpu.VMEM_SHARED((G, HID), jnp.float32),
        ] + [pltpu.SemaphoreType.DMA] * 11,
        compiler_params=pltpu.CompilerParams(needs_layout_passes=False),
    )
    return fn(xa, eb, edge_index, batch, xc)


def _graph_mlp(Tp, GXp, Qp, CNTp, E, W1b, b1b, g1, be1,
               W2a, b2a, g2a, be2a, W2b, b2b, g2b, be2b, W2c, b2c):
    G = Tp.shape[1]
    HID = W1b.shape[0]
    HN = W2a.shape[0] - HID
    NGo = W2c.shape[1]

    def body(tp_ref, gxp_ref, qp_ref, cntp_ref,
             w1b_ref, b1b_ref, g1_ref, be1_ref,
             w2a_ref, b2a_ref, g2a_ref, be2a_ref,
             w2b_ref, b2b_ref, g2b_ref, be2b_ref,
             w2c_ref, b2c_ref, o_ref):
        T = tp_ref[0] + tp_ref[1]
        cnt_col = lax.dot_general(
            cntp_ref[...], jnp.ones((NW, 1), jnp.float32),
            (((0,), (0,)), ((), ())), preferred_element_type=jnp.float32, precision=lax.Precision.HIGHEST)
        gxh = gxp_ref[0] + gxp_ref[1]
        Q = jnp.sum(qp_ref[...], axis=0, keepdims=True)
        S = jnp.sum(T, axis=0, keepdims=True)
        m = S / E
        v = Q / E - m * m
        a = g1_ref[...] * lax.rsqrt(v + 1e-5)
        cconst = be1_ref[...] - m * a
        bias_row = (
            jnp.dot(cconst, w1b_ref[...], preferred_element_type=jnp.float32, precision=lax.Precision.HIGHEST)
            + b1b_ref[...]
        )
        go = (
            jnp.dot(T * a, w1b_ref[...], preferred_element_type=jnp.float32, precision=lax.Precision.HIGHEST)
            + cnt_col * bias_row
        )

        def leaky(t):
            return jnp.maximum(t, 0.01 * t)

        def bn(t, g, b):
            mm = jnp.mean(t, axis=0, keepdims=True)
            vv = jnp.mean(t * t, axis=0, keepdims=True) - mm * mm
            return g * (t - mm) * lax.rsqrt(vv + 1e-5) + b

        h = (
            gxh
            + jnp.dot(go, w2a_ref[HN:], preferred_element_type=jnp.float32, precision=lax.Precision.HIGHEST)
            + b2a_ref[...]
        )
        h = bn(leaky(h), g2a_ref[...], be2a_ref[...])
        h = jnp.dot(h, w2b_ref[...], preferred_element_type=jnp.float32, precision=lax.Precision.HIGHEST) + b2b_ref[...]
        h = bn(leaky(h), g2b_ref[...], be2b_ref[...])
        h = jnp.dot(h, w2c_ref[...], preferred_element_type=jnp.float32, precision=lax.Precision.HIGHEST) + b2c_ref[...]
        o_ref[...] = h

    r = lambda t: t.reshape(1, -1)
    return pl.pallas_call(
        body,
        out_shape=jax.ShapeDtypeStruct((G, NGo), jnp.float32),
    )(Tp, GXp, Qp, CNTp,
      W1b, r(b1b), r(g1), r(be1),
      W2a, r(b2a), r(g2a), r(be2a),
      W2b, r(b2b), r(g2b), r(be2b),
      W2c, r(b2c))


def kernel(x, edge_index, edge_attr, u, batch,
           W1a, b1a, g1, be1, W1b, b1b,
           W2a, b2a, g2a, be2a, W2b, b2b, g2b, be2b, W2c, b2c):
    N, HN = x.shape
    E = edge_index.shape[1]
    G = u.shape[0]
    HID = W1a.shape[1]

    xa, xc = _mm_two(x, W1a[:HN], W2a[:HN], 2000)
    eb = _mm_bias(edge_attr, W1a[HN:], b1a, 8000)
    Tp, GXp, Qp, CNTp = _sc_aggregate(xa, eb, edge_index, batch, xc, G)
    return _graph_mlp(Tp, GXp, Qp, CNTp, E, W1b, b1b, g1, be1,
                      W2a, b2a, g2a, be2a, W2b, b2b, g2b, be2b, W2c, b2c)

# --- scband reference (transcript-rebuilt; emitter-appended) ---
"""Pipeline reference for scband-global-model-one-20839181320244 (READ-ONLY COPY).

The authoritative reference and input builder live on the scoring server;
editing this copy changes nothing except your own understanding.
"""

import jax, jax.numpy as jnp
import numpy as np

N = 50000
E = 800000
G = 512
HID = 128  # HIDDEN_GRAPH_ONE assumed 128
HN = 64    # HID_NODE_ENC
HE = 64    # HID_EDGE_ENC
NG = 128   # NO_GRAPH_FEATURES_ONE


def _lin(key, fi, fo):
    lim = np.sqrt(6.0 / (fi + fo))
    W = jax.random.uniform(key, (fi, fo), minval=-lim, maxval=lim, dtype=jnp.float32)
    b = jnp.full((fo,), 0.01, dtype=jnp.float32)
    return W, b


def setup_inputs(seed: int = 0) -> dict:
    key = jax.random.key(seed)
    ks = jax.random.split(key, 16)
    x = jax.random.normal(ks[0], (N, HN), dtype=jnp.float32)
    edge_index = jax.random.randint(ks[1], (2, E), 0, N)
    edge_attr = jax.random.normal(ks[2], (E, HE), dtype=jnp.float32)
    u = jax.random.normal(ks[3], (G, NG), dtype=jnp.float32)
    batch = jnp.sort(jax.random.randint(ks[4], (N,), 0, G))
    W1a, b1a = _lin(ks[5], HN + HE, HID)
    g1 = jnp.ones((HID,), dtype=jnp.float32)
    be1 = jnp.zeros((HID,), dtype=jnp.float32)
    W1b, b1b = _lin(ks[6], HID, HID)
    W2a, b2a = _lin(ks[7], HID + HN, HID)
    g2a = jnp.ones((HID,), dtype=jnp.float32)
    be2a = jnp.zeros((HID,), dtype=jnp.float32)
    W2b, b2b = _lin(ks[8], HID, HID)
    g2b = jnp.ones((HID,), dtype=jnp.float32)
    be2b = jnp.zeros((HID,), dtype=jnp.float32)
    W2c, b2c = _lin(ks[9], HID, NG)
    return {"x": x, "edge_index": edge_index, "edge_attr": edge_attr, "u": u, "batch": batch,
            "W1a": W1a, "b1a": b1a, "g1": g1, "be1": be1, "W1b": W1b, "b1b": b1b,
            "W2a": W2a, "b2a": b2a, "g2a": g2a, "be2a": be2a,
            "W2b": W2b, "b2b": b2b, "g2b": g2b, "be2b": be2b,
            "W2c": W2c, "b2c": b2c}


def _leaky(h):
    return jnp.where(h > 0, h, 0.01 * h)


def _bn(h, g, b):
    m = h.mean(axis=0)
    v = h.var(axis=0)
    return g * (h - m) / jnp.sqrt(v + 1e-5) + b


def reference(x, edge_index, edge_attr, u, batch,
              W1a, b1a, g1, be1, W1b, b1b,
              W2a, b2a, g2a, be2a, W2b, b2b, g2b, be2b, W2c, b2c):
    row = edge_index[0]
    col = edge_index[1]
    out = jnp.concatenate([x[row], edge_attr], axis=1)
    out = out @ W1a + b1a
    out = _leaky(out)
    out = _bn(out, g1, be1)
    out = out @ W1b + b1b
    out = jax.ops.segment_sum(out, col, num_segments=x.shape[0])
    gx = jax.ops.segment_sum(x, batch, num_segments=G)
    go = jax.ops.segment_sum(out, batch, num_segments=G)
    h = jnp.concatenate([gx, go], axis=1)
    h = h @ W2a + b2a
    h = _leaky(h)
    h = _bn(h, g2a, be2a)
    h = h @ W2b + b2b
    h = _leaky(h)
    h = _bn(h, g2b, be2b)
    h = h @ W2c + b2c
    return h

if __name__ == "__main__":
    import jax
    _d = setup_inputs()
    print(jax.jit(kernel)(*tuple(_d.values())))

</pallas_src>

<mosaic_0001>
#map = affine_map<(d0, d1) -> (0, 0)>
#map1 = affine_map<(d0, d1) -> (0)>
#map2 = affine_map<(d0, d1) -> (0, 0, 0)>
module attributes {stable_mosaic.version = 14 : i64} {
  func.func @body(%arg0: i32, %arg1: i32, %arg2: memref<50000x128xf32, #tpu.memory_space<hbm>>, %arg3: memref<800000x128xf32, #tpu.memory_space<hbm>>, %arg4: memref<2x800000xi32, #tpu.memory_space<hbm>>, %arg5: memref<50000xi32, #tpu.memory_space<hbm>>, %arg6: memref<50000x128xf32, #tpu.memory_space<hbm>>, %arg7: memref<2x512x128xf32, #tpu.memory_space<hbm>>, %arg8: memref<2x512x128xf32, #tpu.memory_space<hbm>>, %arg9: memref<32x128xf32, #tpu.memory_space<hbm>>, %arg10: memref<32x512xf32, #tpu.memory_space<hbm>>, %arg11: memref<128xi32, #tpu.memory_space<vmem>>, %arg12: memref<128xi32, #tpu.memory_space<vmem>>, %arg13: memref<128xi32, #tpu.memory_space<vmem>>, %arg14: memref<128xi32, #tpu.memory_space<vmem>>, %arg15: memref<128xi32, #tpu.memory_space<vmem>>, %arg16: memref<128xi32, #tpu.memory_space<vmem>>, %arg17: memref<80xi32, #tpu.memory_space<vmem>>, %arg18: memref<128x128xf32, #tpu.memory_space<vmem>>, %arg19: memref<128x128xf32, #tpu.memory_space<vmem>>, %arg20: memref<128x128xf32, #tpu.memory_space<vmem>>, %arg21: memref<128x128xf32, #tpu.memory_space<vmem>>, %arg22: memref<128x128xf32, #tpu.memory_space<vmem>>, %arg23: memref<128x128xf32, #tpu.memory_space<vmem>>, %arg24: memref<512xf32, #tpu.memory_space<vmem>>, %arg25: memref<128xf32, #tpu.memory_space<vmem>>, %arg26: memref<32x128xf32, #tpu.memory_space<vmem>>, %arg27: memref<80x128xf32, #tpu.memory_space<vmem>>, %arg28: memref<512x128xf32, #tpu.memory_space<vmem_shared>>, %arg29: memref<512x128xf32, #tpu.memory_space<vmem_shared>>, %arg30: memref<!tpu.dma_semaphore, #tpu.memory_space<semaphore_mem>>, %arg31: memref<!tpu.dma_semaphore, #tpu.memory_space<semaphore_mem>>, %arg32: memref<!tpu.dma_semaphore, #tpu.memory_space<semaphore_mem>>, %arg33: memref<!tpu.dma_semaphore, #tpu.memory_space<semaphore_mem>>, %arg34: memref<!tpu.dma_semaphore, #tpu.memory_space<semaphore_mem>>, %arg35: memref<!tpu.dma_semaphore, #tpu.memory_space<semaphore_mem>>, %arg36: memref<!tpu.dma_semaphore, #tpu.memory_space<semaphore_mem>>, %arg37: memref<!tpu.dma_semaphore, #tpu.memory_space<semaphore_mem>>, %arg38: memref<!tpu.dma_semaphore, #tpu.memory_space<semaphore_mem>>, %arg39: memref<!tpu.dma_semaphore, #tpu.memory_space<semaphore_mem>>, %arg40: memref<!tpu.dma_semaphore, #tpu.memory_space<semaphore_mem>>) attributes {dimension_semantics = [#tpu.dimension_semantics<core_parallel>, #tpu.dimension_semantics<subcore_parallel>], iteration_bounds = array<i64: 2, 16>, scalar_prefetch = 0 : i64, scratch_operands = 30 : i64, tpu.core_type = #tpu.core_type<sc_vector_subcore>, window_params = [{transform_indices = #map}, {transform_indices = #map}, {transform_indices = #map}, {transform_indices = #map1}, {transform_indices = #map}, {transform_indices = #map2}, {transform_indices = #map2}, {transform_indices = #map}, {transform_indices = #map}]} {
    %mul3A = arith.constant 2 : i32
    %mul3A_0 = arith.muli %arg1, %mul3A : i32
    %add3A = arith.addi %mul3A_0, %arg0 : i32
    %broadcast_in_dim3A = arith.constant 0.000000e+00 : f32
    %broadcast_in_dim3A_1 = vector.broadcast %broadcast_in_dim3A : f32 to vector<16xf32>
    %broadcast_in_dim3A_2 = arith.constant 1.000000e+00 : f32
    %broadcast_in_dim3A_3 = vector.broadcast %broadcast_in_dim3A_2 : f32 to vector<16xf32>
    %swap3A = arith.constant 0 : index
    %swap3A_4 = tpu.vector_load %arg24[%swap3A] {strides = array<i32>} : memref<512xf32, #tpu.memory_space<vmem>>, vector<16xf32>,
    tpu.vector_store %arg24[%swap3A], %broadcast_in_dim3A_1 {strides = array<i32>} : memref<512xf32, #tpu.memory_space<vmem>>, vector<16xf32>,
    %swap3A_5 = arith.constant 16 : index
    %swap3A_6 = tpu.vector_load %arg24[%swap3A_5] {strides = array<i32>} : memref<512xf32, #tpu.memory_space<vmem>>, vector<16xf32>,
    tpu.vector_store %arg24[%swap3A_5], %broadcast_in_dim3A_1 {strides = array<i32>} : memref<512xf32, #tpu.memory_space<vmem>>, vector<16xf32>,
    %swap3A_7 = arith.constant 32 : index
    %swap3A_8 = tpu.vector_load %arg24[%swap3A_7] {strides = array<i32>} : memref<512xf32, #tpu.memory_space<vmem>>, vector<16xf32>,
    tpu.vector_store %arg24[%swap3A_7], %broadcast_in_dim3A_1 {strides = array<i32>} : memref<512xf32, #tpu.memory_space<vmem>>, vector<16xf32>,
    %swap3A_9 = arith.constant 48 : index
    %swap3A_10 = tpu.vector_load %arg24[%swap3A_9] {strides = array<i32>} : memref<512xf32, #tpu.memory_space<vmem>>, vector<16xf32>,
    tpu.vector_store %arg24[%swap3A_9], %broadcast_in_dim3A_1 {strides = array<i32>} : memref<512xf32, #tpu.memory_space<vmem>>, vector<16xf32>,
    %swap3A_11 = arith.constant 64 : index
    %swap3A_12 = tpu.vector_load %arg24[%swap3A_11] {strides = array<i32>} : memref<512xf32, #tpu.memory_space<vmem>>, vector<16xf32>,
    tpu.vector_store %arg24[%swap3A_11], %broadcast_in_dim3A_1 {strides = array<i32>} : memref<512xf32, #tpu.memory_space<vmem>>, vector<16xf32>,
    %swap3A_13 = arith.constant 80 : index
    %swap3A_14 = tpu.vector_load %arg24[%swap3A_13] {strides = array<i32>} : memref<512xf32, #tpu.memory_space<vmem>>, vector<16xf32>,
    tpu.vector_store %arg24[%swap3A_13], %broadcast_in_dim3A_1 {strides = array<i32>} : memref<512xf32, #tpu.memory_space<vmem>>, vector<16xf32>,
    %swap3A_15 = arith.constant 96 : index
    %swap3A_16 = tpu.vector_load %arg24[%swap3A_15] {strides = array<i32>} : memref<512xf32, #tpu.memory_space<vmem>>, vector<16xf32>,
    tpu.vector_store %arg24[%swap3A_15], %broadcast_in_dim3A_1 {strides = array<i32>} : memref<512xf32, #tpu.memory_space<vmem>>, vector<16xf32>,
    %swap3A_17 = arith.constant 112 : index
    %swap3A_18 = tpu.vector_load %arg24[%swap3A_17] {strides = array<i32>} : memref<512xf32, #tpu.memory_space<vmem>>, vector<16xf32>,
    tpu.vector_store %arg24[%swap3A_17], %broadcast_in_dim3A_1 {strides = array<i32>} : memref<512xf32, #tpu.memory_space<vmem>>, vector<16xf32>,
    %swap3A_19 = arith.constant 128 : index
    %swap3A_20 = tpu.vector_load %arg24[%swap3A_19] {strides = array<i32>} : memref<512xf32, #tpu.memory_space<vmem>>, vector<16xf32>,
    tpu.vector_store %arg24[%swap3A_19], %broadcast_in_dim3A_1 {strides = array<i32>} : memref<512xf32, #tpu.memory_space<vmem>>, vector<16xf32>,
    %swap3A_21 = arith.constant 144 : index
    %swap3A_22 = tpu.vector_load %arg24[%swap3A_21] {strides = array<i32>} : memref<512xf32, #tpu.memory_space<vmem>>, vector<16xf32>,
    tpu.vector_store %arg24[%swap3A_21], %broadcast_in_dim3A_1 {strides = array<i32>} : memref<512xf32, #tpu.memory_space<vmem>>, vector<16xf32>,
    %swap3A_23 = arith.constant 160 : index
    %swap3A_24 = tpu.vector_load %arg24[%swap3A_23] {strides = array<i32>} : memref<512xf32, #tpu.memory_space<vmem>>, vector<16xf32>,
    tpu.vector_store %arg24[%swap3A_23], %broadcast_in_dim3A_1 {strides = array<i32>} : memref<512xf32, #tpu.memory_space<vmem>>, vector<16xf32>,
    %swap3A_25 = arith.constant 176 : index
    %swap3A_26 = tpu.vector_load %arg24[%swap3A_25] {strides = array<i32>} : memref<512xf32, #tpu.memory_space<vmem>>, vector<16xf32>,
    tpu.vector_store %arg24[%swap3A_25], %broadcast_in_dim3A_1 {strides = array<i32>} : memref<512xf32, #tpu.memory_space<vmem>>, vector<16xf32>,
    %swap3A_27 = arith.constant 192 : index
    %swap3A_28 = tpu.vector_load %arg24[%swap3A_27] {strides = array<i32>} : memref<512xf32, #tpu.memory_space<vmem>>, vector<16xf32>,
    tpu.vector_store %arg24[%swap3A_27], %broadcast_in_dim3A_1 {strides = array<i32>} : memref<512xf32, #tpu.memory_space<vmem>>, vector<16xf32>,
    %swap3A_29 = arith.constant 208 : index
    %swap3A_30 = tpu.vector_load %arg24[%swap3A_29] {strides = array<i32>} : memref<512xf32, #tpu.memory_space<vmem>>, vector<16xf32>,
    tpu.vector_store %arg24[%swap3A_29], %broadcast_in_dim3A_1 {strides = array<i32>} : memref<512xf32, #tpu.memory_space<vmem>>, vector<16xf32>,
    %swap3A_31 = arith.constant 224 : index
    %swap3A_32 = tpu.vector_load %arg24[%swap3A_31] {strides = array<i32>} : memref<512xf32, #tpu.memory_space<vmem>>, vector<16xf32>,
    tpu.vector_store %arg24[%swap3A_31], %broadcast_in_dim3A_1 {strides = array<i32>} : memref<512xf32, #tpu.memory_space<vmem>>, vector<16xf32>,
    %swap3A_33 = arith.constant 240 : index
    %swap3A_34 = tpu.vector_load %arg24[%swap3A_33] {strides = array<i32>} : memref<512xf32, #tpu.memory_space<vmem>>, vector<16xf32>,
    tpu.vector_store %arg24[%swap3A_33], %broadcast_in_dim3A_1 {strides = array<i32>} : memref<512xf32, #tpu.memory_space<vmem>>, vector<16xf32>,
    %swap3A_35 = arith.constant 256 : index
    %swap3A_36 = tpu.vector_load %arg24[%swap3A_35] {strides = array<i32>} : memref<512xf32, #tpu.memory_space<vmem>>, vector<16xf32>,
    tpu.vector_store %arg24[%swap3A_35], %broadcast_in_dim3A_1 {strides = array<i32>} : memref<512xf32, #tpu.memory_space<vmem>>, vector<16xf32>,
    %swap3A_37 = arith.constant 272 : index
    %swap3A_38 = tpu.vector_load %arg24[%swap3A_37] {strides = array<i32>} : memref<512xf32, #tpu.memory_space<vmem>>, vector<16xf32>,
    tpu.vector_store %arg24[%swap3A_37], %broadcast_in_dim3A_1 {strides = array<i32>} : memref<512xf32, #tpu.memory_space<vmem>>, vector<16xf32>,
    %swap3A_39 = arith.constant 288 : index
    %swap3A_40 = tpu.vector_load %arg24[%swap3A_39] {strides = array<i32>} : memref<512xf32, #tpu.memory_space<vmem>>, vector<16xf32>,
    tpu.vector_store %arg24[%swap3A_39], %broadcast_in_dim3A_1 {strides = array<i32>} : memref<512xf32, #tpu.memory_space<vmem>>, vector<16xf32>,
    %swap3A_41 = arith.constant 304 : index
    %swap3A_42 = tpu.vector_load %arg24[%swap3A_41] {strides = array<i32>} : memref<512xf32, #tpu.memory_space<vmem>>, vector<16xf32>,
    tpu.vector_store %arg24[%swap3A_41], %broadcast_in_dim3A_1 {strides = array<i32>} : memref<512xf32, #tpu.memory_space<vmem>>, vector<16xf32>,
    %swap3A_43 = arith.constant 320 : index
    %swap3A_44 = tpu.vector_load %arg24[%swap3A_43] {strides = array<i32>} : memref<512xf32, #tpu.memory_space<vmem>>, vector<16xf32>,
    tpu.vector_store %arg24[%swap3A_43], %broadcast_in_dim3A_1 {strides = array<i32>} : memref<512xf32, #tpu.memory_space<vmem>>, vector<16xf32>,
    %swap3A_45 = arith.constant 336 : index
    %swap3A_46 = tpu.vector_load %arg24[%swap3A_45] {strides = array<i32>} : memref<512xf32, #tpu.memory_space<vmem>>, vector<16xf32>,
    tpu.vector_store %arg24[%swap3A_45], %broadcast_in_dim3A_1 {strides = array<i32>} : memref<512xf32, #tpu.memory_space<vmem>>, vector<16xf32>,
    %swap3A_47 = arith.constant 352 : index
    %swap3A_48 = tpu.vector_load %arg24[%swap3A_47] {strides = array<i32>} : memref<512xf32, #tpu.memory_space<vmem>>, vector<16xf32>,
    tpu.vector_store %arg24[%swap3A_47], %broadcast_in_dim3A_1 {strides = array<i32>} : memref<512xf32, #tpu.memory_space<vmem>>, vector<16xf32>,
    %swap3A_49 = arith.constant 368 : index
    %swap3A_50 = tpu.vector_load %arg24[%swap3A_49] {strides = array<i32>} : memref<512xf32, #tpu.memory_space<vmem>>, vector<16xf32>,
    tpu.vector_store %arg24[%swap3A_49], %broadcast_in_dim3A_1 {strides = array<i32>} : memref<512xf32, #tpu.memory_space<vmem>>, vector<16xf32>,
    %swap3A_51 = arith.constant 384 : index
    %swap3A_52 = tpu.vector_load %arg24[%swap3A_51] {strides = array<i32>} : memref<512xf32, #tpu.memory_space<vmem>>, vector<16xf32>,
    tpu.vector_store %arg24[%swap3A_51], %broadcast_in_dim3A_1 {strides = array<i32>} : memref<512xf32, #tpu.memory_space<vmem>>, vector<16xf32>,
    %swap3A_53 = arith.constant 400 : index
    %swap3A_54 = tpu.vector_load %arg24[%swap3A_53] {strides = array<i32>} : memref<512xf32, #tpu.memory_space<vmem>>, vector<16xf32>,
    tpu.vector_store %arg24[%swap3A_53], %broadcast_in_dim3A_1 {strides = array<i32>} : memref<512xf32, #tpu.memory_space<vmem>>, vector<16xf32>,
    %swap3A_55 = arith.constant 416 : index
    %swap3A_56 = tpu.vector_load %arg24[%swap3A_55] {strides = array<i32>} : memref<512xf32, #tpu.memory_space<vmem>>, vector<16xf32>,
    tpu.vector_store %arg24[%swap3A_55], %broadcast_in_dim3A_1 {strides = array<i32>} : memref<512xf32, #tpu.memory_space<vmem>>, vector<16xf32>,
    %swap3A_57 = arith.constant 432 : index
    %swap3A_58 = tpu.vector_load %arg24[%swap3A_57] {strides = array<i32>} : memref<512xf32, #tpu.memory_space<vmem>>, vector<16xf32>,
    tpu.vector_store %arg24[%swap3A_57], %broadcast_in_dim3A_1 {strides = array<i32>} : memref<512xf32, #tpu.memory_space<vmem>>, vector<16xf32>,
    %swap3A_59 = arith.constant 448 : index
    %swap3A_60 = tpu.vector_load %arg24[%swap3A_59] {strides = array<i32>} : memref<512xf32, #tpu.memory_space<vmem>>, vector<16xf32>,
    tpu.vector_store %arg24[%swap3A_59], %broadcast_in_dim3A_1 {strides = array<i32>} : memref<512xf32, #tpu.memory_space<vmem>>, vector<16xf32>,
    %swap3A_61 = arith.constant 464 : index
    %swap3A_62 = tpu.vector_load %arg24[%swap3A_61] {strides = array<i32>} : memref<512xf32, #tpu.memory_space<vmem>>, vector<16xf32>,
    tpu.vector_store %arg24[%swap3A_61], %broadcast_in_dim3A_1 {strides = array<i32>} : memref<512xf32, #tpu.memory_space<vmem>>, vector<16xf32>,
    %swap3A_63 = arith.constant 480 : index
    %swap3A_64 = tpu.vector_load %arg24[%swap3A_63] {strides = array<i32>} : memref<512xf32, #tpu.memory_space<vmem>>, vector<16xf32>,
    tpu.vector_store %arg24[%swap3A_63], %broadcast_in_dim3A_1 {strides = array<i32>} : memref<512xf32, #tpu.memory_space<vmem>>, vector<16xf32>,
    %swap3A_65 = arith.constant 496 : index
    %swap3A_66 = tpu.vector_load %arg24[%swap3A_65] {strides = array<i32>} : memref<512xf32, #tpu.memory_space<vmem>>, vector<16xf32>,
    tpu.vector_store %arg24[%swap3A_65], %broadcast_in_dim3A_1 {strides = array<i32>} : memref<512xf32, #tpu.memory_space<vmem>>, vector<16xf32>,
    %scan3A = arith.constant 0 : i32
    %scan3A_67 = arith.constant 0 : i32
    %scan3A_68 = arith.constant 32 : i32
    %scan3A_69 = arith.addi %scan3A_67, %scan3A_68 : i32
    %scan3A_70 = arith.constant 1 : i32
    %scan3A_71 = scf.for %scan3A_205 = %scan3A_67 to %scan3A_69 step %scan3A_70 iter_args(%scan3A_206 = %scan3A) -> (i32)  : i32 {
      %swap3A_207 = arith.index_cast %scan3A_205 : i32 to index
      %swap3A_208 = arith.constant 0 : index
      %swap3A_209 = tpu.vector_load %arg26[%swap3A_207, %swap3A_208] {strides = array<i32>} : memref<32x128xf32, #tpu.memory_space<vmem>>, vector<16xf32>,
      tpu.vector_store %arg26[%swap3A_207, %swap3A_208], %broadcast_in_dim3A_1 {strides = array<i32>} : memref<32x128xf32, #tpu.memory_space<vmem>>, vector<16xf32>,
      %swap3A_210 = arith.index_cast %scan3A_205 : i32 to index
      %swap3A_211 = arith.constant 16 : index
      %swap3A_212 = tpu.vector_load %arg26[%swap3A_210, %swap3A_211] {strides = array<i32>} : memref<32x128xf32, #tpu.memory_space<vmem>>, vector<16xf32>,
      tpu.vector_store %arg26[%swap3A_210, %swap3A_211], %broadcast_in_dim3A_1 {strides = array<i32>} : memref<32x128xf32, #tpu.memory_space<vmem>>, vector<16xf32>,
      %swap3A_213 = arith.index_cast %scan3A_205 : i32 to index
      %swap3A_214 = arith.constant 32 : index
      %swap3A_215 = tpu.vector_load %arg26[%swap3A_213, %swap3A_214] {strides = array<i32>} : memref<32x128xf32, #tpu.memory_space<vmem>>, vector<16xf32>,
      tpu.vector_store %arg26[%swap3A_213, %swap3A_214], %broadcast_in_dim3A_1 {strides = array<i32>} : memref<32x128xf32, #tpu.memory_space<vmem>>, vector<16xf32>,
      %swap3A_216 = arith.index_cast %scan3A_205 : i32 to index
      %swap3A_217 = arith.constant 48 : index
      %swap3A_218 = tpu.vector_load %arg26[%swap3A_216, %swap3A_217] {strides = array<i32>} : memref<32x128xf32, #tpu.memory_space<vmem>>, vector<16xf32>,
      tpu.vector_store %arg26[%swap3A_216, %swap3A_217], %broadcast_in_dim3A_1 {strides = array<i32>} : memref<32x128xf32, #tpu.memory_space<vmem>>, vector<16xf32>,
      %swap3A_219 = arith.index_cast %scan3A_205 : i32 to index
      %swap3A_220 = arith.constant 64 : index
      %swap3A_221 = tpu.vector_load %arg26[%swap3A_219, %swap3A_220] {strides = array<i32>} : memref<32x128xf32, #tpu.memory_space<vmem>>, vector<16xf32>,
      tpu.vector_store %arg26[%swap3A_219, %swap3A_220], %broadcast_in_dim3A_1 {strides = array<i32>} : memref<32x128xf32, #tpu.memory_space<vmem>>, vector<16xf32>,
      %swap3A_222 = arith.index_cast %scan3A_205 : i32 to index
      %swap3A_223 = arith.constant 80 : index
      %swap3A_224 = tpu.vector_load %arg26[%swap3A_222, %swap3A_223] {strides = array<i32>} : memref<32x128xf32, #tpu.memory_space<vmem>>, vector<16xf32>,
      tpu.vector_store %arg26[%swap3A_222, %swap3A_223], %broadcast_in_dim3A_1 {strides = array<i32>} : memref<32x128xf32, #tpu.memory_space<vmem>>, vector<16xf32>,
      %swap3A_225 = arith.index_cast %scan3A_205 : i32 to index
      %swap3A_226 = arith.constant 96 : index
      %swap3A_227 = tpu.vector_load %arg26[%swap3A_225, %swap3A_226] {strides = array<i32>} : memref<32x128xf32, #tpu.memory_space<vmem>>, vector<16xf32>,
      tpu.vector_store %arg26[%swap3A_225, %swap3A_226], %broadcast_in_dim3A_1 {strides = array<i32>} : memref<32x128xf32, #tpu.memory_space<vmem>>, vector<16xf32>,
      %swap3A_228 = arith.index_cast %scan3A_205 : i32 to index
      %swap3A_229 = arith.constant 112 : index
      %swap3A_230 = tpu.vector_load %arg26[%swap3A_228, %swap3A_229] {strides = array<i32>} : memref<32x128xf32, #tpu.memory_space<vmem>>, vector<16xf32>,
      tpu.vector_store %arg26[%swap3A_228, %swap3A_229], %broadcast_in_dim3A_1 {strides = array<i32>} : memref<32x128xf32, #tpu.memory_space<vmem>>, vector<16xf32>,
      %scan3A_231 = arith.constant 0 : i32
      scf.yield %scan3A_231 : i32
    }
    %scan3A_72 = arith.constant 32 : i32
    %mul3A_73 = arith.constant 32 : i32
    %mul3A_74 = arith.muli %arg1, %mul3A_73 : i32
    "tpu.region"() ({
      %run_scoped3A_205 = tpu.sem_alloc : memref<!tpu.dma_semaphore, #tpu.memory_space<semaphore_mem>>
      %dma_start3A_206 = arith.constant 0 : i32
      %dma_start3A_207 = tpu.memref_slice %arg28[%mul3A_74, %dma_start3A_206] : memref<512x128xf32, #tpu.memory_space<vmem_shared>> -> memref<32x128xf32, #tpu.memory_space<vmem_shared>>
      %dma_start3A_208 = arith.constant 0 : i32
      %dma_start3A_209 = tpu.memref_slice %arg28[%mul3A_74, %dma_start3A_208] : memref<512x128xf32, #tpu.memory_space<vmem_shared>> -> memref<32x128xf32, #tpu.memory_space<vmem_shared>>
      tpu.enqueue_dma source(%arg26 : memref<32x128xf32, #tpu.memory_space<vmem>>) target(%dma_start3A_209 : memref<32x128xf32, #tpu.memory_space<vmem_shared>>) target_semaphore(%run_scoped3A_205 : memref<!tpu.dma_semaphore, #tpu.memory_space<semaphore_mem>>)
      %dma_wait3A_210 = arith.constant 0 : i32
      %dma_wait3A_211 = tpu.memref_slice %arg28[%mul3A_74, %dma_wait3A_210] : memref<512x128xf32, #tpu.memory_space<vmem_shared>> -> memref<32x128xf32, #tpu.memory_space<vmem_shared>>
      %dma_wait3A_212 = arith.constant 0 : i32
      %dma_wait3A_213 = tpu.memref_slice %arg28[%mul3A_74, %dma_wait3A_212] : memref<512x128xf32, #tpu.memory_space<vmem_shared>> -> memref<32x128xf32, #tpu.memory_space<vmem_shared>>
      tpu.wait_dma2 semaphore(%run_scoped3A_205 : memref<!tpu.dma_semaphore, #tpu.memory_space<semaphore_mem>>) src(%arg26 : memref<32x128xf32, #tpu.memory_space<vmem>>) dst(%dma_wait3A_213 : memref<32x128xf32, #tpu.memory_space<vmem_shared>>)
      tpu.yield
    }) : () -> ()
    %mul3A_75 = arith.constant 32 : i32
    %mul3A_76 = arith.muli %arg1, %mul3A_75 : i32
    "tpu.region"() ({
      %run_scoped3A_205 = tpu.sem_alloc : memref<!tpu.dma_semaphore, #tpu.memory_space<semaphore_mem>>
      %dma_start3A_206 = arith.constant 0 : i32
      %dma_start3A_207 = tpu.memref_slice %arg29[%mul3A_76, %dma_start3A_206] : memref<512x128xf32, #tpu.memory_space<vmem_shared>> -> memref<32x128xf32, #tpu.memory_space<vmem_shared>>
      %dma_start3A_208 = arith.constant 0 : i32
      %dma_start3A_209 = tpu.memref_slice %arg29[%mul3A_76, %dma_start3A_208] : memref<512x128xf32, #tpu.memory_space<vmem_shared>> -> memref<32x128xf32, #tpu.memory_space<vmem_shared>>
      tpu.enqueue_dma source(%arg26 : memref<32x128xf32, #tpu.memory_space<vmem>>) target(%dma_start3A_209 : memref<32x128xf32, #tpu.memory_space<vmem_shared>>) target_semaphore(%run_scoped3A_205 : memref<!tpu.dma_semaphore, #tpu.memory_space<semaphore_mem>>)
      %dma_wait3A_210 = arith.constant 0 : i32
      %dma_wait3A_211 = tpu.memref_slice %arg29[%mul3A_76, %dma_wait3A_210] : memref<512x128xf32, #tpu.memory_space<vmem_shared>> -> memref<32x128xf32, #tpu.memory_space<vmem_shared>>
      %dma_wait3A_212 = arith.constant 0 : i32
      %dma_wait3A_213 = tpu.memref_slice %arg29[%mul3A_76, %dma_wait3A_212] : memref<512x128xf32, #tpu.memory_space<vmem_shared>> -> memref<32x128xf32, #tpu.memory_space<vmem_shared>>
      tpu.wait_dma2 semaphore(%run_scoped3A_205 : memref<!tpu.dma_semaphore, #tpu.memory_space<semaphore_mem>>) src(%arg26 : memref<32x128xf32, #tpu.memory_space<vmem>>) dst(%dma_wait3A_213 : memref<32x128xf32, #tpu.memory_space<vmem_shared>>)
      tpu.yield
    }) : () -> ()
    %barrier3A = arith.constant 0 : index
    tpu.barrier barrier_id(%barrier3A)
    %lt3A = arith.constant 21 : i32
    %lt3A_77 = arith.cmpi slt, %add3A, %lt3A : i32
    %jit3A = arith.constant 1 : i32
    %jit3A_78 = arith.constant 0 : i32
    %select_n3A = arith.select %lt3A_77, %jit3A, %jit3A_78 : i32
    %add3A_79 = arith.constant 97 : i32
    %add3A_80 = arith.addi %add3A_79, %select_n3A : i32
    %lt3A_81 = arith.constant 21 : i32
    %lt3A_82 = arith.cmpi slt, %add3A, %lt3A_81 : i32
    %mul3A_83 = arith.constant 2 : i32
    %mul3A_84 = arith.muli %add3A, %mul3A_83 : i32
    %mul3A_85 = arith.constant 98 : i32
    %mul3A_86 = arith.muli %mul3A_84, %mul3A_85 : i32
    %sub3A = arith.constant 21 : i32
    %sub3A_87 = arith.subi %add3A, %sub3A : i32
    %mul3A_88 = arith.constant 2 : i32
    %mul3A_89 = arith.muli %sub3A_87, %mul3A_88 : i32
    %mul3A_90 = arith.constant 97 : i32
    %mul3A_91 = arith.muli %mul3A_89, %mul3A_90 : i32
    %add3A_92 = arith.constant 4116 : i32
    %add3A_93 = arith.addi %add3A_92, %mul3A_91 : i32
    %select_n3A_94 = arith.select %lt3A_82, %mul3A_86, %add3A_93 : i32
    %mul3A_95 = arith.constant 128 : i32
    %mul3A_96 = arith.muli %select_n3A_94, %mul3A_95 : i32
    %run_scoped3A = arith.constant 0 : i32
    "tpu.region"() ({
      %run_scoped3A_205 = tpu.sem_alloc : memref<!tpu.dma_semaphore, #tpu.memory_space<semaphore_mem>>
      %dma_start3A_206 = tpu.memref_slice %arg4[%run_scoped3A, %mul3A_96] : memref<2x800000xi32, #tpu.memory_space<hbm>> -> memref<1x128xi32, #tpu.memory_space<hbm>>
      %dma_start3A_207 = tpu.memref_squeeze %dma_start3A_206 : memref<1x128xi32, #tpu.memory_space<hbm>> -> memref<128xi32, #tpu.memory_space<hbm>>
      %dma_start3A_208 = tpu.memref_slice %arg4[%run_scoped3A, %mul3A_96] : memref<2x800000xi32, #tpu.memory_space<hbm>> -> memref<1x128xi32, #tpu.memory_space<hbm>>
      %dma_start3A_209 = tpu.memref_squeeze %dma_start3A_208 : memref<1x128xi32, #tpu.memory_space<hbm>> -> memref<128xi32, #tpu.memory_space<hbm>>
      tpu.enqueue_dma source(%dma_start3A_209 : memref<128xi32, #tpu.memory_space<hbm>>) target(%arg11 : memref<128xi32, #tpu.memory_space<vmem>>) target_semaphore(%run_scoped3A_205 : memref<!tpu.dma_semaphore, #tpu.memory_space<semaphore_mem>>)
      %dma_wait3A_210 = tpu.memref_slice %arg4[%run_scoped3A, %mul3A_96] : memref<2x800000xi32, #tpu.memory_space<hbm>> -> memref<1x128xi32, #tpu.memory_space<hbm>>
      %dma_wait3A_211 = tpu.memref_squeeze %dma_wait3A_210 : memref<1x128xi32, #tpu.memory_space<hbm>> -> memref<128xi32, #tpu.memory_space<hbm>>
      %dma_wait3A_212 = tpu.memref_slice %arg4[%run_scoped3A, %mul3A_96] : memref<2x800000xi32, #tpu.memory_space<hbm>> -> memref<1x128xi32, #tpu.memory_space<hbm>>
      %dma_wait3A_213 = tpu.memref_squeeze %dma_wait3A_212 : memref<1x128xi32, #tpu.memory_space<hbm>> -> memref<128xi32, #tpu.memory_space<hbm>>
      tpu.wait_dma2 semaphore(%run_scoped3A_205 : memref<!tpu.dma_semaphore, #tpu.memory_space<semaphore_mem>>) src(%dma_wait3A_213 : memref<128xi32, #tpu.memory_space<hbm>>) dst(%arg11 : memref<128xi32, #tpu.memory_space<vmem>>)
      tpu.yield
    }) : () -> ()
    %run_scoped3A_97 = arith.constant 1 : i32
    "tpu.region"() ({
      %run_scoped3A_205 = tpu.sem_alloc : memref<!tpu.dma_semaphore, #tpu.memory_space<semaphore_mem>>
      %dma_start3A_206 = tpu.memref_slice %arg4[%run_scoped3A_97, %mul3A_96] : memref<2x800000xi32, #tpu.memory_space<hbm>> -> memref<1x128xi32, #tpu.memory_space<hbm>>
      %dma_start3A_207 = tpu.memref_squeeze %dma_start3A_206 : memref<1x128xi32, #tpu.memory_space<hbm>> -> memref<128xi32, #tpu.memory_space<hbm>>
      %dma_start3A_208 = tpu.memref_slice %arg4[%run_scoped3A_97, %mul3A_96] : memref<2x800000xi32, #tpu.memory_space<hbm>> -> memref<1x128xi32, #tpu.memory_space<hbm>>
      %dma_start3A_209 = tpu.memref_squeeze %dma_start3A_208 : memref<1x128xi32, #tpu.memory_space<hbm>> -> memref<128xi32, #tpu.memory_space<hbm>>
      tpu.enqueue_dma source(%dma_start3A_209 : memref<128xi32, #tpu.memory_space<hbm>>) target(%arg12 : memref<128xi32, #tpu.memory_space<vmem>>) target_semaphore(%run_scoped3A_205 : memref<!tpu.dma_semaphore, #tpu.memory_space<semaphore_mem>>)
      %dma_wait3A_210 = tpu.memref_slice %arg4[%run_scoped3A_97, %mul3A_96] : memref<2x800000xi32, #tpu.memory_space<hbm>> -> memref<1x128xi32, #tpu.memory_space<hbm>>
      %dma_wait3A_211 = tpu.memref_squeeze %dma_wait3A_210 : memref<1x128xi32, #tpu.memory_space<hbm>> -> memref<128xi32, #tpu.memory_space<hbm>>
      %dma_wait3A_212 = tpu.memref_slice %arg4[%run_scoped3A_97, %mul3A_96] : memref<2x800000xi32, #tpu.memory_space<hbm>> -> memref<1x128xi32, #tpu.memory_space<hbm>>
      %dma_wait3A_213 = tpu.memref_squeeze %dma_wait3A_212 : memref<1x128xi32, #tpu.memory_space<hbm>> -> memref<128xi32, #tpu.memory_space<hbm>>
      tpu.wait_dma2 semaphore(%run_scoped3A_205 : memref<!tpu.dma_semaphore, #tpu.memory_space<semaphore_mem>>) src(%dma_wait3A_213 : memref<128xi32, #tpu.memory_space<hbm>>) dst(%arg12 : memref<128xi32, #tpu.memory_space<vmem>>)
      tpu.yield
    }) : () -> ()
    %add3A_98 = arith.constant 128 : i32
    %add3A_99 = arith.addi %mul3A_96, %add3A_98 : i32
    %dma_start3A = arith.constant 0 : i32
    %dma_start3A_100 = tpu.memref_slice %arg4[%dma_start3A, %add3A_99] : memref<2x800000xi32, #tpu.memory_space<hbm>> -> memref<1x128xi32, #tpu.memory_space<hbm>>
    %dma_start3A_101 = tpu.memref_squeeze %dma_start3A_100 : memref<1x128xi32, #tpu.memory_space<hbm>> -> memref<128xi32, #tpu.memory_space<hbm>>
    %dma_start3A_102 = tpu.memref_slice %arg4[%dma_start3A, %add3A_99] : memref<2x800000xi32, #tpu.memory_space<hbm>> -> memref<1x128xi32, #tpu.memory_space<hbm>>
    %dma_start3A_103 = tpu.memref_squeeze %dma_start3A_102 : memref<1x128xi32, #tpu.memory_space<hbm>> -> memref<128xi32, #tpu.memory_space<hbm>>
    tpu.enqueue_dma source(%dma_start3A_103 : memref<128xi32, #tpu.memory_space<hbm>>) target(%arg13 : memref<128xi32, #tpu.memory_space<vmem>>) target_semaphore(%arg31 : memref<!tpu.dma_semaphore, #tpu.memory_space<semaphore_mem>>)
    %add3A_104 = arith.constant 128 : i32
    %add3A_105 = arith.addi %mul3A_96, %add3A_104 : i32
    %dma_start3A_106 = arith.constant 1 : i32
    %dma_start3A_107 = tpu.memref_slice %arg4[%dma_start3A_106, %add3A_105] : memref<2x800000xi32, #tpu.memory_space<hbm>> -> memref<1x128xi32, #tpu.memory_space<hbm>>
    %dma_start3A_108 = tpu.memref_squeeze %dma_start3A_107 : memref<1x128xi32, #tpu.memory_space<hbm>> -> memref<128xi32, #tpu.memory_space<hbm>>
    %dma_start3A_109 = tpu.memref_slice %arg4[%dma_start3A_106, %add3A_105] : memref<2x800000xi32, #tpu.memory_space<hbm>> -> memref<1x128xi32, #tpu.memory_space<hbm>>
    %dma_start3A_110 = tpu.memref_squeeze %dma_start3A_109 : memref<1x128xi32, #tpu.memory_space<hbm>> -> memref<128xi32, #tpu.memory_space<hbm>>
    tpu.enqueue_dma source(%dma_start3A_110 : memref<128xi32, #tpu.memory_space<hbm>>) target(%arg14 : memref<128xi32, #tpu.memory_space<vmem>>) target_semaphore(%arg31 : memref<!tpu.dma_semaphore, #tpu.memory_space<semaphore_mem>>)
    %dma_start3A_111 = arith.constant 0 : i32
    %dma_start3A_112 = tpu.memref_slice %arg3[%mul3A_96, %dma_start3A_111] : memref<800000x128xf32, #tpu.memory_space<hbm>> -> memref<128x128xf32, #tpu.memory_space<hbm>>
    %dma_start3A_113 = arith.constant 0 : i32
    %dma_start3A_114 = tpu.memref_slice %arg3[%mul3A_96, %dma_start3A_113] : memref<800000x128xf32, #tpu.memory_space<hbm>> -> memref<128x128xf32, #tpu.memory_space<hbm>>
    tpu.enqueue_dma source(%dma_start3A_114 : memref<128x128xf32, #tpu.memory_space<hbm>>) target(%arg18 : memref<128x128xf32, #tpu.memory_space<vmem>>) target_semaphore(%arg32 : memref<!tpu.dma_semaphore, #tpu.memory_space<semaphore_mem>>)
    %dma_start3A_115 = arith.constant 0 : i32
    %dma_start3A_116 = arith.constant 0 : i32
    %dma_start3A_117 = tpu.memref_slice %arg2[%dma_start3A_115, %dma_start3A_116] : memref<50000x128xf32, #tpu.memory_space<hbm>> -> memref<50000x128xf32, #tpu.memory_space<hbm>>
    tpu.enqueue_indirect_dma source(%dma_start3A_117 : memref<50000x128xf32, #tpu.memory_space<hbm>>) target(%arg20 : memref<128x128xf32, #tpu.memory_space<vmem>>) offsets(%arg11 : memref<128xi32, #tpu.memory_space<vmem>>) semaphore(%arg34 : memref<!tpu.dma_semaphore, #tpu.memory_space<semaphore_mem>>)
    %broadcast_in_dim3A_118 = arith.constant 0.000000e+00 : f32
    %broadcast_in_dim3A_119 = vector.broadcast %broadcast_in_dim3A_118 : f32 to vector<16xf32>
    %broadcast_in_dim3A_120 = arith.constant 0.000000e+00 : f32
    %broadcast_in_dim3A_121 = vector.broadcast %broadcast_in_dim3A_120 : f32 to vector<16xf32>
    %broadcast_in_dim3A_122 = arith.constant 0.000000e+00 : f32
    %broadcast_in_dim3A_123 = vector.broadcast %broadcast_in_dim3A_122 : f32 to vector<16xf32>
    %broadcast_in_dim3A_124 = arith.constant 0.000000e+00 : f32
    %broadcast_in_dim3A_125 = vector.broadcast %broadcast_in_dim3A_124 : f32 to vector<16xf32>
    %broadcast_in_dim3A_126 = arith.constant 0.000000e+00 : f32
    %broadcast_in_dim3A_127 = vector.broadcast %broadcast_in_dim3A_126 : f32 to vector<16xf32>
    %broadcast_in_dim3A_128 = arith.constant 0.000000e+00 : f32
    %broadcast_in_dim3A_129 = vector.broadcast %broadcast_in_dim3A_128 : f32 to vector<16xf32>
    %broadcast_in_dim3A_130 = arith.constant 0.000000e+00 : f32
    %broadcast_in_dim3A_131 = vector.broadcast %broadcast_in_dim3A_130 : f32 to vector<16xf32>
    %broadcast_in_dim3A_132 = arith.constant 0.000000e+00 : f32
    %broadcast_in_dim3A_133 = vector.broadcast %broadcast_in_dim3A_132 : f32 to vector<16xf32>
    %while3A = arith.constant 0 : i32
    %while3A_134 = arith.subi %add3A_80, %while3A : i32
    %while3A_135 = arith.addi %while3A, %while3A_134 : i32
    %while3A_136 = arith.constant 1 : i32
    %while3A_137 = arith.divsi %while3A_134, %while3A_136 : i32
    %while3A_138 = arith.muli %while3A_137, %while3A_136 : i32
    %while3A_139 = arith.addi %while3A, %while3A_138 : i32
    %while3A_140 = arith.constant 1 : i32
    %while3A_141:8 = scf.for %while3A_205 = %while3A to %while3A_139 step %while3A_140 iter_args(%while3A_206 = %broadcast_in_dim3A_119, %while3A_207 = %broadcast_in_dim3A_121, %while3A_208 = %broadcast_in_dim3A_123, %while3A_209 = %broadcast_in_dim3A_125, %while3A_210 = %broadcast_in_dim3A_127, %while3A_211 = %broadcast_in_dim3A_129, %while3A_212 = %broadcast_in_dim3A_131, %while3A_213 = %broadcast_in_dim3A_133) -> (vector<16xf32>, vector<16xf32>, vector<16xf32>, vector<16xf32>, vector<16xf32>, vector<16xf32>, vector<16xf32>, vector<16xf32>)  : i32 {
      %mul3A_214 = arith.constant 2 : i32
      %mul3A_215 = arith.muli %mul3A_214, %while3A_205 : i32
      %add3A_216 = arith.addi %select_n3A_94, %mul3A_215 : i32
      %mul3A_217 = arith.constant 128 : i32
      %mul3A_218 = arith.muli %add3A_216, %mul3A_217 : i32
      %add3A_219 = arith.constant 128 : i32
      %add3A_220 = arith.addi %mul3A_218, %add3A_219 : i32
      %add3A_221 = arith.constant 256 : i32
      %add3A_222 = arith.addi %mul3A_218, %add3A_221 : i32
      %add3A_223 = arith.constant 384 : i32
      %add3A_224 = arith.addi %mul3A_218, %add3A_223 : i32
      %add3A_225 = arith.constant 1 : i32
      %add3A_226 = arith.addi %while3A_205, %add3A_225 : i32
      %lt3A_227 = arith.cmpi slt, %add3A_226, %add3A_80 : i32
      %dma_wait3A_228 = arith.constant 0 : i32
      %dma_wait3A_229 = tpu.memref_slice %arg4[%dma_wait3A_228, %add3A_220] : memref<2x800000xi32, #tpu.memory_space<hbm>> -> memref<1x128xi32, #tpu.memory_space<hbm>>
      %dma_wait3A_230 = tpu.memref_squeeze %dma_wait3A_229 : memref<1x128xi32, #tpu.memory_space<hbm>> -> memref<128xi32, #tpu.memory_space<hbm>>
      %dma_wait3A_231 = tpu.memref_slice %arg4[%dma_wait3A_228, %add3A_220] : memref<2x800000xi32, #tpu.memory_space<hbm>> -> memref<1x128xi32, #tpu.memory_space<hbm>>
      %dma_wait3A_232 = tpu.memref_squeeze %dma_wait3A_231 : memref<1x128xi32, #tpu.memory_space<hbm>> -> memref<128xi32, #tpu.memory_space<hbm>>
      tpu.wait_dma2 semaphore(%arg31 : memref<!tpu.dma_semaphore, #tpu.memory_space<semaphore_mem>>) src(%dma_wait3A_232 : memref<128xi32, #tpu.memory_space<hbm>>) dst(%arg13 : memref<128xi32, #tpu.memory_space<vmem>>)
      %dma_wait3A_233 = arith.constant 1 : i32
      %dma_wait3A_234 = tpu.memref_slice %arg4[%dma_wait3A_233, %add3A_220] : memref<2x800000xi32, #tpu.memory_space<hbm>> -> memref<1x128xi32, #tpu.memory_space<hbm>>
      %dma_wait3A_235 = tpu.memref_squeeze %dma_wait3A_234 : memref<1x128xi32, #tpu.memory_space<hbm>> -> memref<128xi32, #tpu.memory_space<hbm>>
      %dma_wait3A_236 = tpu.memref_slice %arg4[%dma_wait3A_233, %add3A_220] : memref<2x800000xi32, #tpu.memory_space<hbm>> -> memref<1x128xi32, #tpu.memory_space<hbm>>
      %dma_wait3A_237 = tpu.memref_squeeze %dma_wait3A_236 : memref<1x128xi32, #tpu.memory_space<hbm>> -> memref<128xi32, #tpu.memory_space<hbm>>
      tpu.wait_dma2 semaphore(%arg31 : memref<!tpu.dma_semaphore, #tpu.memory_space<semaphore_mem>>) src(%dma_wait3A_237 : memref<128xi32, #tpu.memory_space<hbm>>) dst(%arg14 : memref<128xi32, #tpu.memory_space<vmem>>)
      %dma_start3A_238 = arith.constant 0 : i32
      %dma_start3A_239 = tpu.memref_slice %arg3[%add3A_220, %dma_start3A_238] : memref<800000x128xf32, #tpu.memory_space<hbm>> -> memref<128x128xf32, #tpu.memory_space<hbm>>
      %dma_start3A_240 = arith.constant 0 : i32
      %dma_start3A_241 = tpu.memref_slice %arg3[%add3A_220, %dma_start3A_240] : memref<800000x128xf32, #tpu.memory_space<hbm>> -> memref<128x128xf32, #tpu.memory_space<hbm>>
      tpu.enqueue_dma source(%dma_start3A_241 : memref<128x128xf32, #tpu.memory_space<hbm>>) target(%arg19 : memref<128x128xf32, #tpu.memory_space<vmem>>) target_semaphore(%arg33 : memref<!tpu.dma_semaphore, #tpu.memory_space<semaphore_mem>>)
      %dma_start3A_242 = arith.constant 0 : i32
      %dma_start3A_243 = arith.constant 0 : i32
      %dma_start3A_244 = tpu.memref_slice %arg2[%dma_start3A_242, %dma_start3A_243] : memref<50000x128xf32, #tpu.memory_space<hbm>> -> memref<50000x128xf32, #tpu.memory_space<hbm>>
      tpu.enqueue_indirect_dma source(%dma_start3A_244 : memref<50000x128xf32, #tpu.memory_space<hbm>>) target(%arg21 : memref<128x128xf32, #tpu.memory_space<vmem>>) offsets(%arg13 : memref<128xi32, #tpu.memory_space<vmem>>) semaphore(%arg35 : memref<!tpu.dma_semaphore, #tpu.memory_space<semaphore_mem>>)
      %gt3A = arith.constant 0 : i32
      %gt3A_245 = arith.cmpi sgt, %while3A_205, %gt3A : i32
      %convert_element_type3A = arith.extui %gt3A_245 : i1 to i32
      %cond3A = arith.constant 0 : i32
      %cond3A_246 = arith.cmpi ne, %convert_element_type3A, %cond3A : i32
      scf.if %cond3A_246 {
        %dma_wait3A_332 = arith.constant 0 : i32
        %dma_wait3A_333 = arith.constant 0 : i32
        %dma_wait3A_334 = tpu.memref_slice %arg28[%dma_wait3A_332, %dma_wait3A_333] : memref<512x128xf32, #tpu.memory_space<vmem_shared>> -> memref<512x128xf32, #tpu.memory_space<vmem_shared>>
        tpu.wait_indirect_dma semaphore(%arg38 : memref<!tpu.dma_semaphore, #tpu.memory_space<semaphore_mem>>) src(%arg22 : memref<128x128xf32, #tpu.memory_space<vmem>>) dst(%dma_wait3A_334 : memref<512x128xf32, #tpu.memory_space<vmem_shared>>)
      } else {
      }
      %dma_start3A_247 = arith.constant 0 : i32
      %dma_start3A_248 = tpu.memref_slice %arg5[%dma_start3A_247] : memref<50000xi32, #tpu.memory_space<hbm>> -> memref<50000xi32, #tpu.memory_space<hbm>>
      tpu.enqueue_indirect_dma source(%dma_start3A_248 : memref<50000xi32, #tpu.memory_space<hbm>>) target(%arg15 : memref<128xi32, #tpu.memory_space<vmem>>) offsets(%arg12 : memref<128xi32, #tpu.memory_space<vmem>>) semaphore(%arg36 : memref<!tpu.dma_semaphore, #tpu.memory_space<semaphore_mem>>)
      %dma_wait3A_249 = arith.constant 0 : i32
      %dma_wait3A_250 = tpu.memref_slice %arg3[%mul3A_218, %dma_wait3A_249] : memref<800000x128xf32, #tpu.memory_space<hbm>> -> memref<128x128xf32, #tpu.memory_space<hbm>>
      %dma_wait3A_251 = arith.constant 0 : i32
      %dma_wait3A_252 = tpu.memref_slice %arg3[%mul3A_218, %dma_wait3A_251] : memref<800000x128xf32, #tpu.memory_space<hbm>> -> memref<128x128xf32, #tpu.memory_space<hbm>>
      tpu.wait_dma2 semaphore(%arg32 : memref<!tpu.dma_semaphore, #tpu.memory_space<semaphore_mem>>) src(%dma_wait3A_252 : memref<128x128xf32, #tpu.memory_space<hbm>>) dst(%arg18 : memref<128x128xf32, #tpu.memory_space<vmem>>)
      %dma_wait3A_253 = arith.constant 0 : i32
      %dma_wait3A_254 = arith.constant 0 : i32
      %dma_wait3A_255 = tpu.memref_slice %arg2[%dma_wait3A_253, %dma_wait3A_254] : memref<50000x128xf32, #tpu.memory_space<hbm>> -> memref<50000x128xf32, #tpu.memory_space<hbm>>
      tpu.wait_indirect_dma semaphore(%arg34 : memref<!tpu.dma_semaphore, #tpu.memory_space<semaphore_mem>>) src(%dma_wait3A_255 : memref<50000x128xf32, #tpu.memory_space<hbm>>) dst(%arg20 : memref<128x128xf32, #tpu.memory_space<vmem>>)
      %dma_wait3A_256 = arith.constant 0 : i32
      %dma_wait3A_257 = tpu.memref_slice %arg5[%dma_wait3A_256] : memref<50000xi32, #tpu.memory_space<hbm>> -> memref<50000xi32, #tpu.memory_space<hbm>>
      tpu.wait_indirect_dma semaphore(%arg36 : memref<!tpu.dma_semaphore, #tpu.memory_space<semaphore_mem>>) src(%dma_wait3A_257 : memref<50000xi32, #tpu.memory_space<hbm>>) dst(%arg15 : memref<128xi32, #tpu.memory_space<vmem>>)
      %convert_element_type3A_258 = arith.extui %lt3A_227 : i1 to i32
      %cond3A_259 = arith.constant 0 : i32
      %cond3A_260 = arith.cmpi ne, %convert_element_type3A_258, %cond3A_259 : i32
      scf.if %cond3A_260 {
        %dma_start3A_332 = arith.constant 0 : i32
        %dma_start3A_333 = tpu.memref_slice %arg4[%dma_start3A_332, %add3A_222] : memref<2x800000xi32, #tpu.memory_space<hbm>> -> memref<1x128xi32, #tpu.memory_space<hbm>>
        %dma_start3A_334 = tpu.memref_squeeze %dma_start3A_333 : memref<1x128xi32, #tpu.memory_space<hbm>> -> memref<128xi32, #tpu.memory_space<hbm>>
        %dma_start3A_335 = tpu.memref_slice %arg4[%dma_start3A_332, %add3A_222] : memref<2x800000xi32, #tpu.memory_space<hbm>> -> memref<1x128xi32, #tpu.memory_space<hbm>>
        %dma_start3A_336 = tpu.memref_squeeze %dma_start3A_335 : memref<1x128xi32, #tpu.memory_space<hbm>> -> memref<128xi32, #tpu.memory_space<hbm>>
        tpu.enqueue_dma source(%dma_start3A_336 : memref<128xi32, #tpu.memory_space<hbm>>) target(%arg11 : memref<128xi32, #tpu.memory_space<vmem>>) target_semaphore(%arg30 : memref<!tpu.dma_semaphore, #tpu.memory_space<semaphore_mem>>)
        %dma_start3A_337 = arith.constant 1 : i32
        %dma_start3A_338 = tpu.memref_slice %arg4[%dma_start3A_337, %add3A_222] : memref<2x800000xi32, #tpu.memory_space<hbm>> -> memref<1x128xi32, #tpu.memory_space<hbm>>
        %dma_start3A_339 = tpu.memref_squeeze %dma_start3A_338 : memref<1x128xi32, #tpu.memory_space<hbm>> -> memref<128xi32, #tpu.memory_space<hbm>>
        %dma_start3A_340 = tpu.memref_slice %arg4[%dma_start3A_337, %add3A_222] : memref<2x800000xi32, #tpu.memory_space<hbm>> -> memref<1x128xi32, #tpu.memory_space<hbm>>
        %dma_start3A_341 = tpu.memref_squeeze %dma_start3A_340 : memref<1x128xi32, #tpu.memory_space<hbm>> -> memref<128xi32, #tpu.memory_space<hbm>>
        tpu.enqueue_dma source(%dma_start3A_341 : memref<128xi32, #tpu.memory_space<hbm>>) target(%arg12 : memref<128xi32, #tpu.memory_space<vmem>>) target_semaphore(%arg30 : memref<!tpu.dma_semaphore, #tpu.memory_space<semaphore_mem>>)
      } else {
      }
      %scan3A_261 = arith.constant 0 : i32
      %scan3A_262 = arith.constant 64 : i32
      %scan3A_263 = arith.addi %scan3A_261, %scan3A_262 : i32
      %scan3A_264 = arith.constant 1 : i32
      %scan3A_265:8 = scf.for %scan3A_332 = %scan3A_261 to %scan3A_263 step %scan3A_264 iter_args(%scan3A_333 = %while3A_206, %scan3A_334 = %while3A_207, %scan3A_335 = %while3A_208, %scan3A_336 = %while3A_209, %scan3A_337 = %while3A_210, %scan3A_338 = %while3A_211, %scan3A_339 = %while3A_212, %scan3A_340 = %while3A_213) -> (vector<16xf32>, vector<16xf32>, vector<16xf32>, vector<16xf32>, vector<16xf32>, vector<16xf32>, vector<16xf32>, vector<16xf32>)  : i32 {
        %mul3A_341 = arith.constant 2 : i32
        %mul3A_342 = arith.muli %mul3A_341, %scan3A_332 : i32
        %add3A_343 = arith.constant 0 : i32
        %add3A_344 = arith.addi %mul3A_342, %add3A_343 : i32
        %get3A_345 = arith.index_cast %add3A_344 : i32 to index
        %get3A_346 = arith.constant 0 : index
        %get3A_347 = tpu.vector_load %arg18[%get3A_345, %get3A_346] {strides = array<i32>} : memref<128x128xf32, #tpu.memory_space<vmem>>, vector<16xf32>,
        %get3A_348 = arith.index_cast %add3A_344 : i32 to index
        %get3A_349 = arith.constant 0 : index
        %get3A_350 = tpu.vector_load %arg20[%get3A_348, %get3A_349] {strides = array<i32>} : memref<128x128xf32, #tpu.memory_space<vmem>>, vector<16xf32>,
        %add3A_351 = arith.addf %get3A_347, %get3A_350 : vector<16xf32>
        %mul3A_352 = arith.constant 0.00999999977 : f32
        %mul3A_353 = vector.broadcast %mul3A_352 : f32 to vector<16xf32>
        %mul3A_354 = arith.mulf %mul3A_353, %add3A_351 : vector<16xf32>
        %max3A = arith.maximumf %add3A_351, %mul3A_354 : vector<16xf32>
        %swap3A_355 = arith.index_cast %add3A_344 : i32 to index
        %swap3A_356 = arith.constant 0 : index
        %swap3A_357 = tpu.vector_load %arg22[%swap3A_355, %swap3A_356] {strides = array<i32>} : memref<128x128xf32, #tpu.memory_space<vmem>>, vector<16xf32>,
        tpu.vector_store %arg22[%swap3A_355, %swap3A_356], %max3A {strides = array<i32>} : memref<128x128xf32, #tpu.memory_space<vmem>>, vector<16xf32>,
        %mul3A_358 = arith.mulf %max3A, %max3A : vector<16xf32>
        %add3A_359 = arith.addf %scan3A_333, %mul3A_358 : vector<16xf32>
        %get3A_360 = arith.index_cast %add3A_344 : i32 to index
        %get3A_361 = arith.constant 16 : index
        %get3A_362 = tpu.vector_load %arg18[%get3A_360, %get3A_361] {strides = array<i32>} : memref<128x128xf32, #tpu.memory_space<vmem>>, vector<16xf32>,
        %get3A_363 = arith.index_cast %add3A_344 : i32 to index
        %get3A_364 = arith.constant 16 : index
        %get3A_365 = tpu.vector_load %arg20[%get3A_363, %get3A_364] {strides = array<i32>} : memref<128x128xf32, #tpu.memory_space<vmem>>, vector<16xf32>,
        %add3A_366 = arith.addf %get3A_362, %get3A_365 : vector<16xf32>
        %mul3A_367 = arith.constant 0.00999999977 : f32
        %mul3A_368 = vector.broadcast %mul3A_367 : f32 to vector<16xf32>
        %mul3A_369 = arith.mulf %mul3A_368, %add3A_366 : vector<16xf32>
        %max3A_370 = arith.maximumf %add3A_366, %mul3A_369 : vector<16xf32>
        %swap3A_371 = arith.index_cast %add3A_344 : i32 to index
        %swap3A_372 = arith.constant 16 : index
        %swap3A_373 = tpu.vector_load %arg22[%swap3A_371, %swap3A_372] {strides = array<i32>} : memref<128x128xf32, #tpu.memory_space<vmem>>, vector<16xf32>,
        tpu.vector_store %arg22[%swap3A_371, %swap3A_372], %max3A_370 {strides = array<i32>} : memref<128x128xf32, #tpu.memory_space<vmem>>, vector<16xf32>,
        %mul3A_374 = arith.mulf %max3A_370, %max3A_370 : vector<16xf32>
        %add3A_375 = arith.addf %scan3A_334, %mul3A_374 : vector<16xf32>
        %get3A_376 = arith.index_cast %add3A_344 : i32 to index
        %get3A_377 = arith.constant 32 : index
        %get3A_378 = tpu.vector_load %arg18[%get3A_376, %get3A_377] {strides = array<i32>} : memref<128x128xf32, #tpu.memory_space<vmem>>, vector<16xf32>,
        %get3A_379 = arith.index_cast %add3A_344 : i32 to index
        %get3A_380 = arith.constant 32 : index
        %get3A_381 = tpu.vector_load %arg20[%get3A_379, %get3A_380] {strides = array<i32>} : memref<128x128xf32, #tpu.memory_space<vmem>>, vector<16xf32>,
        %add3A_382 = arith.addf %get3A_378, %get3A_381 : vector<16xf32>
        %mul3A_383 = arith.constant 0.00999999977 : f32
        %mul3A_384 = vector.broadcast %mul3A_383 : f32 to vector<16xf32>
        %mul3A_385 = arith.mulf %mul3A_384, %add3A_382 : vector<16xf32>
        %max3A_386 = arith.maximumf %add3A_382, %mul3A_385 : vector<16xf32>
        %swap3A_387 = arith.index_cast %add3A_344 : i32 to index
        %swap3A_388 = arith.constant 32 : index
        %swap3A_389 = tpu.vector_load %arg22[%swap3A_387, %swap3A_388] {strides = array<i32>} : memref<128x128xf32, #tpu.memory_space<vmem>>, vector<16xf32>,
        tpu.vector_store %arg22[%swap3A_387, %swap3A_388], %max3A_386 {strides = array<i32>} : memref<128x128xf32, #tpu.memory_space<vmem>>, vector<16xf32>,
        %mul3A_390 = arith.mulf %max3A_386, %max3A_386 : vector<16xf32>
        %add3A_391 = arith.addf %scan3A_335, %mul3A_390 : vector<16xf32>
        %get3A_392 = arith.index_cast %add3A_344 : i32 to index
        %get3A_393 = arith.constant 48 : index
        %get3A_394 = tpu.vector_load %arg18[%get3A_392, %get3A_393] {strides = array<i32>} : memref<128x128xf32, #tpu.memory_space<vmem>>, vector<16xf32>,
        %get3A_395 = arith.index_cast %add3A_344 : i32 to index
        %get3A_396 = arith.constant 48 : index
        %get3A_397 = tpu.vector_load %arg20[%get3A_395, %get3A_396] {strides = array<i32>} : memref<128x128xf32, #tpu.memory_space<vmem>>, vector<16xf32>,
        %add3A_398 = arith.addf %get3A_394, %get3A_397 : vector<16xf32>
        %mul3A_399 = arith.constant 0.00999999977 : f32
        %mul3A_400 = vector.broadcast %mul3A_399 : f32 to vector<16xf32>
        %mul3A_401 = arith.mulf %mul3A_400, %add3A_398 : vector<16xf32>
        %max3A_402 = arith.maximumf %add3A_398, %mul3A_401 : vector<16xf32>
        %swap3A_403 = arith.index_cast %add3A_344 : i32 to index
        %swap3A_404 = arith.constant 48 : index
        %swap3A_405 = tpu.vector_load %arg22[%swap3A_403, %swap3A_404] {strides = array<i32>} : memref<128x128xf32, #tpu.memory_space<vmem>>, vector<16xf32>,
        tpu.vector_store %arg22[%swap3A_403, %swap3A_404], %max3A_402 {strides = array<i32>} : memref<128x128xf32, #tpu.memory_space<vmem>>, vector<16xf32>,
        %mul3A_406 = arith.mulf %max3A_402, %max3A_402 : vector<16xf32>
        %add3A_407 = arith.addf %scan3A_336, %mul3A_406 : vector<16xf32>
        %get3A_408 = arith.index_cast %add3A_344 : i32 to index
        %get3A_409 = arith.constant 64 : index
        %get3A_410 = tpu.vector_load %arg18[%get3A_408, %get3A_409] {strides = array<i32>} : memref<128x128xf32, #tpu.memory_space<vmem>>, vector<16xf32>,
        %get3A_411 = arith.index_cast %add3A_344 : i32 to index
        %get3A_412 = arith.constant 64 : index
        %get3A_413 = tpu.vector_load %arg20[%get3A_411, %get3A_412] {strides = array<i32>} : memref<128x128xf32, #tpu.memory_space<vmem>>, vector<16xf32>,
        %add3A_414 = arith.addf %get3A_410, %get3A_413 : vector<16xf32>
        %mul3A_415 = arith.constant 0.00999999977 : f32
        %mul3A_416 = vector.broadcast %mul3A_415 : f32 to vector<16xf32>
        %mul3A_417 = arith.mulf %mul3A_416, %add3A_414 : vector<16xf32>
        %max3A_418 = arith.maximumf %add3A_414, %mul3A_417 : vector<16xf32>
        %swap3A_419 = arith.index_cast %add3A_344 : i32 to index
        %swap3A_420 = arith.constant 64 : index
        %swap3A_421 = tpu.vector_load %arg22[%swap3A_419, %swap3A_420] {strides = array<i32>} : memref<128x128xf32, #tpu.memory_space<vmem>>, vector<16xf32>,
        tpu.vector_store %arg22[%swap3A_419, %swap3A_420], %max3A_418 {strides = array<i32>} : memref<128x128xf32, #tpu.memory_space<vmem>>, vector<16xf32>,
        %mul3A_422 = arith.mulf %max3A_418, %max3A_418 : vector<16xf32>
        %add3A_423 = arith.addf %scan3A_337, %mul3A_422 : vector<16xf32>
        %get3A_424 = arith.index_cast %add3A_344 : i32 to index
        %get3A_425 = arith.constant 80 : index
        %get3A_426 = tpu.vector_load %arg18[%get3A_424, %get3A_425] {strides = array<i32>} : memref<128x128xf32, #tpu.memory_space<vmem>>, vector<16xf32>,
        %get3A_427 = arith.index_cast %add3A_344 : i32 to index
        %get3A_428 = arith.constant 80 : index
        %get3A_429 = tpu.vector_load %arg20[%get3A_427, %get3A_428] {strides = array<i32>} : memref<128x128xf32, #tpu.memory_space<vmem>>, vector<16xf32>,
        %add3A_430 = arith.addf %get3A_426, %get3A_429 : vector<16xf32>
        %mul3A_431 = arith.constant 0.00999999977 : f32
        %mul3A_432 = vector.broadcast %mul3A_431 : f32 to vector<16xf32>
        %mul3A_433 = arith.mulf %mul3A_432, %add3A_430 : vector<16xf32>
        %max3A_434 = arith.maximumf %add3A_430, %mul3A_433 : vector<16xf32>
        %swap3A_435 = arith.index_cast %add3A_344 : i32 to index
        %swap3A_436 = arith.constant 80 : index
        %swap3A_437 = tpu.vector_load %arg22[%swap3A_435, %swap3A_436] {strides = array<i32>} : memref<128x128xf32, #tpu.memory_space<vmem>>, vector<16xf32>,
        tpu.vector_store %arg22[%swap3A_435, %swap3A_436], %max3A_434 {strides = array<i32>} : memref<128x128xf32, #tpu.memory_space<vmem>>, vector<16xf32>,
        %mul3A_438 = arith.mulf %max3A_434, %max3A_434 : vector<16xf32>
        %add3A_439 = arith.addf %scan3A_338, %mul3A_438 : vector<16xf32>
        %get3A_440 = arith.index_cast %add3A_344 : i32 to index
        %get3A_441 = arith.constant 96 : index
        %get3A_442 = tpu.vector_load %arg18[%get3A_440, %get3A_441] {strides = array<i32>} : memref<128x128xf32, #tpu.memory_space<vmem>>, vector<16xf32>,
        %get3A_443 = arith.index_cast %add3A_344 : i32 to index
        %get3A_444 = arith.constant 96 : index
        %get3A_445 = tpu.vector_load %arg20[%get3A_443, %get3A_444] {strides = array<i32>} : memref<128x128xf32, #tpu.memory_space<vmem>>, vector<16xf32>,
        %add3A_446 = arith.addf %get3A_442, %get3A_445 : vector<16xf32>
        %mul3A_447 = arith.constant 0.00999999977 : f32
        %mul3A_448 = vector.broadcast %mul3A_447 : f32 to vector<16xf32>
        %mul3A_449 = arith.mulf %mul3A_448, %add3A_446 : vector<16xf32>
        %max3A_450 = arith.maximumf %add3A_446, %mul3A_449 : vector<16xf32>
        %swap3A_451 = arith.index_cast %add3A_344 : i32 to index
        %swap3A_452 = arith.constant 96 : index
        %swap3A_453 = tpu.vector_load %arg22[%swap3A_451, %swap3A_452] {strides = array<i32>} : memref<128x128xf32, #tpu.memory_space<vmem>>, vector<16xf32>,
        tpu.vector_store %arg22[%swap3A_451, %swap3A_452], %max3A_450 {strides = array<i32>} : memref<128x128xf32, #tpu.memory_space<vmem>>, vector<16xf32>,
        %mul3A_454 = arith.mulf %max3A_450, %max3A_450 : vector<16xf32>
        %add3A_455 = arith.addf %scan3A_339, %mul3A_454 : vector<16xf32>
        %get3A_456 = arith.index_cast %add3A_344 : i32 to index
        %get3A_457 = arith.constant 112 : index
        %get3A_458 = tpu.vector_load %arg18[%get3A_456, %get3A_457] {strides = array<i32>} : memref<128x128xf32, #tpu.memory_space<vmem>>, vector<16xf32>,
        %get3A_459 = arith.index_cast %add3A_344 : i32 to index
        %get3A_460 = arith.constant 112 : index
        %get3A_461 = tpu.vector_load %arg20[%get3A_459, %get3A_460] {strides = array<i32>} : memref<128x128xf32, #tpu.memory_space<vmem>>, vector<16xf32>,
        %add3A_462 = arith.addf %get3A_458, %get3A_461 : vector<16xf32>
        %mul3A_463 = arith.constant 0.00999999977 : f32
        %mul3A_464 = vector.broadcast %mul3A_463 : f32 to vector<16xf32>
        %mul3A_465 = arith.mulf %mul3A_464, %add3A_462 : vector<16xf32>
        %max3A_466 = arith.maximumf %add3A_462, %mul3A_465 : vector<16xf32>
        %swap3A_467 = arith.index_cast %add3A_344 : i32 to index
        %swap3A_468 = arith.constant 112 : index
        %swap3A_469 = tpu.vector_load %arg22[%swap3A_467, %swap3A_468] {strides = array<i32>} : memref<128x128xf32, #tpu.memory_space<vmem>>, vector<16xf32>,
        tpu.vector_store %arg22[%swap3A_467, %swap3A_468], %max3A_466 {strides = array<i32>} : memref<128x128xf32, #tpu.memory_space<vmem>>, vector<16xf32>,
        %mul3A_470 = arith.mulf %max3A_466, %max3A_466 : vector<16xf32>
        %add3A_471 = arith.addf %scan3A_340, %mul3A_470 : vector<16xf32>
        %mul3A_472 = arith.constant 2 : i32
        %mul3A_473 = arith.muli %mul3A_472, %scan3A_332 : i32
        %add3A_474 = arith.constant 1 : i32
        %add3A_475 = arith.addi %mul3A_473, %add3A_474 : i32
        %get3A_476 = arith.index_cast %add3A_475 : i32 to index
        %get3A_477 = arith.constant 0 : index
        %get3A_478 = tpu.vector_load %arg18[%get3A_476, %get3A_477] {strides = array<i32>} : memref<128x128xf32, #tpu.memory_space<vmem>>, vector<16xf32>,
        %get3A_479 = arith.index_cast %add3A_475 : i32 to index
        %get3A_480 = arith.constant 0 : index
        %get3A_481 = tpu.vector_load %arg20[%get3A_479, %get3A_480] {strides = array<i32>} : memref<128x128xf32, #tpu.memory_space<vmem>>, vector<16xf32>,
        %add3A_482 = arith.addf %get3A_478, %get3A_481 : vector<16xf32>
        %mul3A_483 = arith.constant 0.00999999977 : f32
        %mul3A_484 = vector.broadcast %mul3A_483 : f32 to vector<16xf32>
        %mul3A_485 = arith.mulf %mul3A_484, %add3A_482 : vector<16xf32>
        %max3A_486 = arith.maximumf %add3A_482, %mul3A_485 : vector<16xf32>
        %swap3A_487 = arith.index_cast %add3A_475 : i32 to index
        %swap3A_488 = arith.constant 0 : index
        %swap3A_489 = tpu.vector_load %arg22[%swap3A_487, %swap3A_488] {strides = array<i32>} : memref<128x128xf32, #tpu.memory_space<vmem>>, vector<16xf32>,
        tpu.vector_store %arg22[%swap3A_487, %swap3A_488], %max3A_486 {strides = array<i32>} : memref<128x128xf32, #tpu.memory_space<vmem>>, vector<16xf32>,
        %mul3A_490 = arith.mulf %max3A_486, %max3A_486 : vector<16xf32>
        %add3A_491 = arith.addf %add3A_359, %mul3A_490 : vector<16xf32>
        %get3A_492 = arith.index_cast %add3A_475 : i32 to index
        %get3A_493 = arith.constant 16 : index
        %get3A_494 = tpu.vector_load %arg18[%get3A_492, %get3A_493] {strides = array<i32>} : memref<128x128xf32, #tpu.memory_space<vmem>>, vector<16xf32>,
        %get3A_495 = arith.index_cast %add3A_475 : i32 to index
        %get3A_496 = arith.constant 16 : index
        %get3A_497 = tpu.vector_load %arg20[%get3A_495, %get3A_496] {strides = array<i32>} : memref<128x128xf32, #tpu.memory_space<vmem>>, vector<16xf32>,
        %add3A_498 = arith.addf %get3A_494, %get3A_497 : vector<16xf32>
        %mul3A_499 = arith.constant 0.00999999977 : f32
        %mul3A_500 = vector.broadcast %mul3A_499 : f32 to vector<16xf32>
        %mul3A_501 = arith.mulf %mul3A_500, %add3A_498 : vector<16xf32>
        %max3A_502 = arith.maximumf %add3A_498, %mul3A_501 : vector<16xf32>
        %swap3A_503 = arith.index_cast %add3A_475 : i32 to index
        %swap3A_504 = arith.constant 16 : index
        %swap3A_505 = tpu.vector_load %arg22[%swap3A_503, %swap3A_504] {strides = array<i32>} : memref<128x128xf32, #tpu.memory_space<vmem>>, vector<16xf32>,
        tpu.vector_store %arg22[%swap3A_503, %swap3A_504], %max3A_502 {strides = array<i32>} : memref<128x128xf32, #tpu.memory_space<vmem>>, vector<16xf32>,
        %mul3A_506 = arith.mulf %max3A_502, %max3A_502 : vector<16xf32>
        %add3A_507 = arith.addf %add3A_375, %mul3A_506 : vector<16xf32>
        %get3A_508 = arith.index_cast %add3A_475 : i32 to index
        %get3A_509 = arith.constant 32 : index
        %get3A_510 = tpu.vector_load %arg18[%get3A_508, %get3A_509] {strides = array<i32>} : memref<128x128xf32, #tpu.memory_space<vmem>>, vector<16xf32>,
        %get3A_511 = arith.index_cast %add3A_475 : i32 to index
        %get3A_512 = arith.constant 32 : index
        %get3A_513 = tpu.vector_load %arg20[%get3A_511, %get3A_512] {strides = array<i32>} : memref<128x128xf32, #tpu.memory_space<vmem>>, vector<16xf32>,
        %add3A_514 = arith.addf %get3A_510, %get3A_513 : vector<16xf32>
        %mul3A_515 = arith.constant 0.00999999977 : f32
        %mul3A_516 = vector.broadcast %mul3A_515 : f32 to vector<16xf32>
        %mul3A_517 = arith.mulf %mul3A_516, %add3A_514 : vector<16xf32>
        %max3A_518 = arith.maximumf %add3A_514, %mul3A_517 : vector<16xf32>
        %swap3A_519 = arith.index_cast %add3A_475 : i32 to index
        %swap3A_520 = arith.constant 32 : index
        %swap3A_521 = tpu.vector_load %arg22[%swap3A_519, %swap3A_520] {strides = array<i32>} : memref<128x128xf32, #tpu.memory_space<vmem>>, vector<16xf32>,
        tpu.vector_store %arg22[%swap3A_519, %swap3A_520], %max3A_518 {strides = array<i32>} : memref<128x128xf32, #tpu.memory_space<vmem>>, vector<16xf32>,
        %mul3A_522 = arith.mulf %max3A_518, %max3A_518 : vector<16xf32>
        %add3A_523 = arith.addf %add3A_391, %mul3A_522 : vector<16xf32>
        %get3A_524 = arith.index_cast %add3A_475 : i32 to index
        %get3A_525 = arith.constant 48 : index
        %get3A_526 = tpu.vector_load %arg18[%get3A_524, %get3A_525] {strides = array<i32>} : memref<128x128xf32, #tpu.memory_space<vmem>>, vector<16xf32>,
        %get3A_527 = arith.index_cast %add3A_475 : i32 to index
        %get3A_528 = arith.constant 48 : index
        %get3A_529 = tpu.vector_load %arg20[%get3A_527, %get3A_528] {strides = array<i32>} : memref<128x128xf32, #tpu.memory_space<vmem>>, vector<16xf32>,
        %add3A_530 = arith.addf %get3A_526, %get3A_529 : vector<16xf32>
        %mul3A_531 = arith.constant 0.00999999977 : f32
        %mul3A_532 = vector.broadcast %mul3A_531 : f32 to vector<16xf32>
        %mul3A_533 = arith.mulf %mul3A_532, %add3A_530 : vector<16xf32>
        %max3A_534 = arith.maximumf %add3A_530, %mul3A_533 : vector<16xf32>
        %swap3A_535 = arith.index_cast %add3A_475 : i32 to index
        %swap3A_536 = arith.constant 48 : index
        %swap3A_537 = tpu.vector_load %arg22[%swap3A_535, %swap3A_536] {strides = array<i32>} : memref<128x128xf32, #tpu.memory_space<vmem>>, vector<16xf32>,
        tpu.vector_store %arg22[%swap3A_535, %swap3A_536], %max3A_534 {strides = array<i32>} : memref<128x128xf32, #tpu.memory_space<vmem>>, vector<16xf32>,
        %mul3A_538 = arith.mulf %max3A_534, %max3A_534 : vector<16xf32>
        %add3A_539 = arith.addf %add3A_407, %mul3A_538 : vector<16xf32>
        %get3A_540 = arith.index_cast %add3A_475 : i32 to index
        %get3A_541 = arith.constant 64 : index
        %get3A_542 = tpu.vector_load %arg18[%get3A_540, %get3A_541] {strides = array<i32>} : memref<128x128xf32, #tpu.memory_space<vmem>>, vector<16xf32>,
        %get3A_543 = arith.index_cast %add3A_475 : i32 to index
        %get3A_544 = arith.constant 64 : index
        %get3A_545 = tpu.vector_load %arg20[%get3A_543, %get3A_544] {strides = array<i32>} : memref<128x128xf32, #tpu.memory_space<vmem>>, vector<16xf32>,
        %add3A_546 = arith.addf %get3A_542, %get3A_545 : vector<16xf32>
        %mul3A_547 = arith.constant 0.00999999977 : f32
        %mul3A_548 = vector.broadcast %mul3A_547 : f32 to vector<16xf32>
        %mul3A_549 = arith.mulf %mul3A_548, %add3A_546 : vector<16xf32>
        %max3A_550 = arith.maximumf %add3A_546, %mul3A_549 : vector<16xf32>
        %swap3A_551 = arith.index_cast %add3A_475 : i32 to index
        %swap3A_552 = arith.constant 64 : index
        %swap3A_553 = tpu.vector_load %arg22[%swap3A_551, %swap3A_552] {strides = array<i32>} : memref<128x128xf32, #tpu.memory_space<vmem>>, vector<16xf32>,
        tpu.vector_store %arg22[%swap3A_551, %swap3A_552], %max3A_550 {strides = array<i32>} : memref<128x128xf32, #tpu.memory_space<vmem>>, vector<16xf32>,
        %mul3A_554 = arith.mulf %max3A_550, %max3A_550 : vector<16xf32>
        %add3A_555 = arith.addf %add3A_423, %mul3A_554 : vector<16xf32>
        %get3A_556 = arith.index_cast %add3A_475 : i32 to index
        %get3A_557 = arith.constant 80 : index
        %get3A_558 = tpu.vector_load %arg18[%get3A_556, %get3A_557] {strides = array<i32>} : memref<128x128xf32, #tpu.memory_space<vmem>>, vector<16xf32>,
        %get3A_559 = arith.index_cast %add3A_475 : i32 to index
        %get3A_560 = arith.constant 80 : index
        %get3A_561 = tpu.vector_load %arg20[%get3A_559, %get3A_560] {strides = array<i32>} : memref<128x128xf32, #tpu.memory_space<vmem>>, vector<16xf32>,
        %add3A_562 = arith.addf %get3A_558, %get3A_561 : vector<16xf32>
        %mul3A_563 = arith.constant 0.00999999977 : f32
        %mul3A_564 = vector.broadcast %mul3A_563 : f32 to vector<16xf32>
        %mul3A_565 = arith.mulf %mul3A_564, %add3A_562 : vector<16xf32>
        %max3A_566 = arith.maximumf %add3A_562, %mul3A_565 : vector<16xf32>
        %swap3A_567 = arith.index_cast %add3A_475 : i32 to index
        %swap3A_568 = arith.constant 80 : index
        %swap3A_569 = tpu.vector_load %arg22[%swap3A_567, %swap3A_568] {strides = array<i32>} : memref<128x128xf32, #tpu.memory_space<vmem>>, vector<16xf32>,
        tpu.vector_store %arg22[%swap3A_567, %swap3A_568], %max3A_566 {strides = array<i32>} : memref<128x128xf32, #tpu.memory_space<vmem>>, vector<16xf32>,
        %mul3A_570 = arith.mulf %max3A_566, %max3A_566 : vector<16xf32>
        %add3A_571 = arith.addf %add3A_439, %mul3A_570 : vector<16xf32>
        %get3A_572 = arith.index_cast %add3A_475 : i32 to index
        %get3A_573 = arith.constant 96 : index
        %get3A_574 = tpu.vector_load %arg18[%get3A_572, %get3A_573] {strides = array<i32>} : memref<128x128xf32, #tpu.memory_space<vmem>>, vector<16xf32>,
        %get3A_575 = arith.index_cast %add3A_475 : i32 to index
        %get3A_576 = arith.constant 96 : index
        %get3A_577 = tpu.vector_load %arg20[%get3A_575, %get3A_576] {strides = array<i32>} : memref<128x128xf32, #tpu.memory_space<vmem>>, vector<16xf32>,
        %add3A_578 = arith.addf %get3A_574, %get3A_577 : vector<16xf32>
        %mul3A_579 = arith.constant 0.00999999977 : f32
        %mul3A_580 = vector.broadcast %mul3A_579 : f32 to vector<16xf32>
        %mul3A_581 = arith.mulf %mul3A_580, %add3A_578 : vector<16xf32>
        %max3A_582 = arith.maximumf %add3A_578, %mul3A_581 : vector<16xf32>
        %swap3A_583 = arith.index_cast %add3A_475 : i32 to index
        %swap3A_584 = arith.constant 96 : index
        %swap3A_585 = tpu.vector_load %arg22[%swap3A_583, %swap3A_584] {strides = array<i32>} : memref<128x128xf32, #tpu.memory_space<vmem>>, vector<16xf32>,
        tpu.vector_store %arg22[%swap3A_583, %swap3A_584], %max3A_582 {strides = array<i32>} : memref<128x128xf32, #tpu.memory_space<vmem>>, vector<16xf32>,
        %mul3A_586 = arith.mulf %max3A_582, %max3A_582 : vector<16xf32>
        %add3A_587 = arith.addf %add3A_455, %mul3A_586 : vector<16xf32>
        %get3A_588 = arith.index_cast %add3A_475 : i32 to index
        %get3A_589 = arith.constant 112 : index
        %get3A_590 = tpu.vector_load %arg18[%get3A_588, %get3A_589] {strides = array<i32>} : memref<128x128xf32, #tpu.memory_space<vmem>>, vector<16xf32>,
        %get3A_591 = arith.index_cast %add3A_475 : i32 to index
        %get3A_592 = arith.constant 112 : index
        %get3A_593 = tpu.vector_load %arg20[%get3A_591, %get3A_592] {strides = array<i32>} : memref<128x128xf32, #tpu.memory_space<vmem>>, vector<16xf32>,
        %add3A_594 = arith.addf %get3A_590, %get3A_593 : vector<16xf32>
        %mul3A_595 = arith.constant 0.00999999977 : f32
        %mul3A_596 = vector.broadcast %mul3A_595 : f32 to vector<16xf32>
        %mul3A_597 = arith.mulf %mul3A_596, %add3A_594 : vector<16xf32>
        %max3A_598 = arith.maximumf %add3A_594, %mul3A_597 : vector<16xf32>
        %swap3A_599 = arith.index_cast %add3A_475 : i32 to index
        %swap3A_600 = arith.constant 112 : index
        %swap3A_601 = tpu.vector_load %arg22[%swap3A_599, %swap3A_600] {strides = array<i32>} : memref<128x128xf32, #tpu.memory_space<vmem>>, vector<16xf32>,
        tpu.vector_store %arg22[%swap3A_599, %swap3A_600], %max3A_598 {strides = array<i32>} : memref<128x128xf32, #tpu.memory_space<vmem>>, vector<16xf32>,
        %mul3A_602 = arith.mulf %max3A_598, %max3A_598 : vector<16xf32>
        %add3A_603 = arith.addf %add3A_471, %mul3A_602 : vector<16xf32>
        scf.yield %add3A_491, %add3A_507, %add3A_523, %add3A_539, %add3A_555, %add3A_571, %add3A_587, %add3A_603 : vector<16xf32>, vector<16xf32>, vector<16xf32>, vector<16xf32>, vector<16xf32>, vector<16xf32>, vector<16xf32>, vector<16xf32>
      }
      %scan3A_266 = arith.constant 64 : i32
      %get3A = arith.constant 0 : index
      %get3A_267 = tpu.vector_load %arg15[%get3A] {strides = array<i32>} : memref<128xi32, #tpu.memory_space<vmem>>, vector<16xi32>,
      tpu.vector_store_idx %arg24[%get3A_267], %broadcast_in_dim3A_3 {add = true} : memref<512xf32, #tpu.memory_space<vmem>>[vector<16xi32>], vector<16xf32>,
      %get3A_268 = arith.constant 16 : index
      %get3A_269 = tpu.vector_load %arg15[%get3A_268] {strides = array<i32>} : memref<128xi32, #tpu.memory_space<vmem>>, vector<16xi32>,
      tpu.vector_store_idx %arg24[%get3A_269], %broadcast_in_dim3A_3 {add = true} : memref<512xf32, #tpu.memory_space<vmem>>[vector<16xi32>], vector<16xf32>,
      %get3A_270 = arith.constant 32 : index
      %get3A_271 = tpu.vector_load %arg15[%get3A_270] {strides = array<i32>} : memref<128xi32, #tpu.memory_space<vmem>>, vector<16xi32>,
      tpu.vector_store_idx %arg24[%get3A_271], %broadcast_in_dim3A_3 {add = true} : memref<512xf32, #tpu.memory_space<vmem>>[vector<16xi32>], vector<16xf32>,
      %get3A_272 = arith.constant 48 : index
      %get3A_273 = tpu.vector_load %arg15[%get3A_272] {strides = array<i32>} : memref<128xi32, #tpu.memory_space<vmem>>, vector<16xi32>,
      tpu.vector_store_idx %arg24[%get3A_273], %broadcast_in_dim3A_3 {add = true} : memref<512xf32, #tpu.memory_space<vmem>>[vector<16xi32>], vector<16xf32>,
      %get3A_274 = arith.constant 64 : index
      %get3A_275 = tpu.vector_load %arg15[%get3A_274] {strides = array<i32>} : memref<128xi32, #tpu.memory_space<vmem>>, vector<16xi32>,
      tpu.vector_store_idx %arg24[%get3A_275], %broadcast_in_dim3A_3 {add = true} : memref<512xf32, #tpu.memory_space<vmem>>[vector<16xi32>], vector<16xf32>,
      %get3A_276 = arith.constant 80 : index
      %get3A_277 = tpu.vector_load %arg15[%get3A_276] {strides = array<i32>} : memref<128xi32, #tpu.memory_space<vmem>>, vector<16xi32>,
      tpu.vector_store_idx %arg24[%get3A_277], %broadcast_in_dim3A_3 {add = true} : memref<512xf32, #tpu.memory_space<vmem>>[vector<16xi32>], vector<16xf32>,
      %get3A_278 = arith.constant 96 : index
      %get3A_279 = tpu.vector_load %arg15[%get3A_278] {strides = array<i32>} : memref<128xi32, #tpu.memory_space<vmem>>, vector<16xi32>,
      tpu.vector_store_idx %arg24[%get3A_279], %broadcast_in_dim3A_3 {add = true} : memref<512xf32, #tpu.memory_space<vmem>>[vector<16xi32>], vector<16xf32>,
      %get3A_280 = arith.constant 112 : index
      %get3A_281 = tpu.vector_load %arg15[%get3A_280] {strides = array<i32>} : memref<128xi32, #tpu.memory_space<vmem>>, vector<16xi32>,
      tpu.vector_store_idx %arg24[%get3A_281], %broadcast_in_dim3A_3 {add = true} : memref<512xf32, #tpu.memory_space<vmem>>[vector<16xi32>], vector<16xf32>,
      %dma_start3A_282 = arith.constant 0 : i32
      %dma_start3A_283 = arith.constant 0 : i32
      %dma_start3A_284 = tpu.memref_slice %arg28[%dma_start3A_282, %dma_start3A_283] : memref<512x128xf32, #tpu.memory_space<vmem_shared>> -> memref<512x128xf32, #tpu.memory_space<vmem_shared>>
      tpu.enqueue_indirect_dma source(%arg22 : memref<128x128xf32, #tpu.memory_space<vmem>>) target(%dma_start3A_284 : memref<512x128xf32, #tpu.memory_space<vmem_shared>>) offsets(%arg15 : memref<128xi32, #tpu.memory_space<vmem>>) semaphore(%arg38 : memref<!tpu.dma_semaphore, #tpu.memory_space<semaphore_mem>>) {add = true}
      %convert_element_type3A_285 = arith.extui %lt3A_227 : i1 to i32
      %cond3A_286 = arith.constant 0 : i32
      %cond3A_287 = arith.cmpi ne, %convert_element_type3A_285, %cond3A_286 : i32
      scf.if %cond3A_287 {
        %dma_wait3A_332 = arith.constant 0 : i32
        %dma_wait3A_333 = tpu.memref_slice %arg4[%dma_wait3A_332, %add3A_222] : memref<2x800000xi32, #tpu.memory_space<hbm>> -> memref<1x128xi32, #tpu.memory_space<hbm>>
        %dma_wait3A_334 = tpu.memref_squeeze %dma_wait3A_333 : memref<1x128xi32, #tpu.memory_space<hbm>> -> memref<128xi32, #tpu.memory_space<hbm>>
        %dma_wait3A_335 = tpu.memref_slice %arg4[%dma_wait3A_332, %add3A_222] : memref<2x800000xi32, #tpu.memory_space<hbm>> -> memref<1x128xi32, #tpu.memory_space<hbm>>
        %dma_wait3A_336 = tpu.memref_squeeze %dma_wait3A_335 : memref<1x128xi32, #tpu.memory_space<hbm>> -> memref<128xi32, #tpu.memory_space<hbm>>
        tpu.wait_dma2 semaphore(%arg30 : memref<!tpu.dma_semaphore, #tpu.memory_space<semaphore_mem>>) src(%dma_wait3A_336 : memref<128xi32, #tpu.memory_space<hbm>>) dst(%arg11 : memref<128xi32, #tpu.memory_space<vmem>>)
        %dma_wait3A_337 = arith.constant 1 : i32
        %dma_wait3A_338 = tpu.memref_slice %arg4[%dma_wait3A_337, %add3A_222] : memref<2x800000xi32, #tpu.memory_space<hbm>> -> memref<1x128xi32, #tpu.memory_space<hbm>>
        %dma_wait3A_339 = tpu.memref_squeeze %dma_wait3A_338 : memref<1x128xi32, #tpu.memory_space<hbm>> -> memref<128xi32, #tpu.memory_space<hbm>>
        %dma_wait3A_340 = tpu.memref_slice %arg4[%dma_wait3A_337, %add3A_222] : memref<2x800000xi32, #tpu.memory_space<hbm>> -> memref<1x128xi32, #tpu.memory_space<hbm>>
        %dma_wait3A_341 = tpu.memref_squeeze %dma_wait3A_340 : memref<1x128xi32, #tpu.memory_space<hbm>> -> memref<128xi32, #tpu.memory_space<hbm>>
        tpu.wait_dma2 semaphore(%arg30 : memref<!tpu.dma_semaphore, #tpu.memory_space<semaphore_mem>>) src(%dma_wait3A_341 : memref<128xi32, #tpu.memory_space<hbm>>) dst(%arg12 : memref<128xi32, #tpu.memory_space<vmem>>)
        %dma_start3A_342 = arith.constant 0 : i32
        %dma_start3A_343 = tpu.memref_slice %arg3[%add3A_222, %dma_start3A_342] : memref<800000x128xf32, #tpu.memory_space<hbm>> -> memref<128x128xf32, #tpu.memory_space<hbm>>
        %dma_start3A_344 = arith.constant 0 : i32
        %dma_start3A_345 = tpu.memref_slice %arg3[%add3A_222, %dma_start3A_344] : memref<800000x128xf32, #tpu.memory_space<hbm>> -> memref<128x128xf32, #tpu.memory_space<hbm>>
        tpu.enqueue_dma source(%dma_start3A_345 : memref<128x128xf32, #tpu.memory_space<hbm>>) target(%arg18 : memref<128x128xf32, #tpu.memory_space<vmem>>) target_semaphore(%arg32 : memref<!tpu.dma_semaphore, #tpu.memory_space<semaphore_mem>>)
        %dma_start3A_346 = arith.constant 0 : i32
        %dma_start3A_347 = arith.constant 0 : i32
        %dma_start3A_348 = tpu.memref_slice %arg2[%dma_start3A_346, %dma_start3A_347] : memref<50000x128xf32, #tpu.memory_space<hbm>> -> memref<50000x128xf32, #tpu.memory_space<hbm>>
        tpu.enqueue_indirect_dma source(%dma_start3A_348 : memref<50000x128xf32, #tpu.memory_space<hbm>>) target(%arg20 : memref<128x128xf32, #tpu.memory_space<vmem>>) offsets(%arg11 : memref<128xi32, #tpu.memory_space<vmem>>) semaphore(%arg34 : memref<!tpu.dma_semaphore, #tpu.memory_space<semaphore_mem>>)
      } else {
      }
      %gt3A_288 = arith.constant 0 : i32
      %gt3A_289 = arith.cmpi sgt, %while3A_205, %gt3A_288 : i32
      %convert_element_type3A_290 = arith.extui %gt3A_289 : i1 to i32
      %cond3A_291 = arith.constant 0 : i32
      %cond3A_292 = arith.cmpi ne, %convert_element_type3A_290, %cond3A_291 : i32
      scf.if %cond3A_292 {
        %dma_wait3A_332 = arith.constant 0 : i32
        %dma_wait3A_333 = arith.constant 0 : i32
        %dma_wait3A_334 = tpu.memref_slice %arg28[%dma_wait3A_332, %dma_wait3A_333] : memref<512x128xf32, #tpu.memory_space<vmem_shared>> -> memref<512x128xf32, #tpu.memory_space<vmem_shared>>
        tpu.wait_indirect_dma semaphore(%arg39 : memref<!tpu.dma_semaphore, #tpu.memory_space<semaphore_mem>>) src(%arg23 : memref<128x128xf32, #tpu.memory_space<vmem>>) dst(%dma_wait3A_334 : memref<512x128xf32, #tpu.memory_space<vmem_shared>>)
      } else {
      }
      %dma_start3A_293 = arith.constant 0 : i32
      %dma_start3A_294 = tpu.memref_slice %arg5[%dma_start3A_293] : memref<50000xi32, #tpu.memory_space<hbm>> -> memref<50000xi32, #tpu.memory_space<hbm>>
      tpu.enqueue_indirect_dma source(%dma_start3A_294 : memref<50000xi32, #tpu.memory_space<hbm>>) target(%arg16 : memref<128xi32, #tpu.memory_space<vmem>>) offsets(%arg14 : memref<128xi32, #tpu.memory_space<vmem>>) semaphore(%arg37 : memref<!tpu.dma_semaphore, #tpu.memory_space<semaphore_mem>>)
      %dma_wait3A_295 = arith.constant 0 : i32
      %dma_wait3A_296 = tpu.memref_slice %arg3[%add3A_220, %dma_wait3A_295] : memref<800000x128xf32, #tpu.memory_space<hbm>> -> memref<128x128xf32, #tpu.memory_space<hbm>>
      %dma_wait3A_297 = arith.constant 0 : i32
      %dma_wait3A_298 = tpu.memref_slice %arg3[%add3A_220, %dma_wait3A_297] : memref<800000x128xf32, #tpu.memory_space<hbm>> -> memref<128x128xf32, #tpu.memory_space<hbm>>
      tpu.wait_dma2 semaphore(%arg33 : memref<!tpu.dma_semaphore, #tpu.memory_space<semaphore_mem>>) src(%dma_wait3A_298 : memref<128x128xf32, #tpu.memory_space<hbm>>) dst(%arg19 : memref<128x128xf32, #tpu.memory_space<vmem>>)
      %dma_wait3A_299 = arith.constant 0 : i32
      %dma_wait3A_300 = arith.constant 0 : i32
      %dma_wait3A_301 = tpu.memref_slice %arg2[%dma_wait3A_299, %dma_wait3A_300] : memref<50000x128xf32, #tpu.memory_space<hbm>> -> memref<50000x128xf32, #tpu.memory_space<hbm>>
      tpu.wait_indirect_dma semaphore(%arg35 : memref<!tpu.dma_semaphore, #tpu.memory_space<semaphore_mem>>) src(%dma_wait3A_301 : memref<50000x128xf32, #tpu.memory_space<hbm>>) dst(%arg21 : memref<128x128xf32, #tpu.memory_space<vmem>>)
      %dma_wait3A_302 = arith.constant 0 : i32
      %dma_wait3A_303 = tpu.memref_slice %arg5[%dma_wait3A_302] : memref<50000xi32, #tpu.memory_space<hbm>> -> memref<50000xi32, #tpu.memory_space<hbm>>
      tpu.wait_indirect_dma semaphore(%arg37 : memref<!tpu.dma_semaphore, #tpu.memory_space<semaphore_mem>>) src(%dma_wait3A_303 : memref<50000xi32, #tpu.memory_space<hbm>>) dst(%arg16 : memref<128xi32, #tpu.memory_space<vmem>>)
      %convert_element_type3A_304 = arith.extui %lt3A_227 : i1 to i32
      %cond3A_305 = arith.constant 0 : i32
      %cond3A_306 = arith.cmpi ne, %convert_element_type3A_304, %cond3A_305 : i32
      scf.if %cond3A_306 {
        %dma_start3A_332 = arith.constant 0 : i32
        %dma_start3A_333 = tpu.memref_slice %arg4[%dma_start3A_332, %add3A_224] : memref<2x800000xi32, #tpu.memory_space<hbm>> -> memref<1x128xi32, #tpu.memory_space<hbm>>
        %dma_start3A_334 = tpu.memref_squeeze %dma_start3A_333 : memref<1x128xi32, #tpu.memory_space<hbm>> -> memref<128xi32, #tpu.memory_space<hbm>>
        %dma_start3A_335 = tpu.memref_slice %arg4[%dma_start3A_332, %add3A_224] : memref<2x800000xi32, #tpu.memory_space<hbm>> -> memref<1x128xi32, #tpu.memory_space<hbm>>
        %dma_start3A_336 = tpu.memref_squeeze %dma_start3A_335 : memref<1x128xi32, #tpu.memory_space<hbm>> -> memref<128xi32, #tpu.memory_space<hbm>>
        tpu.enqueue_dma source(%dma_start3A_336 : memref<128xi32, #tpu.memory_space<hbm>>) target(%arg13 : memref<128xi32, #tpu.memory_space<vmem>>) target_semaphore(%arg31 : memref<!tpu.dma_semaphore, #tpu.memory_space<semaphore_mem>>)
        %dma_start3A_337 = arith.constant 1 : i32
        %dma_start3A_338 = tpu.memref_slice %arg4[%dma_start3A_337, %add3A_224] : memref<2x800000xi32, #tpu.memory_space<hbm>> -> memref<1x128xi32, #tpu.memory_space<hbm>>
        %dma_start3A_339 = tpu.memref_squeeze %dma_start3A_338 : memref<1x128xi32, #tpu.memory_space<hbm>> -> memref<128xi32, #tpu.memory_space<hbm>>
        %dma_start3A_340 = tpu.memref_slice %arg4[%dma_start3A_337, %add3A_224] : memref<2x800000xi32, #tpu.memory_space<hbm>> -> memref<1x128xi32, #tpu.memory_space<hbm>>
        %dma_start3A_341 = tpu.memref_squeeze %dma_start3A_340 : memref<1x128xi32, #tpu.memory_space<hbm>> -> memref<128xi32, #tpu.memory_space<hbm>>
        tpu.enqueue_dma source(%dma_start3A_341 : memref<128xi32, #tpu.memory_space<hbm>>) target(%arg14 : memref<128xi32, #tpu.memory_space<vmem>>) target_semaphore(%arg31 : memref<!tpu.dma_semaphore, #tpu.memory_space<semaphore_mem>>)
      } else {
      }
      %scan3A_307 = arith.constant 0 : i32
      %scan3A_308 = arith.constant 64 : i32
      %scan3A_309 = arith.addi %scan3A_307, %scan3A_308 : i32
      %scan3A_310 = arith.constant 1 : i32
      %scan3A_311:8 = scf.for %scan3A_332 = %scan3A_307 to %scan3A_309 step %scan3A_310 iter_args(%scan3A_333 = %scan3A_265#0, %scan3A_334 = %scan3A_265#1, %scan3A_335 = %scan3A_265#2, %scan3A_336 = %scan3A_265#3, %scan3A_337 = %scan3A_265#4, %scan3A_338 = %scan3A_265#5, %scan3A_339 = %scan3A_265#6, %scan3A_340 = %scan3A_265#7) -> (vector<16xf32>, vector<16xf32>, vector<16xf32>, vector<16xf32>, vector<16xf32>, vector<16xf32>, vector<16xf32>, vector<16xf32>)  : i32 {
        %mul3A_341 = arith.constant 2 : i32
        %mul3A_342 = arith.muli %mul3A_341, %scan3A_332 : i32
        %add3A_343 = arith.constant 0 : i32
        %add3A_344 = arith.addi %mul3A_342, %add3A_343 : i32
        %get3A_345 = arith.index_cast %add3A_344 : i32 to index
        %get3A_346 = arith.constant 0 : index
        %get3A_347 = tpu.vector_load %arg19[%get3A_345, %get3A_346] {strides = array<i32>} : memref<128x128xf32, #tpu.memory_space<vmem>>, vector<16xf32>,
        %get3A_348 = arith.index_cast %add3A_344 : i32 to index
        %get3A_349 = arith.constant 0 : index
        %get3A_350 = tpu.vector_load %arg21[%get3A_348, %get3A_349] {strides = array<i32>} : memref<128x128xf32, #tpu.memory_space<vmem>>, vector<16xf32>,
        %add3A_351 = arith.addf %get3A_347, %get3A_350 : vector<16xf32>
        %mul3A_352 = arith.constant 0.00999999977 : f32
        %mul3A_353 = vector.broadcast %mul3A_352 : f32 to vector<16xf32>
        %mul3A_354 = arith.mulf %mul3A_353, %add3A_351 : vector<16xf32>
        %max3A = arith.maximumf %add3A_351, %mul3A_354 : vector<16xf32>
        %swap3A_355 = arith.index_cast %add3A_344 : i32 to index
        %swap3A_356 = arith.constant 0 : index
        %swap3A_357 = tpu.vector_load %arg23[%swap3A_355, %swap3A_356] {strides = array<i32>} : memref<128x128xf32, #tpu.memory_space<vmem>>, vector<16xf32>,
        tpu.vector_store %arg23[%swap3A_355, %swap3A_356], %max3A {strides = array<i32>} : memref<128x128xf32, #tpu.memory_space<vmem>>, vector<16xf32>,
        %mul3A_358 = arith.mulf %max3A, %max3A : vector<16xf32>
        %add3A_359 = arith.addf %scan3A_333, %mul3A_358 : vector<16xf32>
        %get3A_360 = arith.index_cast %add3A_344 : i32 to index
        %get3A_361 = arith.constant 16 : index
        %get3A_362 = tpu.vector_load %arg19[%get3A_360, %get3A_361] {strides = array<i32>} : memref<128x128xf32, #tpu.memory_space<vmem>>, vector<16xf32>,
        %get3A_363 = arith.index_cast %add3A_344 : i32 to index
        %get3A_364 = arith.constant 16 : index
        %get3A_365 = tpu.vector_load %arg21[%get3A_363, %get3A_364] {strides = array<i32>} : memref<128x128xf32, #tpu.memory_space<vmem>>, vector<16xf32>,
        %add3A_366 = arith.addf %get3A_362, %get3A_365 : vector<16xf32>
        %mul3A_367 = arith.constant 0.00999999977 : f32
        %mul3A_368 = vector.broadcast %mul3A_367 : f32 to vector<16xf32>
        %mul3A_369 = arith.mulf %mul3A_368, %add3A_366 : vector<16xf32>
        %max3A_370 = arith.maximumf %add3A_366, %mul3A_369 : vector<16xf32>
        %swap3A_371 = arith.index_cast %add3A_344 : i32 to index
        %swap3A_372 = arith.constant 16 : index
        %swap3A_373 = tpu.vector_load %arg23[%swap3A_371, %swap3A_372] {strides = array<i32>} : memref<128x128xf32, #tpu.memory_space<vmem>>, vector<16xf32>,
        tpu.vector_store %arg23[%swap3A_371, %swap3A_372], %max3A_370 {strides = array<i32>} : memref<128x128xf32, #tpu.memory_space<vmem>>, vector<16xf32>,
        %mul3A_374 = arith.mulf %max3A_370, %max3A_370 : vector<16xf32>
        %add3A_375 = arith.addf %scan3A_334, %mul3A_374 : vector<16xf32>
        %get3A_376 = arith.index_cast %add3A_344 : i32 to index
        %get3A_377 = arith.constant 32 : index
        %get3A_378 = tpu.vector_load %arg19[%get3A_376, %get3A_377] {strides = array<i32>} : memref<128x128xf32, #tpu.memory_space<vmem>>, vector<16xf32>,
        %get3A_379 = arith.index_cast %add3A_344 : i32 to index
        %get3A_380 = arith.constant 32 : index
        %get3A_381 = tpu.vector_load %arg21[%get3A_379, %get3A_380] {strides = array<i32>} : memref<128x128xf32, #tpu.memory_space<vmem>>, vector<16xf32>,
        %add3A_382 = arith.addf %get3A_378, %get3A_381 : vector<16xf32>
        %mul3A_383 = arith.constant 0.00999999977 : f32
        %mul3A_384 = vector.broadcast %mul3A_383 : f32 to vector<16xf32>
        %mul3A_385 = arith.mulf %mul3A_384, %add3A_382 : vector<16xf32>
        %max3A_386 = arith.maximumf %add3A_382, %mul3A_385 : vector<16xf32>
        %swap3A_387 = arith.index_cast %add3A_344 : i32 to index
        %swap3A_388 = arith.constant 32 : index
        %swap3A_389 = tpu.vector_load %arg23[%swap3A_387, %swap3A_388] {strides = array<i32>} : memref<128x128xf32, #tpu.memory_space<vmem>>, vector<16xf32>,
        tpu.vector_store %arg23[%swap3A_387, %swap3A_388], %max3A_386 {strides = array<i32>} : memref<128x128xf32, #tpu.memory_space<vmem>>, vector<16xf32>,
        %mul3A_390 = arith.mulf %max3A_386, %max3A_386 : vector<16xf32>
        %add3A_391 = arith.addf %scan3A_335, %mul3A_390 : vector<16xf32>
        %get3A_392 = arith.index_cast %add3A_344 : i32 to index
        %get3A_393 = arith.constant 48 : index
        %get3A_394 = tpu.vector_load %arg19[%get3A_392, %get3A_393] {strides = array<i32>} : memref<128x128xf32, #tpu.memory_space<vmem>>, vector<16xf32>,
        %get3A_395 = arith.index_cast %add3A_344 : i32 to index
        %get3A_396 = arith.constant 48 : index
        %get3A_397 = tpu.vector_load %arg21[%get3A_395, %get3A_396] {strides = array<i32>} : memref<128x128xf32, #tpu.memory_space<vmem>>, vector<16xf32>,
        %add3A_398 = arith.addf %get3A_394, %get3A_397 : vector<16xf32>
        %mul3A_399 = arith.constant 0.00999999977 : f32
        %mul3A_400 = vector.broadcast %mul3A_399 : f32 to vector<16xf32>
        %mul3A_401 = arith.mulf %mul3A_400, %add3A_398 : vector<16xf32>
        %max3A_402 = arith.maximumf %add3A_398, %mul3A_401 : vector<16xf32>
        %swap3A_403 = arith.index_cast %add3A_344 : i32 to index
        %swap3A_404 = arith.constant 48 : index
        %swap3A_405 = tpu.vector_load %arg23[%swap3A_403, %swap3A_404] {strides = array<i32>} : memref<128x128xf32, #tpu.memory_space<vmem>>, vector<16xf32>,
        tpu.vector_store %arg23[%swap3A_403, %swap3A_404], %max3A_402 {strides = array<i32>} : memref<128x128xf32, #tpu.memory_space<vmem>>, vector<16xf32>,
        %mul3A_406 = arith.mulf %max3A_402, %max3A_402 : vector<16xf32>
        %add3A_407 = arith.addf %scan3A_336, %mul3A_406 : vector<16xf32>
        %get3A_408 = arith.index_cast %add3A_344 : i32 to index
        %get3A_409 = arith.constant 64 : index
        %get3A_410 = tpu.vector_load %arg19[%get3A_408, %get3A_409] {strides = array<i32>} : memref<128x128xf32, #tpu.memory_space<vmem>>, vector<16xf32>,
        %get3A_411 = arith.index_cast %add3A_344 : i32 to index
        %get3A_412 = arith.constant 64 : index
        %get3A_413 = tpu.vector_load %arg21[%get3A_411, %get3A_412] {strides = array<i32>} : memref<128x128xf32, #tpu.memory_space<vmem>>, vector<16xf32>,
        %add3A_414 = arith.addf %get3A_410, %get3A_413 : vector<16xf32>
        %mul3A_415 = arith.constant 0.00999999977 : f32
        %mul3A_416 = vector.broadcast %mul3A_415 : f32 to vector<16xf32>
        %mul3A_417 = arith.mulf %mul3A_416, %add3A_414 : vector<16xf32>
        %max3A_418 = arith.maximumf %add3A_414, %mul3A_417 : vector<16xf32>
        %swap3A_419 = arith.index_cast %add3A_344 : i32 to index
        %swap3A_420 = arith.constant 64 : index
        %swap3A_421 = tpu.vector_load %arg23[%swap3A_419, %swap3A_420] {strides = array<i32>} : memref<128x128xf32, #tpu.memory_space<vmem>>, vector<16xf32>,
        tpu.vector_store %arg23[%swap3A_419, %swap3A_420], %max3A_418 {strides = array<i32>} : memref<128x128xf32, #tpu.memory_space<vmem>>, vector<16xf32>,
        %mul3A_422 = arith.mulf %max3A_418, %max3A_418 : vector<16xf32>
        %add3A_423 = arith.addf %scan3A_337, %mul3A_422 : vector<16xf32>
        %get3A_424 = arith.index_cast %add3A_344 : i32 to index
        %get3A_425 = arith.constant 80 : index
        %get3A_426 = tpu.vector_load %arg19[%get3A_424, %get3A_425] {strides = array<i32>} : memref<128x128xf32, #tpu.memory_space<vmem>>, vector<16xf32>,
        %get3A_427 = arith.index_cast %add3A_344 : i32 to index
        %get3A_428 = arith.constant 80 : index
        %get3A_429 = tpu.vector_load %arg21[%get3A_427, %get3A_428] {strides = array<i32>} : memref<128x128xf32, #tpu.memory_space<vmem>>, vector<16xf32>,
        %add3A_430 = arith.addf %get3A_426, %get3A_429 : vector<16xf32>
        %mul3A_431 = arith.constant 0.00999999977 : f32
        %mul3A_432 = vector.broadcast %mul3A_431 : f32 to vector<16xf32>
        %mul3A_433 = arith.mulf %mul3A_432, %add3A_430 : vector<16xf32>
        %max3A_434 = arith.maximumf %add3A_430, %mul3A_433 : vector<16xf32>
        %swap3A_435 = arith.index_cast %add3A_344 : i32 to index
        %swap3A_436 = arith.constant 80 : index
        %swap3A_437 = tpu.vector_load %arg23[%swap3A_435, %swap3A_436] {strides = array<i32>} : memref<128x128xf32, #tpu.memory_space<vmem>>, vector<16xf32>,
        tpu.vector_store %arg23[%swap3A_435, %swap3A_436], %max3A_434 {strides = array<i32>} : memref<128x128xf32, #tpu.memory_space<vmem>>, vector<16xf32>,
        %mul3A_438 = arith.mulf %max3A_434, %max3A_434 : vector<16xf32>
        %add3A_439 = arith.addf %scan3A_338, %mul3A_438 : vector<16xf32>
        %get3A_440 = arith.index_cast %add3A_344 : i32 to index
        %get3A_441 = arith.constant 96 : index
        %get3A_442 = tpu.vector_load %arg19[%get3A_440, %get3A_441] {strides = array<i32>} : memref<128x128xf32, #tpu.memory_space<vmem>>, vector<16xf32>,
        %get3A_443 = arith.index_cast %add3A_344 : i32 to index
        %get3A_444 = arith.constant 96 : index
        %get3A_445 = tpu.vector_load %arg21[%get3A_443, %get3A_444] {strides = array<i32>} : memref<128x128xf32, #tpu.memory_space<vmem>>, vector<16xf32>,
        %add3A_446 = arith.addf %get3A_442, %get3A_445 : vector<16xf32>
        %mul3A_447 = arith.constant 0.00999999977 : f32
        %mul3A_448 = vector.broadcast %mul3A_447 : f32 to vector<16xf32>
        %mul3A_449 = arith.mulf %mul3A_448, %add3A_446 : vector<16xf32>
        %max3A_450 = arith.maximumf %add3A_446, %mul3A_449 : vector<16xf32>
        %swap3A_451 = arith.index_cast %add3A_344 : i32 to index
        %swap3A_452 = arith.constant 96 : index
        %swap3A_453 = tpu.vector_load %arg23[%swap3A_451, %swap3A_452] {strides = array<i32>} : memref<128x128xf32, #tpu.memory_space<vmem>>, vector<16xf32>,
        tpu.vector_store %arg23[%swap3A_451, %swap3A_452], %max3A_450 {strides = array<i32>} : memref<128x128xf32, #tpu.memory_space<vmem>>, vector<16xf32>,
        %mul3A_454 = arith.mulf %max3A_450, %max3A_450 : vector<16xf32>
        %add3A_455 = arith.addf %scan3A_339, %mul3A_454 : vector<16xf32>
        %get3A_456 = arith.index_cast %add3A_344 : i32 to index
        %get3A_457 = arith.constant 112 : index
        %get3A_458 = tpu.vector_load %arg19[%get3A_456, %get3A_457] {strides = array<i32>} : memref<128x128xf32, #tpu.memory_space<vmem>>, vector<16xf32>,
        %get3A_459 = arith.index_cast %add3A_344 : i32 to index
        %get3A_460 = arith.constant 112 : index
        %get3A_461 = tpu.vector_load %arg21[%get3A_459, %get3A_460] {strides = array<i32>} : memref<128x128xf32, #tpu.memory_space<vmem>>, vector<16xf32>,
        %add3A_462 = arith.addf %get3A_458, %get3A_461 : vector<16xf32>
        %mul3A_463 = arith.constant 0.00999999977 : f32
        %mul3A_464 = vector.broadcast %mul3A_463 : f32 to vector<16xf32>
        %mul3A_465 = arith.mulf %mul3A_464, %add3A_462 : vector<16xf32>
        %max3A_466 = arith.maximumf %add3A_462, %mul3A_465 : vector<16xf32>
        %swap3A_467 = arith.index_cast %add3A_344 : i32 to index
        %swap3A_468 = arith.constant 112 : index
        %swap3A_469 = tpu.vector_load %arg23[%swap3A_467, %swap3A_468] {strides = array<i32>} : memref<128x128xf32, #tpu.memory_space<vmem>>, vector<16xf32>,
        tpu.vector_store %arg23[%swap3A_467, %swap3A_468], %max3A_466 {strides = array<i32>} : memref<128x128xf32, #tpu.memory_space<vmem>>, vector<16xf32>,
        %mul3A_470 = arith.mulf %max3A_466, %max3A_466 : vector<16xf32>
        %add3A_471 = arith.addf %scan3A_340, %mul3A_470 : vector<16xf32>
        %mul3A_472 = arith.constant 2 : i32
        %mul3A_473 = arith.muli %mul3A_472, %scan3A_332 : i32
        %add3A_474 = arith.constant 1 : i32
        %add3A_475 = arith.addi %mul3A_473, %add3A_474 : i32
        %get3A_476 = arith.index_cast %add3A_475 : i32 to index
        %get3A_477 = arith.constant 0 : index
        %get3A_478 = tpu.vector_load %arg19[%get3A_476, %get3A_477] {strides = array<i32>} : memref<128x128xf32, #tpu.memory_space<vmem>>, vector<16xf32>,
        %get3A_479 = arith.index_cast %add3A_475 : i32 to index
        %get3A_480 = arith.constant 0 : index
        %get3A_481 = tpu.vector_load %arg21[%get3A_479, %get3A_480] {strides = array<i32>} : memref<128x128xf32, #tpu.memory_space<vmem>>, vector<16xf32>,
        %add3A_482 = arith.addf %get3A_478, %get3A_481 : vector<16xf32>
        %mul3A_483 = arith.constant 0.00999999977 : f32
        %mul3A_484 = vector.broadcast %mul3A_483 : f32 to vector<16xf32>
        %mul3A_485 = arith.mulf %mul3A_484, %add3A_482 : vector<16xf32>
        %max3A_486 = arith.maximumf %add3A_482, %mul3A_485 : vector<16xf32>
        %swap3A_487 = arith.index_cast %add3A_475 : i32 to index
        %swap3A_488 = arith.constant 0 : index
        %swap3A_489 = tpu.vector_load %arg23[%swap3A_487, %swap3A_488] {strides = array<i32>} : memref<128x128xf32, #tpu.memory_space<vmem>>, vector<16xf32>,
        tpu.vector_store %arg23[%swap3A_487, %swap3A_488], %max3A_486 {strides = array<i32>} : memref<128x128xf32, #tpu.memory_space<vmem>>, vector<16xf32>,
        %mul3A_490 = arith.mulf %max3A_486, %max3A_486 : vector<16xf32>
        %add3A_491 = arith.addf %add3A_359, %mul3A_490 : vector<16xf32>
        %get3A_492 = arith.index_cast %add3A_475 : i32 to index
        %get3A_493 = arith.constant 16 : index
        %get3A_494 = tpu.vector_load %arg19[%get3A_492, %get3A_493] {strides = array<i32>} : memref<128x128xf32, #tpu.memory_space<vmem>>, vector<16xf32>,
        %get3A_495 = arith.index_cast %add3A_475 : i32 to index
        %get3A_496 = arith.constant 16 : index
        %get3A_497 = tpu.vector_load %arg21[%get3A_495, %get3A_496] {strides = array<i32>} : memref<128x128xf32, #tpu.memory_space<vmem>>, vector<16xf32>,
        %add3A_498 = arith.addf %get3A_494, %get3A_497 : vector<16xf32>
        %mul3A_499 = arith.constant 0.00999999977 : f32
        %mul3A_500 = vector.broadcast %mul3A_499 : f32 to vector<16xf32>
        %mul3A_501 = arith.mulf %mul3A_500, %add3A_498 : vector<16xf32>
        %max3A_502 = arith.maximumf %add3A_498, %mul3A_501 : vector<16xf32>
        %swap3A_503 = arith.index_cast %add3A_475 : i32 to index
        %swap3A_504 = arith.constant 16 : index
        %swap3A_505 = tpu.vector_load %arg23[%swap3A_503, %swap3A_504] {strides = array<i32>} : memref<128x128xf32, #tpu.memory_space<vmem>>, vector<16xf32>,
        tpu.vector_store %arg23[%swap3A_503, %swap3A_504], %max3A_502 {strides = array<i32>} : memref<128x128xf32, #tpu.memory_space<vmem>>, vector<16xf32>,
        %mul3A_506 = arith.mulf %max3A_502, %max3A_502 : vector<16xf32>
        %add3A_507 = arith.addf %add3A_375, %mul3A_506 : vector<16xf32>
        %get3A_508 = arith.index_cast %add3A_475 : i32 to index
        %get3A_509 = arith.constant 32 : index
        %get3A_510 = tpu.vector_load %arg19[%get3A_508, %get3A_509] {strides = array<i32>} : memref<128x128xf32, #tpu.memory_space<vmem>>, vector<16xf32>,
        %get3A_511 = arith.index_cast %add3A_475 : i32 to index
        %get3A_512 = arith.constant 32 : index
        %get3A_513 = tpu.vector_load %arg21[%get3A_511, %get3A_512] {strides = array<i32>} : memref<128x128xf32, #tpu.memory_space<vmem>>, vector<16xf32>,
        %add3A_514 = arith.addf %get3A_510, %get3A_513 : vector<16xf32>
        %mul3A_515 = arith.constant 0.00999999977 : f32
        %mul3A_516 = vector.broadcast %mul3A_515 : f32 to vector<16xf32>
        %mul3A_517 = arith.mulf %mul3A_516, %add3A_514 : vector<16xf32>
        %max3A_518 = arith.maximumf %add3A_514, %mul3A_517 : vector<16xf32>
        %swap3A_519 = arith.index_cast %add3A_475 : i32 to index
        %swap3A_520 = arith.constant 32 : index
        %swap3A_521 = tpu.vector_load %arg23[%swap3A_519, %swap3A_520] {strides = array<i32>} : memref<128x128xf32, #tpu.memory_space<vmem>>, vector<16xf32>,
        tpu.vector_store %arg23[%swap3A_519, %swap3A_520], %max3A_518 {strides = array<i32>} : memref<128x128xf32, #tpu.memory_space<vmem>>, vector<16xf32>,
        %mul3A_522 = arith.mulf %max3A_518, %max3A_518 : vector<16xf32>
        %add3A_523 = arith.addf %add3A_391, %mul3A_522 : vector<16xf32>
        %get3A_524 = arith.index_cast %add3A_475 : i32 to index
        %get3A_525 = arith.constant 48 : index
        %get3A_526 = tpu.vector_load %arg19[%get3A_524, %get3A_525] {strides = array<i32>} : memref<128x128xf32, #tpu.memory_space<vmem>>, vector<16xf32>,
        %get3A_527 = arith.index_cast %add3A_475 : i32 to index
        %get3A_528 = arith.constant 48 : index
        %get3A_529 = tpu.vector_load %arg21[%get3A_527, %get3A_528] {strides = array<i32>} : memref<128x128xf32, #tpu.memory_space<vmem>>, vector<16xf32>,
        %add3A_530 = arith.addf %get3A_526, %get3A_529 : vector<16xf32>
        %mul3A_531 = arith.constant 0.00999999977 : f32
        %mul3A_532 = vector.broadcast %mul3A_531 : f32 to vector<16xf32>
        %mul3A_533 = arith.mulf %mul3A_532, %add3A_530 : vector<16xf32>
        %max3A_534 = arith.maximumf %add3A_530, %mul3A_533 : vector<16xf32>
        %swap3A_535 = arith.index_cast %add3A_475 : i32 to index
        %swap3A_536 = arith.constant 48 : index
        %swap3A_537 = tpu.vector_load %arg23[%swap3A_535, %swap3A_536] {strides = array<i32>} : memref<128x128xf32, #tpu.memory_space<vmem>>, vector<16xf32>,
        tpu.vector_store %arg23[%swap3A_535, %swap3A_536], %max3A_534 {strides = array<i32>} : memref<128x128xf32, #tpu.memory_space<vmem>>, vector<16xf32>,
        %mul3A_538 = arith.mulf %max3A_534, %max3A_534 : vector<16xf32>
        %add3A_539 = arith.addf %add3A_407, %mul3A_538 : vector<16xf32>
        %get3A_540 = arith.index_cast %add3A_475 : i32 to index
        %get3A_541 = arith.constant 64 : index
        %get3A_542 = tpu.vector_load %arg19[%get3A_540, %get3A_541] {strides = array<i32>} : memref<128x128xf32, #tpu.memory_space<vmem>>, vector<16xf32>,
        %get3A_543 = arith.index_cast %add3A_475 : i32 to index
        %get3A_544 = arith.constant 64 : index
        %get3A_545 = tpu.vector_load %arg21[%get3A_543, %get3A_544] {strides = array<i32>} : memref<128x128xf32, #tpu.memory_space<vmem>>, vector<16xf32>,
        %add3A_546 = arith.addf %get3A_542, %get3A_545 : vector<16xf32>
        %mul3A_547 = arith.constant 0.00999999977 : f32
        %mul3A_548 = vector.broadcast %mul3A_547 : f32 to vector<16xf32>
        %mul3A_549 = arith.mulf %mul3A_548, %add3A_546 : vector<16xf32>
        %max3A_550 = arith.maximumf %add3A_546, %mul3A_549 : vector<16xf32>
        %swap3A_551 = arith.index_cast %add3A_475 : i32 to index
        %swap3A_552 = arith.constant 64 : index
        %swap3A_553 = tpu.vector_load %arg23[%swap3A_551, %swap3A_552] {strides = array<i32>} : memref<128x128xf32, #tpu.memory_space<vmem>>, vector<16xf32>,
        tpu.vector_store %arg23[%swap3A_551, %swap3A_552], %max3A_550 {strides = array<i32>} : memref<128x128xf32, #tpu.memory_space<vmem>>, vector<16xf32>,
        %mul3A_554 = arith.mulf %max3A_550, %max3A_550 : vector<16xf32>
        %add3A_555 = arith.addf %add3A_423, %mul3A_554 : vector<16xf32>
        %get3A_556 = arith.index_cast %add3A_475 : i32 to index
        %get3A_557 = arith.constant 80 : index
        %get3A_558 = tpu.vector_load %arg19[%get3A_556, %get3A_557] {strides = array<i32>} : memref<128x128xf32, #tpu.memory_space<vmem>>, vector<16xf32>,
        %get3A_559 = arith.index_cast %add3A_475 : i32 to index
        %get3A_560 = arith.constant 80 : index
        %get3A_561 = tpu.vector_load %arg21[%get3A_559, %get3A_560] {strides = array<i32>} : memref<128x128xf32, #tpu.memory_space<vmem>>, vector<16xf32>,
        %add3A_562 = arith.addf %get3A_558, %get3A_561 : vector<16xf32>
        %mul3A_563 = arith.constant 0.00999999977 : f32
        %mul3A_564 = vector.broadcast %mul3A_563 : f32 to vector<16xf32>
        %mul3A_565 = arith.mulf %mul3A_564, %add3A_562 : vector<16xf32>
        %max3A_566 = arith.maximumf %add3A_562, %mul3A_565 : vector<16xf32>
        %swap3A_567 = arith.index_cast %add3A_475 : i32 to index
        %swap3A_568 = arith.constant 80 : index
        %swap3A_569 = tpu.vector_load %arg23[%swap3A_567, %swap3A_568] {strides = array<i32>} : memref<128x128xf32, #tpu.memory_space<vmem>>, vector<16xf32>,
        tpu.vector_store %arg23[%swap3A_567, %swap3A_568], %max3A_566 {strides = array<i32>} : memref<128x128xf32, #tpu.memory_space<vmem>>, vector<16xf32>,
        %mul3A_570 = arith.mulf %max3A_566, %max3A_566 : vector<16xf32>
        %add3A_571 = arith.addf %add3A_439, %mul3A_570 : vector<16xf32>
        %get3A_572 = arith.index_cast %add3A_475 : i32 to index
        %get3A_573 = arith.constant 96 : index
        %get3A_574 = tpu.vector_load %arg19[%get3A_572, %get3A_573] {strides = array<i32>} : memref<128x128xf32, #tpu.memory_space<vmem>>, vector<16xf32>,
        %get3A_575 = arith.index_cast %add3A_475 : i32 to index
        %get3A_576 = arith.constant 96 : index
        %get3A_577 = tpu.vector_load %arg21[%get3A_575, %get3A_576] {strides = array<i32>} : memref<128x128xf32, #tpu.memory_space<vmem>>, vector<16xf32>,
        %add3A_578 = arith.addf %get3A_574, %get3A_577 : vector<16xf32>
        %mul3A_579 = arith.constant 0.00999999977 : f32
        %mul3A_580 = vector.broadcast %mul3A_579 : f32 to vector<16xf32>
        %mul3A_581 = arith.mulf %mul3A_580, %add3A_578 : vector<16xf32>
        %max3A_582 = arith.maximumf %add3A_578, %mul3A_581 : vector<16xf32>
        %swap3A_583 = arith.index_cast %add3A_475 : i32 to index
        %swap3A_584 = arith.constant 96 : index
        %swap3A_585 = tpu.vector_load %arg23[%swap3A_583, %swap3A_584] {strides = array<i32>} : memref<128x128xf32, #tpu.memory_space<vmem>>, vector<16xf32>,
        tpu.vector_store %arg23[%swap3A_583, %swap3A_584], %max3A_582 {strides = array<i32>} : memref<128x128xf32, #tpu.memory_space<vmem>>, vector<16xf32>,
        %mul3A_586 = arith.mulf %max3A_582, %max3A_582 : vector<16xf32>
        %add3A_587 = arith.addf %add3A_455, %mul3A_586 : vector<16xf32>
        %get3A_588 = arith.index_cast %add3A_475 : i32 to index
        %get3A_589 = arith.constant 112 : index
        %get3A_590 = tpu.vector_load %arg19[%get3A_588, %get3A_589] {strides = array<i32>} : memref<128x128xf32, #tpu.memory_space<vmem>>, vector<16xf32>,
        %get3A_591 = arith.index_cast %add3A_475 : i32 to index
        %get3A_592 = arith.constant 112 : index
        %get3A_593 = tpu.vector_load %arg21[%get3A_591, %get3A_592] {strides = array<i32>} : memref<128x128xf32, #tpu.memory_space<vmem>>, vector<16xf32>,
        %add3A_594 = arith.addf %get3A_590, %get3A_593 : vector<16xf32>
        %mul3A_595 = arith.constant 0.00999999977 : f32
        %mul3A_596 = vector.broadcast %mul3A_595 : f32 to vector<16xf32>
        %mul3A_597 = arith.mulf %mul3A_596, %add3A_594 : vector<16xf32>
        %max3A_598 = arith.maximumf %add3A_594, %mul3A_597 : vector<16xf32>
        %swap3A_599 = arith.index_cast %add3A_475 : i32 to index
        %swap3A_600 = arith.constant 112 : index
        %swap3A_601 = tpu.vector_load %arg23[%swap3A_599, %swap3A_600] {strides = array<i32>} : memref<128x128xf32, #tpu.memory_space<vmem>>, vector<16xf32>,
        tpu.vector_store %arg23[%swap3A_599, %swap3A_600], %max3A_598 {strides = array<i32>} : memref<128x128xf32, #tpu.memory_space<vmem>>, vector<16xf32>,
        %mul3A_602 = arith.mulf %max3A_598, %max3A_598 : vector<16xf32>
        %add3A_603 = arith.addf %add3A_471, %mul3A_602 : vector<16xf32>
        scf.yield %add3A_491, %add3A_507, %add3A_523, %add3A_539, %add3A_555, %add3A_571, %add3A_587, %add3A_603 : vector<16xf32>, vector<16xf32>, vector<16xf32>, vector<16xf32>, vector<16xf32>, vector<16xf32>, vector<16xf32>, vector<16xf32>
      }
      %scan3A_312 = arith.constant 64 : i32
      %get3A_313 = arith.constant 0 : index
      %get3A_314 = tpu.vector_load %arg16[%get3A_313] {strides = array<i32>} : memref<128xi32, #tpu.memory_space<vmem>>, vector<16xi32>,
      tpu.vector_store_idx %arg24[%get3A_314], %broadcast_in_dim3A_3 {add = true} : memref<512xf32, #tpu.memory_space<vmem>>[vector<16xi32>], vector<16xf32>,
      %get3A_315 = arith.constant 16 : index
      %get3A_316 = tpu.vector_load %arg16[%get3A_315] {strides = array<i32>} : memref<128xi32, #tpu.memory_space<vmem>>, vector<16xi32>,
      tpu.vector_store_idx %arg24[%get3A_316], %broadcast_in_dim3A_3 {add = true} : memref<512xf32, #tpu.memory_space<vmem>>[vector<16xi32>], vector<16xf32>,
      %get3A_317 = arith.constant 32 : index
      %get3A_318 = tpu.vector_load %arg16[%get3A_317] {strides = array<i32>} : memref<128xi32, #tpu.memory_space<vmem>>, vector<16xi32>,
      tpu.vector_store_idx %arg24[%get3A_318], %broadcast_in_dim3A_3 {add = true} : memref<512xf32, #tpu.memory_space<vmem>>[vector<16xi32>], vector<16xf32>,
      %get3A_319 = arith.constant 48 : index
      %get3A_320 = tpu.vector_load %arg16[%get3A_319] {strides = array<i32>} : memref<128xi32, #tpu.memory_space<vmem>>, vector<16xi32>,
      tpu.vector_store_idx %arg24[%get3A_320], %broadcast_in_dim3A_3 {add = true} : memref<512xf32, #tpu.memory_space<vmem>>[vector<16xi32>], vector<16xf32>,
      %get3A_321 = arith.constant 64 : index
      %get3A_322 = tpu.vector_load %arg16[%get3A_321] {strides = array<i32>} : memref<128xi32, #tpu.memory_space<vmem>>, vector<16xi32>,
      tpu.vector_store_idx %arg24[%get3A_322], %broadcast_in_dim3A_3 {add = true} : memref<512xf32, #tpu.memory_space<vmem>>[vector<16xi32>], vector<16xf32>,
      %get3A_323 = arith.constant 80 : index
      %get3A_324 = tpu.vector_load %arg16[%get3A_323] {strides = array<i32>} : memref<128xi32, #tpu.memory_space<vmem>>, vector<16xi32>,
      tpu.vector_store_idx %arg24[%get3A_324], %broadcast_in_dim3A_3 {add = true} : memref<512xf32, #tpu.memory_space<vmem>>[vector<16xi32>], vector<16xf32>,
      %get3A_325 = arith.constant 96 : index
      %get3A_326 = tpu.vector_load %arg16[%get3A_325] {strides = array<i32>} : memref<128xi32, #tpu.memory_space<vmem>>, vector<16xi32>,
      tpu.vector_store_idx %arg24[%get3A_326], %broadcast_in_dim3A_3 {add = true} : memref<512xf32, #tpu.memory_space<vmem>>[vector<16xi32>], vector<16xf32>,
      %get3A_327 = arith.constant 112 : index
      %get3A_328 = tpu.vector_load %arg16[%get3A_327] {strides = array<i32>} : memref<128xi32, #tpu.memory_space<vmem>>, vector<16xi32>,
      tpu.vector_store_idx %arg24[%get3A_328], %broadcast_in_dim3A_3 {add = true} : memref<512xf32, #tpu.memory_space<vmem>>[vector<16xi32>], vector<16xf32>,
      %dma_start3A_329 = arith.constant 0 : i32
      %dma_start3A_330 = arith.constant 0 : i32
      %dma_start3A_331 = tpu.memref_slice %arg28[%dma_start3A_329, %dma_start3A_330] : memref<512x128xf32, #tpu.memory_space<vmem_shared>> -> memref<512x128xf32, #tpu.memory_space<vmem_shared>>
      tpu.enqueue_indirect_dma source(%arg23 : memref<128x128xf32, #tpu.memory_space<vmem>>) target(%dma_start3A_331 : memref<512x128xf32, #tpu.memory_space<vmem_shared>>) offsets(%arg16 : memref<128xi32, #tpu.memory_space<vmem>>) semaphore(%arg39 : memref<!tpu.dma_semaphore, #tpu.memory_space<semaphore_mem>>) {add = true}
      scf.yield %scan3A_311#0, %scan3A_311#1, %scan3A_311#2, %scan3A_311#3, %scan3A_311#4, %scan3A_311#5, %scan3A_311#6, %scan3A_311#7 : vector<16xf32>, vector<16xf32>, vector<16xf32>, vector<16xf32>, vector<16xf32>, vector<16xf32>, vector<16xf32>, vector<16xf32>
    }
    %while3A_142 = arith.constant 1 : i32
    %while3A_143:8 = scf.for %while3A_205 = %while3A_139 to %while3A_135 step %while3A_142 iter_args(%while3A_206 = %while3A_141#0, %while3A_207 = %while3A_141#1, %while3A_208 = %while3A_141#2, %while3A_209 = %while3A_141#3, %while3A_210 = %while3A_141#4, %while3A_211 = %while3A_141#5, %while3A_212 = %while3A_141#6, %while3A_213 = %while3A_141#7) -> (vector<16xf32>, vector<16xf32>, vector<16xf32>, vector<16xf32>, vector<16xf32>, vector<16xf32>, vector<16xf32>, vector<16xf32>)  : i32 {
      %mul3A_214 = arith.constant 2 : i32
      %mul3A_215 = arith.muli %mul3A_214, %while3A_205 : i32
      %add3A_216 = arith.addi %select_n3A_94, %mul3A_215 : i32
      %mul3A_217 = arith.constant 128 : i32
      %mul3A_218 = arith.muli %add3A_216, %mul3A_217 : i32
      %add3A_219 = arith.constant 128 : i32
      %add3A_220 = arith.addi %mul3A_218, %add3A_219 : i32
      %add3A_221 = arith.constant 256 : i32
      %add3A_222 = arith.addi %mul3A_218, %add3A_221 : i32
      %add3A_223 = arith.constant 384 : i32
      %add3A_224 = arith.addi %mul3A_218, %add3A_223 : i32
      %add3A_225 = arith.constant 1 : i32
      %add3A_226 = arith.addi %while3A_205, %add3A_225 : i32
      %lt3A_227 = arith.cmpi slt, %add3A_226, %add3A_80 : i32
      %dma_wait3A_228 = arith.constant 0 : i32
      %dma_wait3A_229 = tpu.memref_slice %arg4[%dma_wait3A_228, %add3A_220] : memref<2x800000xi32, #tpu.memory_space<hbm>> -> memref<1x128xi32, #tpu.memory_space<hbm>>
      %dma_wait3A_230 = tpu.memref_squeeze %dma_wait3A_229 : memref<1x128xi32, #tpu.memory_space<hbm>> -> memref<128xi32, #tpu.memory_space<hbm>>
      %dma_wait3A_231 = tpu.memref_slice %arg4[%dma_wait3A_228, %add3A_220] : memref<2x800000xi32, #tpu.memory_space<hbm>> -> memref<1x128xi32, #tpu.memory_space<hbm>>
      %dma_wait3A_232 = tpu.memref_squeeze %dma_wait3A_231 : memref<1x128xi32, #tpu.memory_space<hbm>> -> memref<128xi32, #tpu.memory_space<hbm>>
      tpu.wait_dma2 semaphore(%arg31 : memref<!tpu.dma_semaphore, #tpu.memory_space<semaphore_mem>>) src(%dma_wait3A_232 : memref<128xi32, #tpu.memory_space<hbm>>) dst(%arg13 : memref<128xi32, #tpu.memory_space<vmem>>)
      %dma_wait3A_233 = arith.constant 1 : i32
      %dma_wait3A_234 = tpu.memref_slice %arg4[%dma_wait3A_233, %add3A_220] : memref<2x800000xi32, #tpu.memory_space<hbm>> -> memref<1x128xi32, #tpu.memory_space<hbm>>
      %dma_wait3A_235 = tpu.memref_squeeze %dma_wait3A_234 : memref<1x128xi32, #tpu.memory_space<hbm>> -> memref<128xi32, #tpu.memory_space<hbm>>
      %dma_wait3A_236 = tpu.memref_slice %arg4[%dma_wait3A_233, %add3A_220] : memref<2x800000xi32, #tpu.memory_space<hbm>> -> memref<1x128xi32, #tpu.memory_space<hbm>>
      %dma_wait3A_237 = tpu.memref_squeeze %dma_wait3A_236 : memref<1x128xi32, #tpu.memory_space<hbm>> -> memref<128xi32, #tpu.memory_space<hbm>>
      tpu.wait_dma2 semaphore(%arg31 : memref<!tpu.dma_semaphore, #tpu.memory_space<semaphore_mem>>) src(%dma_wait3A_237 : memref<128xi32, #tpu.memory_space<hbm>>) dst(%arg14 : memref<128xi32, #tpu.memory_space<vmem>>)
      %dma_start3A_238 = arith.constant 0 : i32
      %dma_start3A_239 = tpu.memref_slice %arg3[%add3A_220, %dma_start3A_238] : memref<800000x128xf32, #tpu.memory_space<hbm>> -> memref<128x128xf32, #tpu.memory_space<hbm>>
      %dma_start3A_240 = arith.constant 0 : i32
      %dma_start3A_241 = tpu.memref_slice %arg3[%add3A_220, %dma_start3A_240] : memref<800000x128xf32, #tpu.memory_space<hbm>> -> memref<128x128xf32, #tpu.memory_space<hbm>>
      tpu.enqueue_dma source(%dma_start3A_241 : memref<128x128xf32, #tpu.memory_space<hbm>>) target(%arg19 : memref<128x128xf32, #tpu.memory_space<vmem>>) target_semaphore(%arg33 : memref<!tpu.dma_semaphore, #tpu.memory_space<semaphore_mem>>)
      %dma_start3A_242 = arith.constant 0 : i32
      %dma_start3A_243 = arith.constant 0 : i32
      %dma_start3A_244 = tpu.memref_slice %arg2[%dma_start3A_242, %dma_start3A_243] : memref<50000x128xf32, #tpu.memory_space<hbm>> -> memref<50000x128xf32, #tpu.memory_space<hbm>>
      tpu.enqueue_indirect_dma source(%dma_start3A_244 : memref<50000x128xf32, #tpu.memory_space<hbm>>) target(%arg21 : memref<128x128xf32, #tpu.memory_space<vmem>>) offsets(%arg13 : memref<128xi32, #tpu.memory_space<vmem>>) semaphore(%arg35 : memref<!tpu.dma_semaphore, #tpu.memory_space<semaphore_mem>>)
      %gt3A = arith.constant 0 : i32
      %gt3A_245 = arith.cmpi sgt, %while3A_205, %gt3A : i32
      %convert_element_type3A = arith.extui %gt3A_245 : i1 to i32
      %cond3A = arith.constant 0 : i32
      %cond3A_246 = arith.cmpi ne, %convert_element_type3A, %cond3A : i32
      scf.if %cond3A_246 {
        %dma_wait3A_332 = arith.constant 0 : i32
        %dma_wait3A_333 = arith.constant 0 : i32
        %dma_wait3A_334 = tpu.memref_slice %arg28[%dma_wait3A_332, %dma_wait3A_333] : memref<512x128xf32, #tpu.memory_space<vmem_shared>> -> memref<512x128xf32, #tpu.memory_space<vmem_shared>>
        tpu.wait_indirect_dma semaphore(%arg38 : memref<!tpu.dma_semaphore, #tpu.memory_space<semaphore_mem>>) src(%arg22 : memref<128x128xf32, #tpu.memory_space<vmem>>) dst(%dma_wait3A_334 : memref<512x128xf32, #tpu.memory_space<vmem_shared>>)
      } else {
      }
      %dma_start3A_247 = arith.constant 0 : i32
      %dma_start3A_248 = tpu.memref_slice %arg5[%dma_start3A_247] : memref<50000xi32, #tpu.memory_space<hbm>> -> memref<50000xi32, #tpu.memory_space<hbm>>
      tpu.enqueue_indirect_dma source(%dma_start3A_248 : memref<50000xi32, #tpu.memory_space<hbm>>) target(%arg15 : memref<128xi32, #tpu.memory_space<vmem>>) offsets(%arg12 : memref<128xi32, #tpu.memory_space<vmem>>) semaphore(%arg36 : memref<!tpu.dma_semaphore, #tpu.memory_space<semaphore_mem>>)
      %dma_wait3A_249 = arith.constant 0 : i32
      %dma_wait3A_250 = tpu.memref_slice %arg3[%mul3A_218, %dma_wait3A_249] : memref<800000x128xf32, #tpu.memory_space<hbm>> -> memref<128x128xf32, #tpu.memory_space<hbm>>
      %dma_wait3A_251 = arith.constant 0 : i32
      %dma_wait3A_252 = tpu.memref_slice %arg3[%mul3A_218, %dma_wait3A_251] : memref<800000x128xf32, #tpu.memory_space<hbm>> -> memref<128x128xf32, #tpu.memory_space<hbm>>
      tpu.wait_dma2 semaphore(%arg32 : memref<!tpu.dma_semaphore, #tpu.memory_space<semaphore_mem>>) src(%dma_wait3A_252 : memref<128x128xf32, #tpu.memory_space<hbm>>) dst(%arg18 : memref<128x128xf32, #tpu.memory_space<vmem>>)
      %dma_wait3A_253 = arith.constant 0 : i32
      %dma_wait3A_254 = arith.constant 0 : i32
      %dma_wait3A_255 = tpu.memref_slice %arg2[%dma_wait3A_253, %dma_wait3A_254] : memref<50000x128xf32, #tpu.memory_space<hbm>> -> memref<50000x128xf32, #tpu.memory_space<hbm>>
      tpu.wait_indirect_dma semaphore(%arg34 : memref<!tpu.dma_semaphore, #tpu.memory_space<semaphore_mem>>) src(%dma_wait3A_255 : memref<50000x128xf32, #tpu.memory_space<hbm>>) dst(%arg20 : memref<128x128xf32, #tpu.memory_space<vmem>>)
      %dma_wait3A_256 = arith.constant 0 : i32
      %dma_wait3A_257 = tpu.memref_slice %arg5[%dma_wait3A_256] : memref<50000xi32, #tpu.memory_space<hbm>> -> memref<50000xi32, #tpu.memory_space<hbm>>
      tpu.wait_indirect_dma semaphore(%arg36 : memref<!tpu.dma_semaphore, #tpu.memory_space<semaphore_mem>>) src(%dma_wait3A_257 : memref<50000xi32, #tpu.memory_space<hbm>>) dst(%arg15 : memref<128xi32, #tpu.memory_space<vmem>>)
      %convert_element_type3A_258 = arith.extui %lt3A_227 : i1 to i32
      %cond3A_259 = arith.constant 0 : i32
      %cond3A_260 = arith.cmpi ne, %convert_element_type3A_258, %cond3A_259 : i32
      scf.if %cond3A_260 {
        %dma_start3A_332 = arith.constant 0 : i32
        %dma_start3A_333 = tpu.memref_slice %arg4[%dma_start3A_332, %add3A_222] : memref<2x800000xi32, #tpu.memory_space<hbm>> -> memref<1x128xi32, #tpu.memory_space<hbm>>
        %dma_start3A_334 = tpu.memref_squeeze %dma_start3A_333 : memref<1x128xi32, #tpu.memory_space<hbm>> -> memref<128xi32, #tpu.memory_space<hbm>>
        %dma_start3A_335 = tpu.memref_slice %arg4[%dma_start3A_332, %add3A_222] : memref<2x800000xi32, #tpu.memory_space<hbm>> -> memref<1x128xi32, #tpu.memory_space<hbm>>
        %dma_start3A_336 = tpu.memref_squeeze %dma_start3A_335 : memref<1x128xi32, #tpu.memory_space<hbm>> -> memref<128xi32, #tpu.memory_space<hbm>>
        tpu.enqueue_dma source(%dma_start3A_336 : memref<128xi32, #tpu.memory_space<hbm>>) target(%arg11 : memref<128xi32, #tpu.memory_space<vmem>>) target_semaphore(%arg30 : memref<!tpu.dma_semaphore, #tpu.memory_space<semaphore_mem>>)
        %dma_start3A_337 = arith.constant 1 : i32
        %dma_start3A_338 = tpu.memref_slice %arg4[%dma_start3A_337, %add3A_222] : memref<2x800000xi32, #tpu.memory_space<hbm>> -> memref<1x128xi32, #tpu.memory_space<hbm>>
        %dma_start3A_339 = tpu.memref_squeeze %dma_start3A_338 : memref<1x128xi32, #tpu.memory_space<hbm>> -> memref<128xi32, #tpu.memory_space<hbm>>
        %dma_start3A_340 = tpu.memref_slice %arg4[%dma_start3A_337, %add3A_222] : memref<2x800000xi32, #tpu.memory_space<hbm>> -> memref<1x128xi32, #tpu.memory_space<hbm>>
        %dma_start3A_341 = tpu.memref_squeeze %dma_start3A_340 : memref<1x128xi32, #tpu.memory_space<hbm>> -> memref<128xi32, #tpu.memory_space<hbm>>
        tpu.enqueue_dma source(%dma_start3A_341 : memref<128xi32, #tpu.memory_space<hbm>>) target(%arg12 : memref<128xi32, #tpu.memory_space<vmem>>) target_semaphore(%arg30 : memref<!tpu.dma_semaphore, #tpu.memory_space<semaphore_mem>>)
      } else {
      }
      %scan3A_261 = arith.constant 0 : i32
      %scan3A_262 = arith.constant 64 : i32
      %scan3A_263 = arith.addi %scan3A_261, %scan3A_262 : i32
      %scan3A_264 = arith.constant 1 : i32
      %scan3A_265:8 = scf.for %scan3A_332 = %scan3A_261 to %scan3A_263 step %scan3A_264 iter_args(%scan3A_333 = %while3A_206, %scan3A_334 = %while3A_207, %scan3A_335 = %while3A_208, %scan3A_336 = %while3A_209, %scan3A_337 = %while3A_210, %scan3A_338 = %while3A_211, %scan3A_339 = %while3A_212, %scan3A_340 = %while3A_213) -> (vector<16xf32>, vector<16xf32>, vector<16xf32>, vector<16xf32>, vector<16xf32>, vector<16xf32>, vector<16xf32>, vector<16xf32>)  : i32 {
        %mul3A_341 = arith.constant 2 : i32
        %mul3A_342 = arith.muli %mul3A_341, %scan3A_332 : i32
        %add3A_343 = arith.constant 0 : i32
        %add3A_344 = arith.addi %mul3A_342, %add3A_343 : i32
        %get3A_345 = arith.index_cast %add3A_344 : i32 to index
        %get3A_346 = arith.constant 0 : index
        %get3A_347 = tpu.vector_load %arg18[%get3A_345, %get3A_346] {strides = array<i32>} : memref<128x128xf32, #tpu.memory_space<vmem>>, vector<16xf32>,
        %get3A_348 = arith.index_cast %add3A_344 : i32 to index
        %get3A_349 = arith.constant 0 : index
        %get3A_350 = tpu.vector_load %arg20[%get3A_348, %get3A_349] {strides = array<i32>} : memref<128x128xf32, #tpu.memory_space<vmem>>, vector<16xf32>,
        %add3A_351 = arith.addf %get3A_347, %get3A_350 : vector<16xf32>
        %mul3A_352 = arith.constant 0.00999999977 : f32
        %mul3A_353 = vector.broadcast %mul3A_352 : f32 to vector<16xf32>
        %mul3A_354 = arith.mulf %mul3A_353, %add3A_351 : vector<16xf32>
        %max3A = arith.maximumf %add3A_351, %mul3A_354 : vector<16xf32>
        %swap3A_355 = arith.index_cast %add3A_344 : i32 to index
        %swap3A_356 = arith.constant 0 : index
        %swap3A_357 = tpu.vector_load %arg22[%swap3A_355, %swap3A_356] {strides = array<i32>} : memref<128x128xf32, #tpu.memory_space<vmem>>, vector<16xf32>,
        tpu.vector_store %arg22[%swap3A_355, %swap3A_356], %max3A {strides = array<i32>} : memref<128x128xf32, #tpu.memory_space<vmem>>, vector<16xf32>,
        %mul3A_358 = arith.mulf %max3A, %max3A : vector<16xf32>
        %add3A_359 = arith.addf %scan3A_333, %mul3A_358 : vector<16xf32>
        %get3A_360 = arith.index_cast %add3A_344 : i32 to index
        %get3A_361 = arith.constant 16 : index
        %get3A_362 = tpu.vector_load %arg18[%get3A_360, %get3A_361] {strides = array<i32>} : memref<128x128xf32, #tpu.memory_space<vmem>>, vector<16xf32>,
        %get3A_363 = arith.index_cast %add3A_344 : i32 to index
        %get3A_364 = arith.constant 16 : index
        %get3A_365 = tpu.vector_load %arg20[%get3A_363, %get3A_364] {strides = array<i32>} : memref<128x128xf32, #tpu.memory_space<vmem>>, vector<16xf32>,
        %add3A_366 = arith.addf %get3A_362, %get3A_365 : vector<16xf32>
        %mul3A_367 = arith.constant 0.00999999977 : f32
        %mul3A_368 = vector.broadcast %mul3A_367 : f32 to vector<16xf32>
        %mul3A_369 = arith.mulf %mul3A_368, %add3A_366 : vector<16xf32>
        %max3A_370 = arith.maximumf %add3A_366, %mul3A_369 : vector<16xf32>
        %swap3A_371 = arith.index_cast %add3A_344 : i32 to index
        %swap3A_372 = arith.constant 16 : index
        %swap3A_373 = tpu.vector_load %arg22[%swap3A_371, %swap3A_372] {strides = array<i32>} : memref<128x128xf32, #tpu.memory_space<vmem>>, vector<16xf32>,
        tpu.vector_store %arg22[%swap3A_371, %swap3A_372], %max3A_370 {strides = array<i32>} : memref<128x128xf32, #tpu.memory_space<vmem>>, vector<16xf32>,
        %mul3A_374 = arith.mulf %max3A_370, %max3A_370 : vector<16xf32>
        %add3A_375 = arith.addf %scan3A_334, %mul3A_374 : vector<16xf32>
        %get3A_376 = arith.index_cast %add3A_344 : i32 to index
        %get3A_377 = arith.constant 32 : index
        %get3A_378 = tpu.vector_load %arg18[%get3A_376, %get3A_377] {strides = array<i32>} : memref<128x128xf32, #tpu.memory_space<vmem>>, vector<16xf32>,
        %get3A_379 = arith.index_cast %add3A_344 : i32 to index
        %get3A_380 = arith.constant 32 : index
        %get3A_381 = tpu.vector_load %arg20[%get3A_379, %get3A_380] {strides = array<i32>} : memref<128x128xf32, #tpu.memory_space<vmem>>, vector<16xf32>,
        %add3A_382 = arith.addf %get3A_378, %get3A_381 : vector<16xf32>
        %mul3A_383 = arith.constant 0.00999999977 : f32
        %mul3A_384 = vector.broadcast %mul3A_383 : f32 to vector<16xf32>
        %mul3A_385 = arith.mulf %mul3A_384, %add3A_382 : vector<16xf32>
        %max3A_386 = arith.maximumf %add3A_382, %mul3A_385 : vector<16xf32>
        %swap3A_387 = arith.index_cast %add3A_344 : i32 to index
        %swap3A_388 = arith.constant 32 : index
        %swap3A_389 = tpu.vector_load %arg22[%swap3A_387, %swap3A_388] {strides = array<i32>} : memref<128x128xf32, #tpu.memory_space<vmem>>, vector<16xf32>,
        tpu.vector_store %arg22[%swap3A_387, %swap3A_388], %max3A_386 {strides = array<i32>} : memref<128x128xf32, #tpu.memory_space<vmem>>, vector<16xf32>,
        %mul3A_390 = arith.mulf %max3A_386, %max3A_386 : vector<16xf32>
        %add3A_391 = arith.addf %scan3A_335, %mul3A_390 : vector<16xf32>
        %get3A_392 = arith.index_cast %add3A_344 : i32 to index
        %get3A_393 = arith.constant 48 : index
        %get3A_394 = tpu.vector_load %arg18[%get3A_392, %get3A_393] {strides = array<i32>} : memref<128x128xf32, #tpu.memory_space<vmem>>, vector<16xf32>,
        %get3A_395 = arith.index_cast %add3A_344 : i32 to index
        %get3A_396 = arith.constant 48 : index
        %get3A_397 = tpu.vector_load %arg20[%get3A_395, %get3A_396] {strides = array<i32>} : memref<128x128xf32, #tpu.memory_space<vmem>>, vector<16xf32>,
        %add3A_398 = arith.addf %get3A_394, %get3A_397 : vector<16xf32>
        %mul3A_399 = arith.constant 0.00999999977 : f32
        %mul3A_400 = vector.broadcast %mul3A_399 : f32 to vector<16xf32>
        %mul3A_401 = arith.mulf %mul3A_400, %add3A_398 : vector<16xf32>
        %max3A_402 = arith.maximumf %add3A_398, %mul3A_401 : vector<16xf32>
        %swap3A_403 = arith.index_cast %add3A_344 : i32 to index
        %swap3A_404 = arith.constant 48 : index
        %swap3A_405 = tpu.vector_load %arg22[%swap3A_403, %swap3A_404] {strides = array<i32>} : memref<128x128xf32, #tpu.memory_space<vmem>>, vector<16xf32>,
        tpu.vector_store %arg22[%swap3A_403, %swap3A_404], %max3A_402 {strides = array<i32>} : memref<128x128xf32, #tpu.memory_space<vmem>>, vector<16xf32>,
        %mul3A_406 = arith.mulf %max3A_402, %max3A_402 : vector<16xf32>
        %add3A_407 = arith.addf %scan3A_336, %mul3A_406 : vector<16xf32>
        %get3A_408 = arith.index_cast %add3A_344 : i32 to index
        %get3A_409 = arith.constant 64 : index
        %get3A_410 = tpu.vector_load %arg18[%get3A_408, %get3A_409] {strides = array<i32>} : memref<128x128xf32, #tpu.memory_space<vmem>>, vector<16xf32>,
        %get3A_411 = arith.index_cast %add3A_344 : i32 to index
        %get3A_412 = arith.constant 64 : index
        %get3A_413 = tpu.vector_load %arg20[%get3A_411, %get3A_412] {strides = array<i32>} : memref<128x128xf32, #tpu.memory_space<vmem>>, vector<16xf32>,
        %add3A_414 = arith.addf %get3A_410, %get3A_413 : vector<16xf32>
        %mul3A_415 = arith.constant 0.00999999977 : f32
        %mul3A_416 = vector.broadcast %mul3A_415 : f32 to vector<16xf32>
        %mul3A_417 = arith.mulf %mul3A_416, %add3A_414 : vector<16xf32>
        %max3A_418 = arith.maximumf %add3A_414, %mul3A_417 : vector<16xf32>
        %swap3A_419 = arith.index_cast %add3A_344 : i32 to index
        %swap3A_420 = arith.constant 64 : index
        %swap3A_421 = tpu.vector_load %arg22[%swap3A_419, %swap3A_420] {strides = array<i32>} : memref<128x128xf32, #tpu.memory_space<vmem>>, vector<16xf32>,
        tpu.vector_store %arg22[%swap3A_419, %swap3A_420], %max3A_418 {strides = array<i32>} : memref<128x128xf32, #tpu.memory_space<vmem>>, vector<16xf32>,
        %mul3A_422 = arith.mulf %max3A_418, %max3A_418 : vector<16xf32>
        %add3A_423 = arith.addf %scan3A_337, %mul3A_422 : vector<16xf32>
        %get3A_424 = arith.index_cast %add3A_344 : i32 to index
        %get3A_425 = arith.constant 80 : index
        %get3A_426 = tpu.vector_load %arg18[%get3A_424, %get3A_425] {strides = array<i32>} : memref<128x128xf32, #tpu.memory_space<vmem>>, vector<16xf32>,
        %get3A_427 = arith.index_cast %add3A_344 : i32 to index
        %get3A_428 = arith.constant 80 : index
        %get3A_429 = tpu.vector_load %arg20[%get3A_427, %get3A_428] {strides = array<i32>} : memref<128x128xf32, #tpu.memory_space<vmem>>, vector<16xf32>,
        %add3A_430 = arith.addf %get3A_426, %get3A_429 : vector<16xf32>
        %mul3A_431 = arith.constant 0.00999999977 : f32
        %mul3A_432 = vector.broadcast %mul3A_431 : f32 to vector<16xf32>
        %mul3A_433 = arith.mulf %mul3A_432, %add3A_430 : vector<16xf32>
        %max3A_434 = arith.maximumf %add3A_430, %mul3A_433 : vector<16xf32>
        %swap3A_435 = arith.index_cast %add3A_344 : i32 to index
        %swap3A_436 = arith.constant 80 : index
        %swap3A_437 = tpu.vector_load %arg22[%swap3A_435, %swap3A_436] {strides = array<i32>} : memref<128x128xf32, #tpu.memory_space<vmem>>, vector<16xf32>,
        tpu.vector_store %arg22[%swap3A_435, %swap3A_436], %max3A_434 {strides = array<i32>} : memref<128x128xf32, #tpu.memory_space<vmem>>, vector<16xf32>,
        %mul3A_438 = arith.mulf %max3A_434, %max3A_434 : vector<16xf32>
        %add3A_439 = arith.addf %scan3A_338, %mul3A_438 : vector<16xf32>
        %get3A_440 = arith.index_cast %add3A_344 : i32 to index
        %get3A_441 = arith.constant 96 : index
        %get3A_442 = tpu.vector_load %arg18[%get3A_440, %get3A_441] {strides = array<i32>} : memref<128x128xf32, #tpu.memory_space<vmem>>, vector<16xf32>,
        %get3A_443 = arith.index_cast %add3A_344 : i32 to index
        %get3A_444 = arith.constant 96 : index
        %get3A_445 = tpu.vector_load %arg20[%get3A_443, %get3A_444] {strides = array<i32>} : memref<128x128xf32, #tpu.memory_space<vmem>>, vector<16xf32>,
        %add3A_446 = arith.addf %get3A_442, %get3A_445 : vector<16xf32>
        %mul3A_447 = arith.constant 0.00999999977 : f32
        %mul3A_448 = vector.broadcast %mul3A_447 : f32 to vector<16xf32>
        %mul3A_449 = arith.mulf %mul3A_448, %add3A_446 : vector<16xf32>
        %max3A_450 = arith.maximumf %add3A_446, %mul3A_449 : vector<16xf32>
        %swap3A_451 = arith.index_cast %add3A_344 : i32 to index
        %swap3A_452 = arith.constant 96 : index
        %swap3A_453 = tpu.vector_load %arg22[%swap3A_451, %swap3A_452] {strides = array<i32>} : memref<128x128xf32, #tpu.memory_space<vmem>>, vector<16xf32>,
        tpu.vector_store %arg22[%swap3A_451, %swap3A_452], %max3A_450 {strides = array<i32>} : memref<128x128xf32, #tpu.memory_space<vmem>>, vector<16xf32>,
        %mul3A_454 = arith.mulf %max3A_450, %max3A_450 : vector<16xf32>
        %add3A_455 = arith.addf %scan3A_339, %mul3A_454 : vector<16xf32>
        %get3A_456 = arith.index_cast %add3A_344 : i32 to index
        %get3A_457 = arith.constant 112 : index
        %get3A_458 = tpu.vector_load %arg18[%get3A_456, %get3A_457] {strides = array<i32>} : memref<128x128xf32, #tpu.memory_space<vmem>>, vector<16xf32>,
        %get3A_459 = arith.index_cast %add3A_344 : i32 to index
        %get3A_460 = arith.constant 112 : index
        %get3A_461 = tpu.vector_load %arg20[%get3A_459, %get3A_460] {strides = array<i32>} : memref<128x128xf32, #tpu.memory_space<vmem>>, vector<16xf32>,
        %add3A_462 = arith.addf %get3A_458, %get3A_461 : vector<16xf32>
        %mul3A_463 = arith.constant 0.00999999977 : f32
        %mul3A_464 = vector.broadcast %mul3A_463 : f32 to vector<16xf32>
        %mul3A_465 = arith.mulf %mul3A_464, %add3A_462 : vector<16xf32>
        %max3A_466 = arith.maximumf %add3A_462, %mul3A_465 : vector<16xf32>
        %swap3A_467 = arith.index_cast %add3A_344 : i32 to index
        %swap3A_468 = arith.constant 112 : index
        %swap3A_469 = tpu.vector_load %arg22[%swap3A_467, %swap3A_468] {strides = array<i32>} : memref<128x128xf32, #tpu.memory_space<vmem>>, vector<16xf32>,
        tpu.vector_store %arg22[%swap3A_467, %swap3A_468], %max3A_466 {strides = array<i32>} : memref<128x128xf32, #tpu.memory_space<vmem>>, vector<16xf32>,
        %mul3A_470 = arith.mulf %max3A_466, %max3A_466 : vector<16xf32>
        %add3A_471 = arith.addf %scan3A_340, %mul3A_470 : vector<16xf32>
        %mul3A_472 = arith.constant 2 : i32
        %mul3A_473 = arith.muli %mul3A_472, %scan3A_332 : i32
        %add3A_474 = arith.constant 1 : i32
        %add3A_475 = arith.addi %mul3A_473, %add3A_474 : i32
        %get3A_476 = arith.index_cast %add3A_475 : i32 to index
        %get3A_477 = arith.constant 0 : index
        %get3A_478 = tpu.vector_load %arg18[%get3A_476, %get3A_477] {strides = array<i32>} : memref<128x128xf32, #tpu.memory_space<vmem>>, vector<16xf32>,
        %get3A_479 = arith.index_cast %add3A_475 : i32 to index
        %get3A_480 = arith.constant 0 : index
        %get3A_481 = tpu.vector_load %arg20[%get3A_479, %get3A_480] {strides = array<i32>} : memref<128x128xf32, #tpu.memory_space<vmem>>, vector<16xf32>,
        %add3A_482 = arith.addf %get3A_478, %get3A_481 : vector<16xf32>
        %mul3A_483 = arith.constant 0.00999999977 : f32
        %mul3A_484 = vector.broadcast %mul3A_483 : f32 to vector<16xf32>
        %mul3A_485 = arith.mulf %mul3A_484, %add3A_482 : vector<16xf32>
        %max3A_486 = arith.maximumf %add3A_482, %mul3A_485 : vector<16xf32>
        %swap3A_487 = arith.index_cast %add3A_475 : i32 to index
        %swap3A_488 = arith.constant 0 : index
        %swap3A_489 = tpu.vector_load %arg22[%swap3A_487, %swap3A_488] {strides = array<i32>} : memref<128x128xf32, #tpu.memory_space<vmem>>, vector<16xf32>,
        tpu.vector_store %arg22[%swap3A_487, %swap3A_488], %max3A_486 {strides = array<i32>} : memref<128x128xf32, #tpu.memory_space<vmem>>, vector<16xf32>,
        %mul3A_490 = arith.mulf %max3A_486, %max3A_486 : vector<16xf32>
        %add3A_491 = arith.addf %add3A_359, %mul3A_490 : vector<16xf32>
        %get3A_492 = arith.index_cast %add3A_475 : i32 to index
        %get3A_493 = arith.constant 16 : index
        %get3A_494 = tpu.vector_load %arg18[%get3A_492, %get3A_493] {strides = array<i32>} : memref<128x128xf32, #tpu.memory_space<vmem>>, vector<16xf32>,
        %get3A_495 = arith.index_cast %add3A_475 : i32 to index
        %get3A_496 = arith.constant 16 : index
        %get3A_497 = tpu.vector_load %arg20[%get3A_495, %get3A_496] {strides = array<i32>} : memref<128x128xf32, #tpu.memory_space<vmem>>, vector<16xf32>,
        %add3A_498 = arith.addf %get3A_494, %get3A_497 : vector<16xf32>
        %mul3A_499 = arith.constant 0.00999999977 : f32
        %mul3A_500 = vector.broadcast %mul3A_499 : f32 to vector<16xf32>
        %mul3A_501 = arith.mulf %mul3A_500, %add3A_498 : vector<16xf32>
        %max3A_502 = arith.maximumf %add3A_498, %mul3A_501 : vector<16xf32>
        %swap3A_503 = arith.index_cast %add3A_475 : i32 to index
        %swap3A_504 = arith.constant 16 : index
        %swap3A_505 = tpu.vector_load %arg22[%swap3A_503, %swap3A_504] {strides = array<i32>} : memref<128x128xf32, #tpu.memory_space<vmem>>, vector<16xf32>,
        tpu.vector_store %arg22[%swap3A_503, %swap3A_504], %max3A_502 {strides = array<i32>} : memref<128x128xf32, #tpu.memory_space<vmem>>, vector<16xf32>,
        %mul3A_506 = arith.mulf %max3A_502, %max3A_502 : vector<16xf32>
        %add3A_507 = arith.addf %add3A_375, %mul3A_506 : vector<16xf32>
        %get3A_508 = arith.index_cast %add3A_475 : i32 to index
        %get3A_509 = arith.constant 32 : index
        %get3A_510 = tpu.vector_load %arg18[%get3A_508, %get3A_509] {strides = array<i32>} : memref<128x128xf32, #tpu.memory_space<vmem>>, vector<16xf32>,
        %get3A_511 = arith.index_cast %add3A_475 : i32 to index
        %get3A_512 = arith.constant 32 : index
        %get3A_513 = tpu.vector_load %arg20[%get3A_511, %get3A_512] {strides = array<i32>} : memref<128x128xf32, #tpu.memory_space<vmem>>, vector<16xf32>,
        %add3A_514 = arith.addf %get3A_510, %get3A_513 : vector<16xf32>
        %mul3A_515 = arith.constant 0.00999999977 : f32
        %mul3A_516 = vector.broadcast %mul3A_515 : f32 to vector<16xf32>
        %mul3A_517 = arith.mulf %mul3A_516, %add3A_514 : vector<16xf32>
        %max3A_518 = arith.maximumf %add3A_514, %mul3A_517 : vector<16xf32>
        %swap3A_519 = arith.index_cast %add3A_475 : i32 to index
        %swap3A_520 = arith.constant 32 : index
        %swap3A_521 = tpu.vector_load %arg22[%swap3A_519, %swap3A_520] {strides = array<i32>} : memref<128x128xf32, #tpu.memory_space<vmem>>, vector<16xf32>,
        tpu.vector_store %arg22[%swap3A_519, %swap3A_520], %max3A_518 {strides = array<i32>} : memref<128x128xf32, #tpu.memory_space<vmem>>, vector<16xf32>,
        %mul3A_522 = arith.mulf %max3A_518, %max3A_518 : vector<16xf32>
        %add3A_523 = arith.addf %add3A_391, %mul3A_522 : vector<16xf32>
        %get3A_524 = arith.index_cast %add3A_475 : i32 to index
        %get3A_525 = arith.constant 48 : index
        %get3A_526 = tpu.vector_load %arg18[%get3A_524, %get3A_525] {strides = array<i32>} : memref<128x128xf32, #tpu.memory_space<vmem>>, vector<16xf32>,
        %get3A_527 = arith.index_cast %add3A_475 : i32 to index
        %get3A_528 = arith.constant 48 : index
        %get3A_529 = tpu.vector_load %arg20[%get3A_527, %get3A_528] {strides = array<i32>} : memref<128x128xf32, #tpu.memory_space<vmem>>, vector<16xf32>,
        %add3A_530 = arith.addf %get3A_526, %get3A_529 : vector<16xf32>
        %mul3A_531 = arith.constant 0.00999999977 : f32
        %mul3A_532 = vector.broadcast %mul3A_531 : f32 to vector<16xf32>
        %mul3A_533 = arith.mulf %mul3A_532, %add3A_530 : vector<16xf32>
        %max3A_534 = arith.maximumf %add3A_530, %mul3A_533 : vector<16xf32>
        %swap3A_535 = arith.index_cast %add3A_475 : i32 to index
        %swap3A_536 = arith.constant 48 : index
        %swap3A_537 = tpu.vector_load %arg22[%swap3A_535, %swap3A_536] {strides = array<i32>} : memref<128x128xf32, #tpu.memory_space<vmem>>, vector<16xf32>,
        tpu.vector_store %arg22[%swap3A_535, %swap3A_536], %max3A_534 {strides = array<i32>} : memref<128x128xf32, #tpu.memory_space<vmem>>, vector<16xf32>,
        %mul3A_538 = arith.mulf %max3A_534, %max3A_534 : vector<16xf32>
        %add3A_539 = arith.addf %add3A_407, %mul3A_538 : vector<16xf32>
        %get3A_540 = arith.index_cast %add3A_475 : i32 to index
        %get3A_541 = arith.constant 64 : index
        %get3A_542 = tpu.vector_load %arg18[%get3A_540, %get3A_541] {strides = array<i32>} : memref<128x128xf32, #tpu.memory_space<vmem>>, vector<16xf32>,
        %get3A_543 = arith.index_cast %add3A_475 : i32 to index
        %get3A_544 = arith.constant 64 : index
        %get3A_545 = tpu.vector_load %arg20[%get3A_543, %get3A_544] {strides = array<i32>} : memref<128x128xf32, #tpu.memory_space<vmem>>, vector<16xf32>,
        %add3A_546 = arith.addf %get3A_542, %get3A_545 : vector<16xf32>
        %mul3A_547 = arith.constant 0.00999999977 : f32
        %mul3A_548 = vector.broadcast %mul3A_547 : f32 to vector<16xf32>
        %mul3A_549 = arith.mulf %mul3A_548, %add3A_546 : vector<16xf32>
        %max3A_550 = arith.maximumf %add3A_546, %mul3A_549 : vector<16xf32>
        %swap3A_551 = arith.index_cast %add3A_475 : i32 to index
        %swap3A_552 = arith.constant 64 : index
        %swap3A_553 = tpu.vector_load %arg22[%swap3A_551, %swap3A_552] {strides = array<i32>} : memref<128x128xf32, #tpu.memory_space<vmem>>, vector<16xf32>,
        tpu.vector_store %arg22[%swap3A_551, %swap3A_552], %max3A_550 {strides = array<i32>} : memref<128x128xf32, #tpu.memory_space<vmem>>, vector<16xf32>,
        %mul3A_554 = arith.mulf %max3A_550, %max3A_550 : vector<16xf32>
        %add3A_555 = arith.addf %add3A_423, %mul3A_554 : vector<16xf32>
        %get3A_556 = arith.index_cast %add3A_475 : i32 to index
        %get3A_557 = arith.constant 80 : index
        %get3A_558 = tpu.vector_load %arg18[%get3A_556, %get3A_557] {strides = array<i32>} : memref<128x128xf32, #tpu.memory_space<vmem>>, vector<16xf32>,
        %get3A_559 = arith.index_cast %add3A_475 : i32 to index
        %get3A_560 = arith.constant 80 : index
        %get3A_561 = tpu.vector_load %arg20[%get3A_559, %get3A_560] {strides = array<i32>} : memref<128x128xf32, #tpu.memory_space<vmem>>, vector<16xf32>,
        %add3A_562 = arith.addf %get3A_558, %get3A_561 : vector<16xf32>
        %mul3A_563 = arith.constant 0.00999999977 : f32
        %mul3A_564 = vector.broadcast %mul3A_563 : f32 to vector<16xf32>
        %mul3A_565 = arith.mulf %mul3A_564, %add3A_562 : vector<16xf32>
        %max3A_566 = arith.maximumf %add3A_562, %mul3A_565 : vector<16xf32>
        %swap3A_567 = arith.index_cast %add3A_475 : i32 to index
        %swap3A_568 = arith.constant 80 : index
        %swap3A_569 = tpu.vector_load %arg22[%swap3A_567, %swap3A_568] {strides = array<i32>} : memref<128x128xf32, #tpu.memory_space<vmem>>, vector<16xf32>,
        tpu.vector_store %arg22[%swap3A_567, %swap3A_568], %max3A_566 {strides = array<i32>} : memref<128x128xf32, #tpu.memory_space<vmem>>, vector<16xf32>,
        %mul3A_570 = arith.mulf %max3A_566, %max3A_566 : vector<16xf32>
        %add3A_571 = arith.addf %add3A_439, %mul3A_570 : vector<16xf32>
        %get3A_572 = arith.index_cast %add3A_475 : i32 to index
        %get3A_573 = arith.constant 96 : index
        %get3A_574 = tpu.vector_load %arg18[%get3A_572, %get3A_573] {strides = array<i32>} : memref<128x128xf32, #tpu.memory_space<vmem>>, vector<16xf32>,
        %get3A_575 = arith.index_cast %add3A_475 : i32 to index
        %get3A_576 = arith.constant 96 : index
        %get3A_577 = tpu.vector_load %arg20[%get3A_575, %get3A_576] {strides = array<i32>} : memref<128x128xf32, #tpu.memory_space<vmem>>, vector<16xf32>,
        %add3A_578 = arith.addf %get3A_574, %get3A_577 : vector<16xf32>
        %mul3A_579 = arith.constant 0.00999999977 : f32
        %mul3A_580 = vector.broadcast %mul3A_579 : f32 to vector<16xf32>
        %mul3A_581 = arith.mulf %mul3A_580, %add3A_578 : vector<16xf32>
        %max3A_582 = arith.maximumf %add3A_578, %mul3A_581 : vector<16xf32>
        %swap3A_583 = arith.index_cast %add3A_475 : i32 to index
        %swap3A_584 = arith.constant 96 : index
        %swap3A_585 = tpu.vector_load %arg22[%swap3A_583, %swap3A_584] {strides = array<i32>} : memref<128x128xf32, #tpu.memory_space<vmem>>, vector<16xf32>,
        tpu.vector_store %arg22[%swap3A_583, %swap3A_584], %max3A_582 {strides = array<i32>} : memref<128x128xf32, #tpu.memory_space<vmem>>, vector<16xf32>,
        %mul3A_586 = arith.mulf %max3A_582, %max3A_582 : vector<16xf32>
        %add3A_587 = arith.addf %add3A_455, %mul3A_586 : vector<16xf32>
        %get3A_588 = arith.index_cast %add3A_475 : i32 to index
        %get3A_589 = arith.constant 112 : index
        %get3A_590 = tpu.vector_load %arg18[%get3A_588, %get3A_589] {strides = array<i32>} : memref<128x128xf32, #tpu.memory_space<vmem>>, vector<16xf32>,
        %get3A_591 = arith.index_cast %add3A_475 : i32 to index
        %get3A_592 = arith.constant 112 : index
        %get3A_593 = tpu.vector_load %arg20[%get3A_591, %get3A_592] {strides = array<i32>} : memref<128x128xf32, #tpu.memory_space<vmem>>, vector<16xf32>,
        %add3A_594 = arith.addf %get3A_590, %get3A_593 : vector<16xf32>
        %mul3A_595 = arith.constant 0.00999999977 : f32
        %mul3A_596 = vector.broadcast %mul3A_595 : f32 to vector<16xf32>
        %mul3A_597 = arith.mulf %mul3A_596, %add3A_594 : vector<16xf32>
        %max3A_598 = arith.maximumf %add3A_594, %mul3A_597 : vector<16xf32>
        %swap3A_599 = arith.index_cast %add3A_475 : i32 to index
        %swap3A_600 = arith.constant 112 : index
        %swap3A_601 = tpu.vector_load %arg22[%swap3A_599, %swap3A_600] {strides = array<i32>} : memref<128x128xf32, #tpu.memory_space<vmem>>, vector<16xf32>,
        tpu.vector_store %arg22[%swap3A_599, %swap3A_600], %max3A_598 {strides = array<i32>} : memref<128x128xf32, #tpu.memory_space<vmem>>, vector<16xf32>,
        %mul3A_602 = arith.mulf %max3A_598, %max3A_598 : vector<16xf32>
        %add3A_603 = arith.addf %add3A_471, %mul3A_602 : vector<16xf32>
        scf.yield %add3A_491, %add3A_507, %add3A_523, %add3A_539, %add3A_555, %add3A_571, %add3A_587, %add3A_603 : vector<16xf32>, vector<16xf32>, vector<16xf32>, vector<16xf32>, vector<16xf32>, vector<16xf32>, vector<16xf32>, vector<16xf32>
      }
      %scan3A_266 = arith.constant 64 : i32
      %get3A = arith.constant 0 : index
      %get3A_267 = tpu.vector_load %arg15[%get3A] {strides = array<i32>} : memref<128xi32, #tpu.memory_space<vmem>>, vector<16xi32>,
      tpu.vector_store_idx %arg24[%get3A_267], %broadcast_in_dim3A_3 {add = true} : memref<512xf32, #tpu.memory_space<vmem>>[vector<16xi32>], vector<16xf32>,
      %get3A_268 = arith.constant 16 : index
      %get3A_269 = tpu.vector_load %arg15[%get3A_268] {strides = array<i32>} : memref<128xi32, #tpu.memory_space<vmem>>, vector<16xi32>,
      tpu.vector_store_idx %arg24[%get3A_269], %broadcast_in_dim3A_3 {add = true} : memref<512xf32, #tpu.memory_space<vmem>>[vector<16xi32>], vector<16xf32>,
      %get3A_270 = arith.constant 32 : index
      %get3A_271 = tpu.vector_load %arg15[%get3A_270] {strides = array<i32>} : memref<128xi32, #tpu.memory_space<vmem>>, vector<16xi32>,
      tpu.vector_store_idx %arg24[%get3A_271], %broadcast_in_dim3A_3 {add = true} : memref<512xf32, #tpu.memory_space<vmem>>[vector<16xi32>], vector<16xf32>,
      %get3A_272 = arith.constant 48 : index
      %get3A_273 = tpu.vector_load %arg15[%get3A_272] {strides = array<i32>} : memref<128xi32, #tpu.memory_space<vmem>>, vector<16xi32>,
      tpu.vector_store_idx %arg24[%get3A_273], %broadcast_in_dim3A_3 {add = true} : memref<512xf32, #tpu.memory_space<vmem>>[vector<16xi32>], vector<16xf32>,
      %get3A_274 = arith.constant 64 : index
      %get3A_275 = tpu.vector_load %arg15[%get3A_274] {strides = array<i32>} : memref<128xi32, #tpu.memory_space<vmem>>, vector<16xi32>,
      tpu.vector_store_idx %arg24[%get3A_275], %broadcast_in_dim3A_3 {add = true} : memref<512xf32, #tpu.memory_space<vmem>>[vector<16xi32>], vector<16xf32>,
      %get3A_276 = arith.constant 80 : index
      %get3A_277 = tpu.vector_load %arg15[%get3A_276] {strides = array<i32>} : memref<128xi32, #tpu.memory_space<vmem>>, vector<16xi32>,
      tpu.vector_store_idx %arg24[%get3A_277], %broadcast_in_dim3A_3 {add = true} : memref<512xf32, #tpu.memory_space<vmem>>[vector<16xi32>], vector<16xf32>,
      %get3A_278 = arith.constant 96 : index
      %get3A_279 = tpu.vector_load %arg15[%get3A_278] {strides = array<i32>} : memref<128xi32, #tpu.memory_space<vmem>>, vector<16xi32>,
      tpu.vector_store_idx %arg24[%get3A_279], %broadcast_in_dim3A_3 {add = true} : memref<512xf32, #tpu.memory_space<vmem>>[vector<16xi32>], vector<16xf32>,
      %get3A_280 = arith.constant 112 : index
      %get3A_281 = tpu.vector_load %arg15[%get3A_280] {strides = array<i32>} : memref<128xi32, #tpu.memory_space<vmem>>, vector<16xi32>,
      tpu.vector_store_idx %arg24[%get3A_281], %broadcast_in_dim3A_3 {add = true} : memref<512xf32, #tpu.memory_space<vmem>>[vector<16xi32>], vector<16xf32>,
      %dma_start3A_282 = arith.constant 0 : i32
      %dma_start3A_283 = arith.constant 0 : i32
      %dma_start3A_284 = tpu.memref_slice %arg28[%dma_start3A_282, %dma_start3A_283] : memref<512x128xf32, #tpu.memory_space<vmem_shared>> -> memref<512x128xf32, #tpu.memory_space<vmem_shared>>
      tpu.enqueue_indirect_dma source(%arg22 : memref<128x128xf32, #tpu.memory_space<vmem>>) target(%dma_start3A_284 : memref<512x128xf32, #tpu.memory_space<vmem_shared>>) offsets(%arg15 : memref<128xi32, #tpu.memory_space<vmem>>) semaphore(%arg38 : memref<!tpu.dma_semaphore, #tpu.memory_space<semaphore_mem>>) {add = true}
      %convert_element_type3A_285 = arith.extui %lt3A_227 : i1 to i32
      %cond3A_286 = arith.constant 0 : i32
      %cond3A_287 = arith.cmpi ne, %convert_element_type3A_285, %cond3A_286 : i32
      scf.if %cond3A_287 {
        %dma_wait3A_332 = arith.constant 0 : i32
        %dma_wait3A_333 = tpu.memref_slice %arg4[%dma_wait3A_332, %add3A_222] : memref<2x800000xi32, #tpu.memory_space<hbm>> -> memref<1x128xi32, #tpu.memory_space<hbm>>
        %dma_wait3A_334 = tpu.memref_squeeze %dma_wait3A_333 : memref<1x128xi32, #tpu.memory_space<hbm>> -> memref<128xi32, #tpu.memory_space<hbm>>
        %dma_wait3A_335 = tpu.memref_slice %arg4[%dma_wait3A_332, %add3A_222] : memref<2x800000xi32, #tpu.memory_space<hbm>> -> memref<1x128xi32, #tpu.memory_space<hbm>>
        %dma_wait3A_336 = tpu.memref_squeeze %dma_wait3A_335 : memref<1x128xi32, #tpu.memory_space<hbm>> -> memref<128xi32, #tpu.memory_space<hbm>>
        tpu.wait_dma2 semaphore(%arg30 : memref<!tpu.dma_semaphore, #tpu.memory_space<semaphore_mem>>) src(%dma_wait3A_336 : memref<128xi32, #tpu.memory_space<hbm>>) dst(%arg11 : memref<128xi32, #tpu.memory_space<vmem>>)
        %dma_wait3A_337 = arith.constant 1 : i32
        %dma_wait3A_338 = tpu.memref_slice %arg4[%dma_wait3A_337, %add3A_222] : memref<2x800000xi32, #tpu.memory_space<hbm>> -> memref<1x128xi32, #tpu.memory_space<hbm>>
        %dma_wait3A_339 = tpu.memref_squeeze %dma_wait3A_338 : memref<1x128xi32, #tpu.memory_space<hbm>> -> memref<128xi32, #tpu.memory_space<hbm>>
        %dma_wait3A_340 = tpu.memref_slice %arg4[%dma_wait3A_337, %add3A_222] : memref<2x800000xi32, #tpu.memory_space<hbm>> -> memref<1x128xi32, #tpu.memory_space<hbm>>
        %dma_wait3A_341 = tpu.memref_squeeze %dma_wait3A_340 : memref<1x128xi32, #tpu.memory_space<hbm>> -> memref<128xi32, #tpu.memory_space<hbm>>
        tpu.wait_dma2 semaphore(%arg30 : memref<!tpu.dma_semaphore, #tpu.memory_space<semaphore_mem>>) src(%dma_wait3A_341 : memref<128xi32, #tpu.memory_space<hbm>>) dst(%arg12 : memref<128xi32, #tpu.memory_space<vmem>>)
        %dma_start3A_342 = arith.constant 0 : i32
        %dma_start3A_343 = tpu.memref_slice %arg3[%add3A_222, %dma_start3A_342] : memref<800000x128xf32, #tpu.memory_space<hbm>> -> memref<128x128xf32, #tpu.memory_space<hbm>>
        %dma_start3A_344 = arith.constant 0 : i32
        %dma_start3A_345 = tpu.memref_slice %arg3[%add3A_222, %dma_start3A_344] : memref<800000x128xf32, #tpu.memory_space<hbm>> -> memref<128x128xf32, #tpu.memory_space<hbm>>
        tpu.enqueue_dma source(%dma_start3A_345 : memref<128x128xf32, #tpu.memory_space<hbm>>) target(%arg18 : memref<128x128xf32, #tpu.memory_space<vmem>>) target_semaphore(%arg32 : memref<!tpu.dma_semaphore, #tpu.memory_space<semaphore_mem>>)
        %dma_start3A_346 = arith.constant 0 : i32
        %dma_start3A_347 = arith.constant 0 : i32
        %dma_start3A_348 = tpu.memref_slice %arg2[%dma_start3A_346, %dma_start3A_347] : memref<50000x128xf32, #tpu.memory_space<hbm>> -> memref<50000x128xf32, #tpu.memory_space<hbm>>
        tpu.enqueue_indirect_dma source(%dma_start3A_348 : memref<50000x128xf32, #tpu.memory_space<hbm>>) target(%arg20 : memref<128x128xf32, #tpu.memory_space<vmem>>) offsets(%arg11 : memref<128xi32, #tpu.memory_space<vmem>>) semaphore(%arg34 : memref<!tpu.dma_semaphore, #tpu.memory_space<semaphore_mem>>)
      } else {
      }
      %gt3A_288 = arith.constant 0 : i32
      %gt3A_289 = arith.cmpi sgt, %while3A_205, %gt3A_288 : i32
      %convert_element_type3A_290 = arith.extui %gt3A_289 : i1 to i32
      %cond3A_291 = arith.constant 0 : i32
      %cond3A_292 = arith.cmpi ne, %convert_element_type3A_290, %cond3A_291 : i32
      scf.if %cond3A_292 {
        %dma_wait3A_332 = arith.constant 0 : i32
        %dma_wait3A_333 = arith.constant 0 : i32
        %dma_wait3A_334 = tpu.memref_slice %arg28[%dma_wait3A_332, %dma_wait3A_333] : memref<512x128xf32, #tpu.memory_space<vmem_shared>> -> memref<512x128xf32, #tpu.memory_space<vmem_shared>>
        tpu.wait_indirect_dma semaphore(%arg39 : memref<!tpu.dma_semaphore, #tpu.memory_space<semaphore_mem>>) src(%arg23 : memref<128x128xf32, #tpu.memory_space<vmem>>) dst(%dma_wait3A_334 : memref<512x128xf32, #tpu.memory_space<vmem_shared>>)
      } else {
      }
      %dma_start3A_293 = arith.constant 0 : i32
      %dma_start3A_294 = tpu.memref_slice %arg5[%dma_start3A_293] : memref<50000xi32, #tpu.memory_space<hbm>> -> memref<50000xi32, #tpu.memory_space<hbm>>
      tpu.enqueue_indirect_dma source(%dma_start3A_294 : memref<50000xi32, #tpu.memory_space<hbm>>) target(%arg16 : memref<128xi32, #tpu.memory_space<vmem>>) offsets(%arg14 : memref<128xi32, #tpu.memory_space<vmem>>) semaphore(%arg37 : memref<!tpu.dma_semaphore, #tpu.memory_space<semaphore_mem>>)
      %dma_wait3A_295 = arith.constant 0 : i32
      %dma_wait3A_296 = tpu.memref_slice %arg3[%add3A_220, %dma_wait3A_295] : memref<800000x128xf32, #tpu.memory_space<hbm>> -> memref<128x128xf32, #tpu.memory_space<hbm>>
      %dma_wait3A_297 = arith.constant 0 : i32
      %dma_wait3A_298 = tpu.memref_slice %arg3[%add3A_220, %dma_wait3A_297] : memref<800000x128xf32, #tpu.memory_space<hbm>> -> memref<128x128xf32, #tpu.memory_space<hbm>>
      tpu.wait_dma2 semaphore(%arg33 : memref<!tpu.dma_semaphore, #tpu.memory_space<semaphore_mem>>) src(%dma_wait3A_298 : memref<128x128xf32, #tpu.memory_space<hbm>>) dst(%arg19 : memref<128x128xf32, #tpu.memory_space<vmem>>)
      %dma_wait3A_299 = arith.constant 0 : i32
      %dma_wait3A_300 = arith.constant 0 : i32
      %dma_wait3A_301 = tpu.memref_slice %arg2[%dma_wait3A_299, %dma_wait3A_300] : memref<50000x128xf32, #tpu.memory_space<hbm>> -> memref<50000x128xf32, #tpu.memory_space<hbm>>
      tpu.wait_indirect_dma semaphore(%arg35 : memref<!tpu.dma_semaphore, #tpu.memory_space<semaphore_mem>>) src(%dma_wait3A_301 : memref<50000x128xf32, #tpu.memory_space<hbm>>) dst(%arg21 : memref<128x128xf32, #tpu.memory_space<vmem>>)
      %dma_wait3A_302 = arith.constant 0 : i32
      %dma_wait3A_303 = tpu.memref_slice %arg5[%dma_wait3A_302] : memref<50000xi32, #tpu.memory_space<hbm>> -> memref<50000xi32, #tpu.memory_space<hbm>>
      tpu.wait_indirect_dma semaphore(%arg37 : memref<!tpu.dma_semaphore, #tpu.memory_space<semaphore_mem>>) src(%dma_wait3A_303 : memref<50000xi32, #tpu.memory_space<hbm>>) dst(%arg16 : memref<128xi32, #tpu.memory_space<vmem>>)
      %convert_element_type3A_304 = arith.extui %lt3A_227 : i1 to i32
      %cond3A_305 = arith.constant 0 : i32
      %cond3A_306 = arith.cmpi ne, %convert_element_type3A_304, %cond3A_305 : i32
      scf.if %cond3A_306 {
        %dma_start3A_332 = arith.constant 0 : i32
        %dma_start3A_333 = tpu.memref_slice %arg4[%dma_start3A_332, %add3A_224] : memref<2x800000xi32, #tpu.memory_space<hbm>> -> memref<1x128xi32, #tpu.memory_space<hbm>>
        %dma_start3A_334 = tpu.memref_squeeze %dma_start3A_333 : memref<1x128xi32, #tpu.memory_space<hbm>> -> memref<128xi32, #tpu.memory_space<hbm>>
        %dma_start3A_335 = tpu.memref_slice %arg4[%dma_start3A_332, %add3A_224] : memref<2x800000xi32, #tpu.memory_space<hbm>> -> memref<1x128xi32, #tpu.memory_space<hbm>>
        %dma_start3A_336 = tpu.memref_squeeze %dma_start3A_335 : memref<1x128xi32, #tpu.memory_space<hbm>> -> memref<128xi32, #tpu.memory_space<hbm>>
        tpu.enqueue_dma source(%dma_start3A_336 : memref<128xi32, #tpu.memory_space<hbm>>) target(%arg13 : memref<128xi32, #tpu.memory_space<vmem>>) target_semaphore(%arg31 : memref<!tpu.dma_semaphore, #tpu.memory_space<semaphore_mem>>)
        %dma_start3A_337 = arith.constant 1 : i32
        %dma_start3A_338 = tpu.memref_slice %arg4[%dma_start3A_337, %add3A_224] : memref<2x800000xi32, #tpu.memory_space<hbm>> -> memref<1x128xi32, #tpu.memory_space<hbm>>
        %dma_start3A_339 = tpu.memref_squeeze %dma_start3A_338 : memref<1x128xi32, #tpu.memory_space<hbm>> -> memref<128xi32, #tpu.memory_space<hbm>>
        %dma_start3A_340 = tpu.memref_slice %arg4[%dma_start3A_337, %add3A_224] : memref<2x800000xi32, #tpu.memory_space<hbm>> -> memref<1x128xi32, #tpu.memory_space<hbm>>
        %dma_start3A_341 = tpu.memref_squeeze %dma_start3A_340 : memref<1x128xi32, #tpu.memory_space<hbm>> -> memref<128xi32, #tpu.memory_space<hbm>>
        tpu.enqueue_dma source(%dma_start3A_341 : memref<128xi32, #tpu.memory_space<hbm>>) target(%arg14 : memref<128xi32, #tpu.memory_space<vmem>>) target_semaphore(%arg31 : memref<!tpu.dma_semaphore, #tpu.memory_space<semaphore_mem>>)
      } else {
      }
      %scan3A_307 = arith.constant 0 : i32
      %scan3A_308 = arith.constant 64 : i32
      %scan3A_309 = arith.addi %scan3A_307, %scan3A_308 : i32
      %scan3A_310 = arith.constant 1 : i32
      %scan3A_311:8 = scf.for %scan3A_332 = %scan3A_307 to %scan3A_309 step %scan3A_310 iter_args(%scan3A_333 = %scan3A_265#0, %scan3A_334 = %scan3A_265#1, %scan3A_335 = %scan3A_265#2, %scan3A_336 = %scan3A_265#3, %scan3A_337 = %scan3A_265#4, %scan3A_338 = %scan3A_265#5, %scan3A_339 = %scan3A_265#6, %scan3A_340 = %scan3A_265#7) -> (vector<16xf32>, vector<16xf32>, vector<16xf32>, vector<16xf32>, vector<16xf32>, vector<16xf32>, vector<16xf32>, vector<16xf32>)  : i32 {
        %mul3A_341 = arith.constant 2 : i32
        %mul3A_342 = arith.muli %mul3A_341, %scan3A_332 : i32
        %add3A_343 = arith.constant 0 : i32
        %add3A_344 = arith.addi %mul3A_342, %add3A_343 : i32
        %get3A_345 = arith.index_cast %add3A_344 : i32 to index
        %get3A_346 = arith.constant 0 : index
        %get3A_347 = tpu.vector_load %arg19[%get3A_345, %get3A_346] {strides = array<i32>} : memref<128x128xf32, #tpu.memory_space<vmem>>, vector<16xf32>,
        %get3A_348 = arith.index_cast %add3A_344 : i32 to index
        %get3A_349 = arith.constant 0 : index
        %get3A_350 = tpu.vector_load %arg21[%get3A_348, %get3A_349] {strides = array<i32>} : memref<128x128xf32, #tpu.memory_space<vmem>>, vector<16xf32>,
        %add3A_351 = arith.addf %get3A_347, %get3A_350 : vector<16xf32>
        %mul3A_352 = arith.constant 0.00999999977 : f32
        %mul3A_353 = vector.broadcast %mul3A_352 : f32 to vector<16xf32>
        %mul3A_354 = arith.mulf %mul3A_353, %add3A_351 : vector<16xf32>
        %max3A = arith.maximumf %add3A_351, %mul3A_354 : vector<16xf32>
        %swap3A_355 = arith.index_cast %add3A_344 : i32 to index
        %swap3A_356 = arith.constant 0 : index
        %swap3A_357 = tpu.vector_load %arg23[%swap3A_355, %swap3A_356] {strides = array<i32>} : memref<128x128xf32, #tpu.memory_space<vmem>>, vector<16xf32>,
        tpu.vector_store %arg23[%swap3A_355, %swap3A_356], %max3A {strides = array<i32>} : memref<128x128xf32, #tpu.memory_space<vmem>>, vector<16xf32>,
        %mul3A_358 = arith.mulf %max3A, %max3A : vector<16xf32>
        %add3A_359 = arith.addf %scan3A_333, %mul3A_358 : vector<16xf32>
        %get3A_360 = arith.index_cast %add3A_344 : i32 to index
        %get3A_361 = arith.constant 16 : index
        %get3A_362 = tpu.vector_load %arg19[%get3A_360, %get3A_361] {strides = array<i32>} : memref<128x128xf32, #tpu.memory_space<vmem>>, vector<16xf32>,
        %get3A_363 = arith.index_cast %add3A_344 : i32 to index
        %get3A_364 = arith.constant 16 : index
        %get3A_365 = tpu.vector_load %arg21[%get3A_363, %get3A_364] {strides = array<i32>} : memref<128x128xf32, #tpu.memory_space<vmem>>, vector<16xf32>,
        %add3A_366 = arith.addf %get3A_362, %get3A_365 : vector<16xf32>
        %mul3A_367 = arith.constant 0.00999999977 : f32
        %mul3A_368 = vector.broadcast %mul3A_367 : f32 to vector<16xf32>
        %mul3A_369 = arith.mulf %mul3A_368, %add3A_366 : vector<16xf32>
        %max3A_370 = arith.maximumf %add3A_366, %mul3A_369 : vector<16xf32>
        %swap3A_371 = arith.index_cast %add3A_344 : i32 to index
        %swap3A_372 = arith.constant 16 : index
        %swap3A_373 = tpu.vector_load %arg23[%swap3A_371, %swap3A_372] {strides = array<i32>} : memref<128x128xf32, #tpu.memory_space<vmem>>, vector<16xf32>,
        tpu.vector_store %arg23[%swap3A_371, %swap3A_372], %max3A_370 {strides = array<i32>} : memref<128x128xf32, #tpu.memory_space<vmem>>, vector<16xf32>,
        %mul3A_374 = arith.mulf %max3A_370, %max3A_370 : vector<16xf32>
        %add3A_375 = arith.addf %scan3A_334, %mul3A_374 : vector<16xf32>
        %get3A_376 = arith.index_cast %add3A_344 : i32 to index
        %get3A_377 = arith.constant 32 : index
        %get3A_378 = tpu.vector_load %arg19[%get3A_376, %get3A_377] {strides = array<i32>} : memref<128x128xf32, #tpu.memory_space<vmem>>, vector<16xf32>,
        %get3A_379 = arith.index_cast %add3A_344 : i32 to index
        %get3A_380 = arith.constant 32 : index
        %get3A_381 = tpu.vector_load %arg21[%get3A_379, %get3A_380] {strides = array<i32>} : memref<128x128xf32, #tpu.memory_space<vmem>>, vector<16xf32>,
        %add3A_382 = arith.addf %get3A_378, %get3A_381 : vector<16xf32>
        %mul3A_383 = arith.constant 0.00999999977 : f32
        %mul3A_384 = vector.broadcast %mul3A_383 : f32 to vector<16xf32>
        %mul3A_385 = arith.mulf %mul3A_384, %add3A_382 : vector<16xf32>
        %max3A_386 = arith.maximumf %add3A_382, %mul3A_385 : vector<16xf32>
        %swap3A_387 = arith.index_cast %add3A_344 : i32 to index
        %swap3A_388 = arith.constant 32 : index
        %swap3A_389 = tpu.vector_load %arg23[%swap3A_387, %swap3A_388] {strides = array<i32>} : memref<128x128xf32, #tpu.memory_space<vmem>>, vector<16xf32>,
        tpu.vector_store %arg23[%swap3A_387, %swap3A_388], %max3A_386 {strides = array<i32>} : memref<128x128xf32, #tpu.memory_space<vmem>>, vector<16xf32>,
        %mul3A_390 = arith.mulf %max3A_386, %max3A_386 : vector<16xf32>
        %add3A_391 = arith.addf %scan3A_335, %mul3A_390 : vector<16xf32>
        %get3A_392 = arith.index_cast %add3A_344 : i32 to index
        %get3A_393 = arith.constant 48 : index
        %get3A_394 = tpu.vector_load %arg19[%get3A_392, %get3A_393] {strides = array<i32>} : memref<128x128xf32, #tpu.memory_space<vmem>>, vector<16xf32>,
        %get3A_395 = arith.index_cast %add3A_344 : i32 to index
        %get3A_396 = arith.constant 48 : index
        %get3A_397 = tpu.vector_load %arg21[%get3A_395, %get3A_396] {strides = array<i32>} : memref<128x128xf32, #tpu.memory_space<vmem>>, vector<16xf32>,
        %add3A_398 = arith.addf %get3A_394, %get3A_397 : vector<16xf32>
        %mul3A_399 = arith.constant 0.00999999977 : f32
        %mul3A_400 = vector.broadcast %mul3A_399 : f32 to vector<16xf32>
        %mul3A_401 = arith.mulf %mul3A_400, %add3A_398 : vector<16xf32>
        %max3A_402 = arith.maximumf %add3A_398, %mul3A_401 : vector<16xf32>
        %swap3A_403 = arith.index_cast %add3A_344 : i32 to index
        %swap3A_404 = arith.constant 48 : index
        %swap3A_405 = tpu.vector_load %arg23[%swap3A_403, %swap3A_404] {strides = array<i32>} : memref<128x128xf32, #tpu.memory_space<vmem>>, vector<16xf32>,
        tpu.vector_store %arg23[%swap3A_403, %swap3A_404], %max3A_402 {strides = array<i32>} : memref<128x128xf32, #tpu.memory_space<vmem>>, vector<16xf32>,
        %mul3A_406 = arith.mulf %max3A_402, %max3A_402 : vector<16xf32>
        %add3A_407 = arith.addf %scan3A_336, %mul3A_406 : vector<16xf32>
        %get3A_408 = arith.index_cast %add3A_344 : i32 to index
        %get3A_409 = arith.constant 64 : index
        %get3A_410 = tpu.vector_load %arg19[%get3A_408, %get3A_409] {strides = array<i32>} : memref<128x128xf32, #tpu.memory_space<vmem>>, vector<16xf32>,
        %get3A_411 = arith.index_cast %add3A_344 : i32 to index
        %get3A_412 = arith.constant 64 : index
        %get3A_413 = tpu.vector_load %arg21[%get3A_411, %get3A_412] {strides = array<i32>} : memref<128x128xf32, #tpu.memory_space<vmem>>, vector<16xf32>,
        %add3A_414 = arith.addf %get3A_410, %get3A_413 : vector<16xf32>
        %mul3A_415 = arith.constant 0.00999999977 : f32
        %mul3A_416 = vector.broadcast %mul3A_415 : f32 to vector<16xf32>
        %mul3A_417 = arith.mulf %mul3A_416, %add3A_414 : vector<16xf32>
        %max3A_418 = arith.maximumf %add3A_414, %mul3A_417 : vector<16xf32>
        %swap3A_419 = arith.index_cast %add3A_344 : i32 to index
        %swap3A_420 = arith.constant 64 : index
        %swap3A_421 = tpu.vector_load %arg23[%swap3A_419, %swap3A_420] {strides = array<i32>} : memref<128x128xf32, #tpu.memory_space<vmem>>, vector<16xf32>,
        tpu.vector_store %arg23[%swap3A_419, %swap3A_420], %max3A_418 {strides = array<i32>} : memref<128x128xf32, #tpu.memory_space<vmem>>, vector<16xf32>,
        %mul3A_422 = arith.mulf %max3A_418, %max3A_418 : vector<16xf32>
        %add3A_423 = arith.addf %scan3A_337, %mul3A_422 : vector<16xf32>
        %get3A_424 = arith.index_cast %add3A_344 : i32 to index
        %get3A_425 = arith.constant 80 : index
        %get3A_426 = tpu.vector_load %arg19[%get3A_424, %get3A_425] {strides = array<i32>} : memref<128x128xf32, #tpu.memory_space<vmem>>, vector<16xf32>,
        %get3A_427 = arith.index_cast %add3A_344 : i32 to index
        %get3A_428 = arith.constant 80 : index
        %get3A_429 = tpu.vector_load %arg21[%get3A_427, %get3A_428] {strides = array<i32>} : memref<128x128xf32, #tpu.memory_space<vmem>>, vector<16xf32>,
        %add3A_430 = arith.addf %get3A_426, %get3A_429 : vector<16xf32>
        %mul3A_431 = arith.constant 0.00999999977 : f32
        %mul3A_432 = vector.broadcast %mul3A_431 : f32 to vector<16xf32>
        %mul3A_433 = arith.mulf %mul3A_432, %add3A_430 : vector<16xf32>
        %max3A_434 = arith.maximumf %add3A_430, %mul3A_433 : vector<16xf32>
        %swap3A_435 = arith.index_cast %add3A_344 : i32 to index
        %swap3A_436 = arith.constant 80 : index
        %swap3A_437 = tpu.vector_load %arg23[%swap3A_435, %swap3A_436] {strides = array<i32>} : memref<128x128xf32, #tpu.memory_space<vmem>>, vector<16xf32>,
        tpu.vector_store %arg23[%swap3A_435, %swap3A_436], %max3A_434 {strides = array<i32>} : memref<128x128xf32, #tpu.memory_space<vmem>>, vector<16xf32>,
        %mul3A_438 = arith.mulf %max3A_434, %max3A_434 : vector<16xf32>
        %add3A_439 = arith.addf %scan3A_338, %mul3A_438 : vector<16xf32>
        %get3A_440 = arith.index_cast %add3A_344 : i32 to index
        %get3A_441 = arith.constant 96 : index
        %get3A_442 = tpu.vector_load %arg19[%get3A_440, %get3A_441] {strides = array<i32>} : memref<128x128xf32, #tpu.memory_space<vmem>>, vector<16xf32>,
        %get3A_443 = arith.index_cast %add3A_344 : i32 to index
        %get3A_444 = arith.constant 96 : index
        %get3A_445 = tpu.vector_load %arg21[%get3A_443, %get3A_444] {strides = array<i32>} : memref<128x128xf32, #tpu.memory_space<vmem>>, vector<16xf32>,
        %add3A_446 = arith.addf %get3A_442, %get3A_445 : vector<16xf32>
        %mul3A_447 = arith.constant 0.00999999977 : f32
        %mul3A_448 = vector.broadcast %mul3A_447 : f32 to vector<16xf32>
        %mul3A_449 = arith.mulf %mul3A_448, %add3A_446 : vector<16xf32>
        %max3A_450 = arith.maximumf %add3A_446, %mul3A_449 : vector<16xf32>
        %swap3A_451 = arith.index_cast %add3A_344 : i32 to index
        %swap3A_452 = arith.constant 96 : index
        %swap3A_453 = tpu.vector_load %arg23[%swap3A_451, %swap3A_452] {strides = array<i32>} : memref<128x128xf32, #tpu.memory_space<vmem>>, vector<16xf32>,
        tpu.vector_store %arg23[%swap3A_451, %swap3A_452], %max3A_450 {strides = array<i32>} : memref<128x128xf32, #tpu.memory_space<vmem>>, vector<16xf32>,
        %mul3A_454 = arith.mulf %max3A_450, %max3A_450 : vector<16xf32>
        %add3A_455 = arith.addf %scan3A_339, %mul3A_454 : vector<16xf32>
        %get3A_456 = arith.index_cast %add3A_344 : i32 to index
        %get3A_457 = arith.constant 112 : index
        %get3A_458 = tpu.vector_load %arg19[%get3A_456, %get3A_457] {strides = array<i32>} : memref<128x128xf32, #tpu.memory_space<vmem>>, vector<16xf32>,
        %get3A_459 = arith.index_cast %add3A_344 : i32 to index
        %get3A_460 = arith.constant 112 : index
        %get3A_461 = tpu.vector_load %arg21[%get3A_459, %get3A_460] {strides = array<i32>} : memref<128x128xf32, #tpu.memory_space<vmem>>, vector<16xf32>,
        %add3A_462 = arith.addf %get3A_458, %get3A_461 : vector<16xf32>
        %mul3A_463 = arith.constant 0.00999999977 : f32
        %mul3A_464 = vector.broadcast %mul3A_463 : f32 to vector<16xf32>
        %mul3A_465 = arith.mulf %mul3A_464, %add3A_462 : vector<16xf32>
        %max3A_466 = arith.maximumf %add3A_462, %mul3A_465 : vector<16xf32>
        %swap3A_467 = arith.index_cast %add3A_344 : i32 to index
        %swap3A_468 = arith.constant 112 : index
        %swap3A_469 = tpu.vector_load %arg23[%swap3A_467, %swap3A_468] {strides = array<i32>} : memref<128x128xf32, #tpu.memory_space<vmem>>, vector<16xf32>,
        tpu.vector_store %arg23[%swap3A_467, %swap3A_468], %max3A_466 {strides = array<i32>} : memref<128x128xf32, #tpu.memory_space<vmem>>, vector<16xf32>,
        %mul3A_470 = arith.mulf %max3A_466, %max3A_466 : vector<16xf32>
        %add3A_471 = arith.addf %scan3A_340, %mul3A_470 : vector<16xf32>
        %mul3A_472 = arith.constant 2 : i32
        %mul3A_473 = arith.muli %mul3A_472, %scan3A_332 : i32
        %add3A_474 = arith.constant 1 : i32
        %add3A_475 = arith.addi %mul3A_473, %add3A_474 : i32
        %get3A_476 = arith.index_cast %add3A_475 : i32 to index
        %get3A_477 = arith.constant 0 : index
        %get3A_478 = tpu.vector_load %arg19[%get3A_476, %get3A_477] {strides = array<i32>} : memref<128x128xf32, #tpu.memory_space<vmem>>, vector<16xf32>,
        %get3A_479 = arith.index_cast %add3A_475 : i32 to index
        %get3A_480 = arith.constant 0 : index
        %get3A_481 = tpu.vector_load %arg21[%get3A_479, %get3A_480] {strides = array<i32>} : memref<128x128xf32, #tpu.memory_space<vmem>>, vector<16xf32>,
        %add3A_482 = arith.addf %get3A_478, %get3A_481 : vector<16xf32>
        %mul3A_483 = arith.constant 0.00999999977 : f32
        %mul3A_484 = vector.broadcast %mul3A_483 : f32 to vector<16xf32>
        %mul3A_485 = arith.mulf %mul3A_484, %add3A_482 : vector<16xf32>
        %max3A_486 = arith.maximumf %add3A_482, %mul3A_485 : vector<16xf32>
        %swap3A_487 = arith.index_cast %add3A_475 : i32 to index
        %swap3A_488 = arith.constant 0 : index
        %swap3A_489 = tpu.vector_load %arg23[%swap3A_487, %swap3A_488] {strides = array<i32>} : memref<128x128xf32, #tpu.memory_space<vmem>>, vector<16xf32>,
        tpu.vector_store %arg23[%swap3A_487, %swap3A_488], %max3A_486 {strides = array<i32>} : memref<128x128xf32, #tpu.memory_space<vmem>>, vector<16xf32>,
        %mul3A_490 = arith.mulf %max3A_486, %max3A_486 : vector<16xf32>
        %add3A_491 = arith.addf %add3A_359, %mul3A_490 : vector<16xf32>
        %get3A_492 = arith.index_cast %add3A_475 : i32 to index
        %get3A_493 = arith.constant 16 : index
        %get3A_494 = tpu.vector_load %arg19[%get3A_492, %get3A_493] {strides = array<i32>} : memref<128x128xf32, #tpu.memory_space<vmem>>, vector<16xf32>,
        %get3A_495 = arith.index_cast %add3A_475 : i32 to index
        %get3A_496 = arith.constant 16 : index
        %get3A_497 = tpu.vector_load %arg21[%get3A_495, %get3A_496] {strides = array<i32>} : memref<128x128xf32, #tpu.memory_space<vmem>>, vector<16xf32>,
        %add3A_498 = arith.addf %get3A_494, %get3A_497 : vector<16xf32>
        %mul3A_499 = arith.constant 0.00999999977 : f32
        %mul3A_500 = vector.broadcast %mul3A_499 : f32 to vector<16xf32>
        %mul3A_501 = arith.mulf %mul3A_500, %add3A_498 : vector<16xf32>
        %max3A_502 = arith.maximumf %add3A_498, %mul3A_501 : vector<16xf32>
        %swap3A_503 = arith.index_cast %add3A_475 : i32 to index
        %swap3A_504 = arith.constant 16 : index
        %swap3A_505 = tpu.vector_load %arg23[%swap3A_503, %swap3A_504] {strides = array<i32>} : memref<128x128xf32, #tpu.memory_space<vmem>>, vector<16xf32>,
        tpu.vector_store %arg23[%swap3A_503, %swap3A_504], %max3A_502 {strides = array<i32>} : memref<128x128xf32, #tpu.memory_space<vmem>>, vector<16xf32>,
        %mul3A_506 = arith.mulf %max3A_502, %max3A_502 : vector<16xf32>
        %add3A_507 = arith.addf %add3A_375, %mul3A_506 : vector<16xf32>
        %get3A_508 = arith.index_cast %add3A_475 : i32 to index
        %get3A_509 = arith.constant 32 : index
        %get3A_510 = tpu.vector_load %arg19[%get3A_508, %get3A_509] {strides = array<i32>} : memref<128x128xf32, #tpu.memory_space<vmem>>, vector<16xf32>,
        %get3A_511 = arith.index_cast %add3A_475 : i32 to index
        %get3A_512 = arith.constant 32 : index
        %get3A_513 = tpu.vector_load %arg21[%get3A_511, %get3A_512] {strides = array<i32>} : memref<128x128xf32, #tpu.memory_space<vmem>>, vector<16xf32>,
        %add3A_514 = arith.addf %get3A_510, %get3A_513 : vector<16xf32>
        %mul3A_515 = arith.constant 0.00999999977 : f32
        %mul3A_516 = vector.broadcast %mul3A_515 : f32 to vector<16xf32>
        %mul3A_517 = arith.mulf %mul3A_516, %add3A_514 : vector<16xf32>
        %max3A_518 = arith.maximumf %add3A_514, %mul3A_517 : vector<16xf32>
        %swap3A_519 = arith.index_cast %add3A_475 : i32 to index
        %swap3A_520 = arith.constant 32 : index
        %swap3A_521 = tpu.vector_load %arg23[%swap3A_519, %swap3A_520] {strides = array<i32>} : memref<128x128xf32, #tpu.memory_space<vmem>>, vector<16xf32>,
        tpu.vector_store %arg23[%swap3A_519, %swap3A_520], %max3A_518 {strides = array<i32>} : memref<128x128xf32, #tpu.memory_space<vmem>>, vector<16xf32>,
        %mul3A_522 = arith.mulf %max3A_518, %max3A_518 : vector<16xf32>
        %add3A_523 = arith.addf %add3A_391, %mul3A_522 : vector<16xf32>
        %get3A_524 = arith.index_cast %add3A_475 : i32 to index
        %get3A_525 = arith.constant 48 : index
        %get3A_526 = tpu.vector_load %arg19[%get3A_524, %get3A_525] {strides = array<i32>} : memref<128x128xf32, #tpu.memory_space<vmem>>, vector<16xf32>,
        %get3A_527 = arith.index_cast %add3A_475 : i32 to index
        %get3A_528 = arith.constant 48 : index
        %get3A_529 = tpu.vector_load %arg21[%get3A_527, %get3A_528] {strides = array<i32>} : memref<128x128xf32, #tpu.memory_space<vmem>>, vector<16xf32>,
        %add3A_530 = arith.addf %get3A_526, %get3A_529 : vector<16xf32>
        %mul3A_531 = arith.constant 0.00999999977 : f32
        %mul3A_532 = vector.broadcast %mul3A_531 : f32 to vector<16xf32>
        %mul3A_533 = arith.mulf %mul3A_532, %add3A_530 : vector<16xf32>
        %max3A_534 = arith.maximumf %add3A_530, %mul3A_533 : vector<16xf32>
        %swap3A_535 = arith.index_cast %add3A_475 : i32 to index
        %swap3A_536 = arith.constant 48 : index
        %swap3A_537 = tpu.vector_load %arg23[%swap3A_535, %swap3A_536] {strides = array<i32>} : memref<128x128xf32, #tpu.memory_space<vmem>>, vector<16xf32>,
        tpu.vector_store %arg23[%swap3A_535, %swap3A_536], %max3A_534 {strides = array<i32>} : memref<128x128xf32, #tpu.memory_space<vmem>>, vector<16xf32>,
        %mul3A_538 = arith.mulf %max3A_534, %max3A_534 : vector<16xf32>
        %add3A_539 = arith.addf %add3A_407, %mul3A_538 : vector<16xf32>
        %get3A_540 = arith.index_cast %add3A_475 : i32 to index
        %get3A_541 = arith.constant 64 : index
        %get3A_542 = tpu.vector_load %arg19[%get3A_540, %get3A_541] {strides = array<i32>} : memref<128x128xf32, #tpu.memory_space<vmem>>, vector<16xf32>,
        %get3A_543 = arith.index_cast %add3A_475 : i32 to index
        %get3A_544 = arith.constant 64 : index
        %get3A_545 = tpu.vector_load %arg21[%get3A_543, %get3A_544] {strides = array<i32>} : memref<128x128xf32, #tpu.memory_space<vmem>>, vector<16xf32>,
        %add3A_546 = arith.addf %get3A_542, %get3A_545 : vector<16xf32>
        %mul3A_547 = arith.constant 0.00999999977 : f32
        %mul3A_548 = vector.broadcast %mul3A_547 : f32 to vector<16xf32>
        %mul3A_549 = arith.mulf %mul3A_548, %add3A_546 : vector<16xf32>
        %max3A_550 = arith.maximumf %add3A_546, %mul3A_549 : vector<16xf32>
        %swap3A_551 = arith.index_cast %add3A_475 : i32 to index
        %swap3A_552 = arith.constant 64 : index
        %swap3A_553 = tpu.vector_load %arg23[%swap3A_551, %swap3A_552] {strides = array<i32>} : memref<128x128xf32, #tpu.memory_space<vmem>>, vector<16xf32>,
        tpu.vector_store %arg23[%swap3A_551, %swap3A_552], %max3A_550 {strides = array<i32>} : memref<128x128xf32, #tpu.memory_space<vmem>>, vector<16xf32>,
        %mul3A_554 = arith.mulf %max3A_550, %max3A_550 : vector<16xf32>
        %add3A_555 = arith.addf %add3A_423, %mul3A_554 : vector<16xf32>
        %get3A_556 = arith.index_cast %add3A_475 : i32 to index
        %get3A_557 = arith.constant 80 : index
        %get3A_558 = tpu.vector_load %arg19[%get3A_556, %get3A_557] {strides = array<i32>} : memref<128x128xf32, #tpu.memory_space<vmem>>, vector<16xf32>,
        %get3A_559 = arith.index_cast %add3A_475 : i32 to index
        %get3A_560 = arith.constant 80 : index
        %get3A_561 = tpu.vector_load %arg21[%get3A_559, %get3A_560] {strides = array<i32>} : memref<128x128xf32, #tpu.memory_space<vmem>>, vector<16xf32>,
        %add3A_562 = arith.addf %get3A_558, %get3A_561 : vector<16xf32>
        %mul3A_563 = arith.constant 0.00999999977 : f32
        %mul3A_564 = vector.broadcast %mul3A_563 : f32 to vector<16xf32>
        %mul3A_565 = arith.mulf %mul3A_564, %add3A_562 : vector<16xf32>
        %max3A_566 = arith.maximumf %add3A_562, %mul3A_565 : vector<16xf32>
        %swap3A_567 = arith.index_cast %add3A_475 : i32 to index
        %swap3A_568 = arith.constant 80 : index
        %swap3A_569 = tpu.vector_load %arg23[%swap3A_567, %swap3A_568] {strides = array<i32>} : memref<128x128xf32, #tpu.memory_space<vmem>>, vector<16xf32>,
        tpu.vector_store %arg23[%swap3A_567, %swap3A_568], %max3A_566 {strides = array<i32>} : memref<128x128xf32, #tpu.memory_space<vmem>>, vector<16xf32>,
        %mul3A_570 = arith.mulf %max3A_566, %max3A_566 : vector<16xf32>
        %add3A_571 = arith.addf %add3A_439, %mul3A_570 : vector<16xf32>
        %get3A_572 = arith.index_cast %add3A_475 : i32 to index
        %get3A_573 = arith.constant 96 : index
        %get3A_574 = tpu.vector_load %arg19[%get3A_572, %get3A_573] {strides = array<i32>} : memref<128x128xf32, #tpu.memory_space<vmem>>, vector<16xf32>,
        %get3A_575 = arith.index_cast %add3A_475 : i32 to index
        %get3A_576 = arith.constant 96 : index
        %get3A_577 = tpu.vector_load %arg21[%get3A_575, %get3A_576] {strides = array<i32>} : memref<128x128xf32, #tpu.memory_space<vmem>>, vector<16xf32>,
        %add3A_578 = arith.addf %get3A_574, %get3A_577 : vector<16xf32>
        %mul3A_579 = arith.constant 0.00999999977 : f32
        %mul3A_580 = vector.broadcast %mul3A_579 : f32 to vector<16xf32>
        %mul3A_581 = arith.mulf %mul3A_580, %add3A_578 : vector<16xf32>
        %max3A_582 = arith.maximumf %add3A_578, %mul3A_581 : vector<16xf32>
        %swap3A_583 = arith.index_cast %add3A_475 : i32 to index
        %swap3A_584 = arith.constant 96 : index
        %swap3A_585 = tpu.vector_load %arg23[%swap3A_583, %swap3A_584] {strides = array<i32>} : memref<128x128xf32, #tpu.memory_space<vmem>>, vector<16xf32>,
        tpu.vector_store %arg23[%swap3A_583, %swap3A_584], %max3A_582 {strides = array<i32>} : memref<128x128xf32, #tpu.memory_space<vmem>>, vector<16xf32>,
        %mul3A_586 = arith.mulf %max3A_582, %max3A_582 : vector<16xf32>
        %add3A_587 = arith.addf %add3A_455, %mul3A_586 : vector<16xf32>
        %get3A_588 = arith.index_cast %add3A_475 : i32 to index
        %get3A_589 = arith.constant 112 : index
        %get3A_590 = tpu.vector_load %arg19[%get3A_588, %get3A_589] {strides = array<i32>} : memref<128x128xf32, #tpu.memory_space<vmem>>, vector<16xf32>,
        %get3A_591 = arith.index_cast %add3A_475 : i32 to index
        %get3A_592 = arith.constant 112 : index
        %get3A_593 = tpu.vector_load %arg21[%get3A_591, %get3A_592] {strides = array<i32>} : memref<128x128xf32, #tpu.memory_space<vmem>>, vector<16xf32>,
        %add3A_594 = arith.addf %get3A_590, %get3A_593 : vector<16xf32>
        %mul3A_595 = arith.constant 0.00999999977 : f32
        %mul3A_596 = vector.broadcast %mul3A_595 : f32 to vector<16xf32>
        %mul3A_597 = arith.mulf %mul3A_596, %add3A_594 : vector<16xf32>
        %max3A_598 = arith.maximumf %add3A_594, %mul3A_597 : vector<16xf32>
        %swap3A_599 = arith.index_cast %add3A_475 : i32 to index
        %swap3A_600 = arith.constant 112 : index
        %swap3A_601 = tpu.vector_load %arg23[%swap3A_599, %swap3A_600] {strides = array<i32>} : memref<128x128xf32, #tpu.memory_space<vmem>>, vector<16xf32>,
        tpu.vector_store %arg23[%swap3A_599, %swap3A_600], %max3A_598 {strides = array<i32>} : memref<128x128xf32, #tpu.memory_space<vmem>>, vector<16xf32>,
        %mul3A_602 = arith.mulf %max3A_598, %max3A_598 : vector<16xf32>
        %add3A_603 = arith.addf %add3A_471, %mul3A_602 : vector<16xf32>
        scf.yield %add3A_491, %add3A_507, %add3A_523, %add3A_539, %add3A_555, %add3A_571, %add3A_587, %add3A_603 : vector<16xf32>, vector<16xf32>, vector<16xf32>, vector<16xf32>, vector<16xf32>, vector<16xf32>, vector<16xf32>, vector<16xf32>
      }
      %scan3A_312 = arith.constant 64 : i32
      %get3A_313 = arith.constant 0 : index
      %get3A_314 = tpu.vector_load %arg16[%get3A_313] {strides = array<i32>} : memref<128xi32, #tpu.memory_space<vmem>>, vector<16xi32>,
      tpu.vector_store_idx %arg24[%get3A_314], %broadcast_in_dim3A_3 {add = true} : memref<512xf32, #tpu.memory_space<vmem>>[vector<16xi32>], vector<16xf32>,
      %get3A_315 = arith.constant 16 : index
      %get3A_316 = tpu.vector_load %arg16[%get3A_315] {strides = array<i32>} : memref<128xi32, #tpu.memory_space<vmem>>, vector<16xi32>,
      tpu.vector_store_idx %arg24[%get3A_316], %broadcast_in_dim3A_3 {add = true} : memref<512xf32, #tpu.memory_space<vmem>>[vector<16xi32>], vector<16xf32>,
      %get3A_317 = arith.constant 32 : index
      %get3A_318 = tpu.vector_load %arg16[%get3A_317] {strides = array<i32>} : memref<128xi32, #tpu.memory_space<vmem>>, vector<16xi32>,
      tpu.vector_store_idx %arg24[%get3A_318], %broadcast_in_dim3A_3 {add = true} : memref<512xf32, #tpu.memory_space<vmem>>[vector<16xi32>], vector<16xf32>,
      %get3A_319 = arith.constant 48 : index
      %get3A_320 = tpu.vector_load %arg16[%get3A_319] {strides = array<i32>} : memref<128xi32, #tpu.memory_space<vmem>>, vector<16xi32>,
      tpu.vector_store_idx %arg24[%get3A_320], %broadcast_in_dim3A_3 {add = true} : memref<512xf32, #tpu.memory_space<vmem>>[vector<16xi32>], vector<16xf32>,
      %get3A_321 = arith.constant 64 : index
      %get3A_322 = tpu.vector_load %arg16[%get3A_321] {strides = array<i32>} : memref<128xi32, #tpu.memory_space<vmem>>, vector<16xi32>,
      tpu.vector_store_idx %arg24[%get3A_322], %broadcast_in_dim3A_3 {add = true} : memref<512xf32, #tpu.memory_space<vmem>>[vector<16xi32>], vector<16xf32>,
      %get3A_323 = arith.constant 80 : index
      %get3A_324 = tpu.vector_load %arg16[%get3A_323] {strides = array<i32>} : memref<128xi32, #tpu.memory_space<vmem>>, vector<16xi32>,
      tpu.vector_store_idx %arg24[%get3A_324], %broadcast_in_dim3A_3 {add = true} : memref<512xf32, #tpu.memory_space<vmem>>[vector<16xi32>], vector<16xf32>,
      %get3A_325 = arith.constant 96 : index
      %get3A_326 = tpu.vector_load %arg16[%get3A_325] {strides = array<i32>} : memref<128xi32, #tpu.memory_space<vmem>>, vector<16xi32>,
      tpu.vector_store_idx %arg24[%get3A_326], %broadcast_in_dim3A_3 {add = true} : memref<512xf32, #tpu.memory_space<vmem>>[vector<16xi32>], vector<16xf32>,
      %get3A_327 = arith.constant 112 : index
      %get3A_328 = tpu.vector_load %arg16[%get3A_327] {strides = array<i32>} : memref<128xi32, #tpu.memory_space<vmem>>, vector<16xi32>,
      tpu.vector_store_idx %arg24[%get3A_328], %broadcast_in_dim3A_3 {add = true} : memref<512xf32, #tpu.memory_space<vmem>>[vector<16xi32>], vector<16xf32>,
      %dma_start3A_329 = arith.constant 0 : i32
      %dma_start3A_330 = arith.constant 0 : i32
      %dma_start3A_331 = tpu.memref_slice %arg28[%dma_start3A_329, %dma_start3A_330] : memref<512x128xf32, #tpu.memory_space<vmem_shared>> -> memref<512x128xf32, #tpu.memory_space<vmem_shared>>
      tpu.enqueue_indirect_dma source(%arg23 : memref<128x128xf32, #tpu.memory_space<vmem>>) target(%dma_start3A_331 : memref<512x128xf32, #tpu.memory_space<vmem_shared>>) offsets(%arg16 : memref<128xi32, #tpu.memory_space<vmem>>) semaphore(%arg39 : memref<!tpu.dma_semaphore, #tpu.memory_space<semaphore_mem>>) {add = true}
      scf.yield %scan3A_311#0, %scan3A_311#1, %scan3A_311#2, %scan3A_311#3, %scan3A_311#4, %scan3A_311#5, %scan3A_311#6, %scan3A_311#7 : vector<16xf32>, vector<16xf32>, vector<16xf32>, vector<16xf32>, vector<16xf32>, vector<16xf32>, vector<16xf32>, vector<16xf32>
    }
    %dma_wait3A = arith.constant 0 : i32
    %dma_wait3A_144 = arith.constant 0 : i32
    %dma_wait3A_145 = tpu.memref_slice %arg28[%dma_wait3A, %dma_wait3A_144] : memref<512x128xf32, #tpu.memory_space<vmem_shared>> -> memref<512x128xf32, #tpu.memory_space<vmem_shared>>
    tpu.wait_indirect_dma semaphore(%arg38 : memref<!tpu.dma_semaphore, #tpu.memory_space<semaphore_mem>>) src(%arg22 : memref<128x128xf32, #tpu.memory_space<vmem>>) dst(%dma_wait3A_145 : memref<512x128xf32, #tpu.memory_space<vmem_shared>>)
    %dma_wait3A_146 = arith.constant 0 : i32
    %dma_wait3A_147 = arith.constant 0 : i32
    %dma_wait3A_148 = tpu.memref_slice %arg28[%dma_wait3A_146, %dma_wait3A_147] : memref<512x128xf32, #tpu.memory_space<vmem_shared>> -> memref<512x128xf32, #tpu.memory_space<vmem_shared>>
    tpu.wait_indirect_dma semaphore(%arg39 : memref<!tpu.dma_semaphore, #tpu.memory_space<semaphore_mem>>) src(%arg23 : memref<128x128xf32, #tpu.memory_space<vmem>>) dst(%dma_wait3A_148 : memref<512x128xf32, #tpu.memory_space<vmem_shared>>)
    %swap3A_149 = arith.constant 0 : index
    %swap3A_150 = tpu.vector_load %arg25[%swap3A_149] {strides = array<i32>} : memref<128xf32, #tpu.memory_space<vmem>>, vector<16xf32>,
    tpu.vector_store %arg25[%swap3A_149], %while3A_143#0 {strides = array<i32>} : memref<128xf32, #tpu.memory_space<vmem>>, vector<16xf32>,
    %swap3A_151 = arith.constant 16 : index
    %swap3A_152 = tpu.vector_load %arg25[%swap3A_151] {strides = array<i32>} : memref<128xf32, #tpu.memory_space<vmem>>, vector<16xf32>,
    tpu.vector_store %arg25[%swap3A_151], %while3A_143#1 {strides = array<i32>} : memref<128xf32, #tpu.memory_space<vmem>>, vector<16xf32>,
    %swap3A_153 = arith.constant 32 : index
    %swap3A_154 = tpu.vector_load %arg25[%swap3A_153] {strides = array<i32>} : memref<128xf32, #tpu.memory_space<vmem>>, vector<16xf32>,
    tpu.vector_store %arg25[%swap3A_153], %while3A_143#2 {strides = array<i32>} : memref<128xf32, #tpu.memory_space<vmem>>, vector<16xf32>,
    %swap3A_155 = arith.constant 48 : index
    %swap3A_156 = tpu.vector_load %arg25[%swap3A_155] {strides = array<i32>} : memref<128xf32, #tpu.memory_space<vmem>>, vector<16xf32>,
    tpu.vector_store %arg25[%swap3A_155], %while3A_143#3 {strides = array<i32>} : memref<128xf32, #tpu.memory_space<vmem>>, vector<16xf32>,
    %swap3A_157 = arith.constant 64 : index
    %swap3A_158 = tpu.vector_load %arg25[%swap3A_157] {strides = array<i32>} : memref<128xf32, #tpu.memory_space<vmem>>, vector<16xf32>,
    tpu.vector_store %arg25[%swap3A_157], %while3A_143#4 {strides = array<i32>} : memref<128xf32, #tpu.memory_space<vmem>>, vector<16xf32>,
    %swap3A_159 = arith.constant 80 : index
    %swap3A_160 = tpu.vector_load %arg25[%swap3A_159] {strides = array<i32>} : memref<128xf32, #tpu.memory_space<vmem>>, vector<16xf32>,
    tpu.vector_store %arg25[%swap3A_159], %while3A_143#5 {strides = array<i32>} : memref<128xf32, #tpu.memory_space<vmem>>, vector<16xf32>,
    %swap3A_161 = arith.constant 96 : index
    %swap3A_162 = tpu.vector_load %arg25[%swap3A_161] {strides = array<i32>} : memref<128xf32, #tpu.memory_space<vmem>>, vector<16xf32>,
    tpu.vector_store %arg25[%swap3A_161], %while3A_143#6 {strides = array<i32>} : memref<128xf32, #tpu.memory_space<vmem>>, vector<16xf32>,
    %swap3A_163 = arith.constant 112 : index
    %swap3A_164 = tpu.vector_load %arg25[%swap3A_163] {strides = array<i32>} : memref<128xf32, #tpu.memory_space<vmem>>, vector<16xf32>,
    tpu.vector_store %arg25[%swap3A_163], %while3A_143#7 {strides = array<i32>} : memref<128xf32, #tpu.memory_space<vmem>>, vector<16xf32>,
    %sub3A_165 = arith.constant 625 : i32
    %sub3A_166 = arith.subi %sub3A_165, %add3A : i32
    %add3A_167 = arith.constant 32 : i32
    %add3A_168 = arith.addi %sub3A_166, %add3A_167 : i32
    %sub3A_169 = arith.constant 1 : i32
    %sub3A_170 = arith.subi %add3A_168, %sub3A_169 : i32
    %jit3A_171 = arith.constant 32 : i32
    %div3A = arith.divsi %sub3A_170, %jit3A_171 : i32
    %sign3A = arith.constant 0 : i32
    %sign3A_172 = arith.cmpi sgt, %sub3A_170, %sign3A : i32
    %sign3A_173 = arith.extui %sign3A_172 : i1 to i32
    %sign3A_174 = arith.constant 0 : i32
    %sign3A_175 = arith.cmpi slt, %sub3A_170, %sign3A_174 : i32
    %sign3A_176 = arith.extui %sign3A_175 : i1 to i32
    %sign3A_177 = arith.subi %sign3A_173, %sign3A_176 : i32
    %sign3A_178 = arith.constant 0 : i32
    %sign3A_179 = arith.cmpi sgt, %jit3A_171, %sign3A_178 : i32
    %sign3A_180 = arith.extui %sign3A_179 : i1 to i32
    %sign3A_181 = arith.constant 0 : i32
    %sign3A_182 = arith.cmpi slt, %jit3A_171, %sign3A_181 : i32
    %sign3A_183 = arith.extui %sign3A_182 : i1 to i32
    %sign3A_184 = arith.subi %sign3A_180, %sign3A_183 : i32
    %ne3A = arith.cmpi ne, %sign3A_177, %sign3A_184 : i32
    %rem3A = arith.remsi %sub3A_170, %jit3A_171 : i32
    %ne3A_185 = arith.constant 0 : i32
    %ne3A_186 = arith.cmpi ne, %rem3A, %ne3A_185 : i32
    %and3A = arith.andi %ne3A, %ne3A_186 : i1
    %sub3A_187 = arith.constant 1 : i32
    %sub3A_188 = arith.subi %div3A, %sub3A_187 : i32
    %select_n3A_189 = arith.select %and3A, %sub3A_188, %div3A : i32
    %while3A_190 = arith.constant 0 : i32
    %while3A_191 = arith.constant 0 : i32
    %while3A_192 = arith.subi %select_n3A_189, %while3A_190 : i32
    %while3A_193 = arith.addi %while3A_190, %while3A_192 : i32
    %while3A_194 = arith.constant 1 : i32
    %while3A_195 = arith.divsi %while3A_192, %while3A_194 : i32
    %while3A_196 = arith.muli %while3A_195, %while3A_194 : i32
    %while3A_197 = arith.addi %while3A_190, %while3A_196 : i32
    %while3A_198 = arith.constant 1 : i32
    %while3A_199 = scf.for %while3A_205 = %while3A_190 to %while3A_197 step %while3A_198 iter_args(%while3A_206 = %while3A_191) -> (i32)  : i32 {
      %mul3A_207 = arith.constant 32 : i32
      %mul3A_208 = arith.muli %while3A_205, %mul3A_207 : i32
      %add3A_209 = arith.addi %add3A, %mul3A_208 : i32
      %mul3A_210 = arith.constant 80 : i32
      %mul3A_211 = arith.muli %add3A_209, %mul3A_210 : i32
      %dma_start3A_212 = tpu.memref_slice %arg5[%mul3A_211] : memref<50000xi32, #tpu.memory_space<hbm>> -> memref<80xi32, #tpu.memory_space<hbm>>
      %dma_start3A_213 = tpu.memref_slice %arg5[%mul3A_211] : memref<50000xi32, #tpu.memory_space<hbm>> -> memref<80xi32, #tpu.memory_space<hbm>>
      tpu.enqueue_dma source(%dma_start3A_213 : memref<80xi32, #tpu.memory_space<hbm>>) target(%arg17 : memref<80xi32, #tpu.memory_space<vmem>>) target_semaphore(%arg40 : memref<!tpu.dma_semaphore, #tpu.memory_space<semaphore_mem>>)
      "tpu.region"() ({
        %run_scoped3A_217 = tpu.sem_alloc : memref<!tpu.dma_semaphore, #tpu.memory_space<semaphore_mem>>
        %dma_start3A_218 = arith.constant 0 : i32
        %dma_start3A_219 = tpu.memref_slice %arg6[%mul3A_211, %dma_start3A_218] : memref<50000x128xf32, #tpu.memory_space<hbm>> -> memref<80x128xf32, #tpu.memory_space<hbm>>
        %dma_start3A_220 = arith.constant 0 : i32
        %dma_start3A_221 = tpu.memref_slice %arg6[%mul3A_211, %dma_start3A_220] : memref<50000x128xf32, #tpu.memory_space<hbm>> -> memref<80x128xf32, #tpu.memory_space<hbm>>
        tpu.enqueue_dma source(%dma_start3A_221 : memref<80x128xf32, #tpu.memory_space<hbm>>) target(%arg27 : memref<80x128xf32, #tpu.memory_space<vmem>>) target_semaphore(%run_scoped3A_217 : memref<!tpu.dma_semaphore, #tpu.memory_space<semaphore_mem>>)
        %dma_wait3A_222 = arith.constant 0 : i32
        %dma_wait3A_223 = tpu.memref_slice %arg6[%mul3A_211, %dma_wait3A_222] : memref<50000x128xf32, #tpu.memory_space<hbm>> -> memref<80x128xf32, #tpu.memory_space<hbm>>
        %dma_wait3A_224 = arith.constant 0 : i32
        %dma_wait3A_225 = tpu.memref_slice %arg6[%mul3A_211, %dma_wait3A_224] : memref<50000x128xf32, #tpu.memory_space<hbm>> -> memref<80x128xf32, #tpu.memory_space<hbm>>
        tpu.wait_dma2 semaphore(%run_scoped3A_217 : memref<!tpu.dma_semaphore, #tpu.memory_space<semaphore_mem>>) src(%dma_wait3A_225 : memref<80x128xf32, #tpu.memory_space<hbm>>) dst(%arg27 : memref<80x128xf32, #tpu.memory_space<vmem>>)
        tpu.yield
      }) : () -> ()
      %dma_wait3A_214 = tpu.memref_slice %arg5[%mul3A_211] : memref<50000xi32, #tpu.memory_space<hbm>> -> memref<80xi32, #tpu.memory_space<hbm>>
      %dma_wait3A_215 = tpu.memref_slice %arg5[%mul3A_211] : memref<50000xi32, #tpu.memory_space<hbm>> -> memref<80xi32, #tpu.memory_space<hbm>>
      tpu.wait_dma2 semaphore(%arg40 : memref<!tpu.dma_semaphore, #tpu.memory_space<semaphore_mem>>) src(%dma_wait3A_215 : memref<80xi32, #tpu.memory_space<hbm>>) dst(%arg17 : memref<80xi32, #tpu.memory_space<vmem>>)
      "tpu.region"() ({
        %run_scoped3A_217 = tpu.sem_alloc : memref<!tpu.dma_semaphore, #tpu.memory_space<semaphore_mem>>
        %dma_start3A_218 = arith.constant 0 : i32
        %dma_start3A_219 = arith.constant 0 : i32
        %dma_start3A_220 = tpu.memref_slice %arg29[%dma_start3A_218, %dma_start3A_219] : memref<512x128xf32, #tpu.memory_space<vmem_shared>> -> memref<512x128xf32, #tpu.memory_space<vmem_shared>>
        tpu.enqueue_indirect_dma source(%arg27 : memref<80x128xf32, #tpu.memory_space<vmem>>) target(%dma_start3A_220 : memref<512x128xf32, #tpu.memory_space<vmem_shared>>) offsets(%arg17 : memref<80xi32, #tpu.memory_space<vmem>>) semaphore(%run_scoped3A_217 : memref<!tpu.dma_semaphore, #tpu.memory_space<semaphore_mem>>) {add = true}
        %dma_wait3A_221 = arith.constant 0 : i32
        %dma_wait3A_222 = arith.constant 0 : i32
        %dma_wait3A_223 = tpu.memref_slice %arg29[%dma_wait3A_221, %dma_wait3A_222] : memref<512x128xf32, #tpu.memory_space<vmem_shared>> -> memref<512x128xf32, #tpu.memory_space<vmem_shared>>
        tpu.wait_indirect_dma semaphore(%run_scoped3A_217 : memref<!tpu.dma_semaphore, #tpu.memory_space<semaphore_mem>>) src(%arg27 : memref<80x128xf32, #tpu.memory_space<vmem>>) dst(%dma_wait3A_223 : memref<512x128xf32, #tpu.memory_space<vmem_shared>>)
        tpu.yield
      }) : () -> ()
      %while3A_216 = arith.constant 0 : i32
      scf.yield %while3A_216 : i32
    }
    %while3A_200 = arith.constant 1 : i32
    %while3A_201 = scf.for %while3A_205 = %while3A_197 to %while3A_193 step %while3A_200 iter_args(%while3A_206 = %while3A_199) -> (i32)  : i32 {
      %mul3A_207 = arith.constant 32 : i32
      %mul3A_208 = arith.muli %while3A_205, %mul3A_207 : i32
      %add3A_209 = arith.addi %add3A, %mul3A_208 : i32
      %mul3A_210 = arith.constant 80 : i32
      %mul3A_211 = arith.muli %add3A_209, %mul3A_210 : i32
      %dma_start3A_212 = tpu.memref_slice %arg5[%mul3A_211] : memref<50000xi32, #tpu.memory_space<hbm>> -> memref<80xi32, #tpu.memory_space<hbm>>
      %dma_start3A_213 = tpu.memref_slice %arg5[%mul3A_211] : memref<50000xi32, #tpu.memory_space<hbm>> -> memref<80xi32, #tpu.memory_space<hbm>>
      tpu.enqueue_dma source(%dma_start3A_213 : memref<80xi32, #tpu.memory_space<hbm>>) target(%arg17 : memref<80xi32, #tpu.memory_space<vmem>>) target_semaphore(%arg40 : memref<!tpu.dma_semaphore, #tpu.memory_space<semaphore_mem>>)
      "tpu.region"() ({
        %run_scoped3A_217 = tpu.sem_alloc : memref<!tpu.dma_semaphore, #tpu.memory_space<semaphore_mem>>
        %dma_start3A_218 = arith.constant 0 : i32
        %dma_start3A_219 = tpu.memref_slice %arg6[%mul3A_211, %dma_start3A_218] : memref<50000x128xf32, #tpu.memory_space<hbm>> -> memref<80x128xf32, #tpu.memory_space<hbm>>
        %dma_start3A_220 = arith.constant 0 : i32
        %dma_start3A_221 = tpu.memref_slice %arg6[%mul3A_211, %dma_start3A_220] : memref<50000x128xf32, #tpu.memory_space<hbm>> -> memref<80x128xf32, #tpu.memory_space<hbm>>
        tpu.enqueue_dma source(%dma_start3A_221 : memref<80x128xf32, #tpu.memory_space<hbm>>) target(%arg27 : memref<80x128xf32, #tpu.memory_space<vmem>>) target_semaphore(%run_scoped3A_217 : memref<!tpu.dma_semaphore, #tpu.memory_space<semaphore_mem>>)
        %dma_wait3A_222 = arith.constant 0 : i32
        %dma_wait3A_223 = tpu.memref_slice %arg6[%mul3A_211, %dma_wait3A_222] : memref<50000x128xf32, #tpu.memory_space<hbm>> -> memref<80x128xf32, #tpu.memory_space<hbm>>
        %dma_wait3A_224 = arith.constant 0 : i32
        %dma_wait3A_225 = tpu.memref_slice %arg6[%mul3A_211, %dma_wait3A_224] : memref<50000x128xf32, #tpu.memory_space<hbm>> -> memref<80x128xf32, #tpu.memory_space<hbm>>
        tpu.wait_dma2 semaphore(%run_scoped3A_217 : memref<!tpu.dma_semaphore, #tpu.memory_space<semaphore_mem>>) src(%dma_wait3A_225 : memref<80x128xf32, #tpu.memory_space<hbm>>) dst(%arg27 : memref<80x128xf32, #tpu.memory_space<vmem>>)
        tpu.yield
      }) : () -> ()
      %dma_wait3A_214 = tpu.memref_slice %arg5[%mul3A_211] : memref<50000xi32, #tpu.memory_space<hbm>> -> memref<80xi32, #tpu.memory_space<hbm>>
      %dma_wait3A_215 = tpu.memref_slice %arg5[%mul3A_211] : memref<50000xi32, #tpu.memory_space<hbm>> -> memref<80xi32, #tpu.memory_space<hbm>>
      tpu.wait_dma2 semaphore(%arg40 : memref<!tpu.dma_semaphore, #tpu.memory_space<semaphore_mem>>) src(%dma_wait3A_215 : memref<80xi32, #tpu.memory_space<hbm>>) dst(%arg17 : memref<80xi32, #tpu.memory_space<vmem>>)
      "tpu.region"() ({
        %run_scoped3A_217 = tpu.sem_alloc : memref<!tpu.dma_semaphore, #tpu.memory_space<semaphore_mem>>
        %dma_start3A_218 = arith.constant 0 : i32
        %dma_start3A_219 = arith.constant 0 : i32
        %dma_start3A_220 = tpu.memref_slice %arg29[%dma_start3A_218, %dma_start3A_219] : memref<512x128xf32, #tpu.memory_space<vmem_shared>> -> memref<512x128xf32, #tpu.memory_space<vmem_shared>>
        tpu.enqueue_indirect_dma source(%arg27 : memref<80x128xf32, #tpu.memory_space<vmem>>) target(%dma_start3A_220 : memref<512x128xf32, #tpu.memory_space<vmem_shared>>) offsets(%arg17 : memref<80xi32, #tpu.memory_space<vmem>>) semaphore(%run_scoped3A_217 : memref<!tpu.dma_semaphore, #tpu.memory_space<semaphore_mem>>) {add = true}
        %dma_wait3A_221 = arith.constant 0 : i32
        %dma_wait3A_222 = arith.constant 0 : i32
        %dma_wait3A_223 = tpu.memref_slice %arg29[%dma_wait3A_221, %dma_wait3A_222] : memref<512x128xf32, #tpu.memory_space<vmem_shared>> -> memref<512x128xf32, #tpu.memory_space<vmem_shared>>
        tpu.wait_indirect_dma semaphore(%run_scoped3A_217 : memref<!tpu.dma_semaphore, #tpu.memory_space<semaphore_mem>>) src(%arg27 : memref<80x128xf32, #tpu.memory_space<vmem>>) dst(%dma_wait3A_223 : memref<512x128xf32, #tpu.memory_space<vmem_shared>>)
        tpu.yield
      }) : () -> ()
      %while3A_216 = arith.constant 0 : i32
      scf.yield %while3A_216 : i32
    }
    "tpu.region"() ({
      %run_scoped3A_205 = tpu.sem_alloc : memref<!tpu.dma_semaphore, #tpu.memory_space<semaphore_mem>>
      %dma_start3A_206 = arith.constant 0 : i32
      %dma_start3A_207 = tpu.memref_slice %arg9[%add3A, %dma_start3A_206] : memref<32x128xf32, #tpu.memory_space<hbm>> -> memref<1x128xf32, #tpu.memory_space<hbm>>
      %dma_start3A_208 = tpu.memref_squeeze %dma_start3A_207 : memref<1x128xf32, #tpu.memory_space<hbm>> -> memref<128xf32, #tpu.memory_space<hbm>>
      %dma_start3A_209 = arith.constant 0 : i32
      %dma_start3A_210 = tpu.memref_slice %arg9[%add3A, %dma_start3A_209] : memref<32x128xf32, #tpu.memory_space<hbm>> -> memref<1x128xf32, #tpu.memory_space<hbm>>
      %dma_start3A_211 = tpu.memref_squeeze %dma_start3A_210 : memref<1x128xf32, #tpu.memory_space<hbm>> -> memref<128xf32, #tpu.memory_space<hbm>>
      tpu.enqueue_dma source(%arg25 : memref<128xf32, #tpu.memory_space<vmem>>) target(%dma_start3A_211 : memref<128xf32, #tpu.memory_space<hbm>>) target_semaphore(%run_scoped3A_205 : memref<!tpu.dma_semaphore, #tpu.memory_space<semaphore_mem>>)
      %dma_wait3A_212 = arith.constant 0 : i32
      %dma_wait3A_213 = tpu.memref_slice %arg9[%add3A, %dma_wait3A_212] : memref<32x128xf32, #tpu.memory_space<hbm>> -> memref<1x128xf32, #tpu.memory_space<hbm>>
      %dma_wait3A_214 = tpu.memref_squeeze %dma_wait3A_213 : memref<1x128xf32, #tpu.memory_space<hbm>> -> memref<128xf32, #tpu.memory_space<hbm>>
      %dma_wait3A_215 = arith.constant 0 : i32
      %dma_wait3A_216 = tpu.memref_slice %arg9[%add3A, %dma_wait3A_215] : memref<32x128xf32, #tpu.memory_space<hbm>> -> memref<1x128xf32, #tpu.memory_space<hbm>>
      %dma_wait3A_217 = tpu.memref_squeeze %dma_wait3A_216 : memref<1x128xf32, #tpu.memory_space<hbm>> -> memref<128xf32, #tpu.memory_space<hbm>>
      tpu.wait_dma2 semaphore(%run_scoped3A_205 : memref<!tpu.dma_semaphore, #tpu.memory_space<semaphore_mem>>) src(%arg25 : memref<128xf32, #tpu.memory_space<vmem>>) dst(%dma_wait3A_217 : memref<128xf32, #tpu.memory_space<hbm>>)
      tpu.yield
    }) : () -> ()
    "tpu.region"() ({
      %run_scoped3A_205 = tpu.sem_alloc : memref<!tpu.dma_semaphore, #tpu.memory_space<semaphore_mem>>
      %dma_start3A_206 = arith.constant 0 : i32
      %dma_start3A_207 = tpu.memref_slice %arg10[%add3A, %dma_start3A_206] : memref<32x512xf32, #tpu.memory_space<hbm>> -> memref<1x512xf32, #tpu.memory_space<hbm>>
      %dma_start3A_208 = tpu.memref_squeeze %dma_start3A_207 : memref<1x512xf32, #tpu.memory_space<hbm>> -> memref<512xf32, #tpu.memory_space<hbm>>
      %dma_start3A_209 = arith.constant 0 : i32
      %dma_start3A_210 = tpu.memref_slice %arg10[%add3A, %dma_start3A_209] : memref<32x512xf32, #tpu.memory_space<hbm>> -> memref<1x512xf32, #tpu.memory_space<hbm>>
      %dma_start3A_211 = tpu.memref_squeeze %dma_start3A_210 : memref<1x512xf32, #tpu.memory_space<hbm>> -> memref<512xf32, #tpu.memory_space<hbm>>
      tpu.enqueue_dma source(%arg24 : memref<512xf32, #tpu.memory_space<vmem>>) target(%dma_start3A_211 : memref<512xf32, #tpu.memory_space<hbm>>) target_semaphore(%run_scoped3A_205 : memref<!tpu.dma_semaphore, #tpu.memory_space<semaphore_mem>>)
      %dma_wait3A_212 = arith.constant 0 : i32
      %dma_wait3A_213 = tpu.memref_slice %arg10[%add3A, %dma_wait3A_212] : memref<32x512xf32, #tpu.memory_space<hbm>> -> memref<1x512xf32, #tpu.memory_space<hbm>>
      %dma_wait3A_214 = tpu.memref_squeeze %dma_wait3A_213 : memref<1x512xf32, #tpu.memory_space<hbm>> -> memref<512xf32, #tpu.memory_space<hbm>>
      %dma_wait3A_215 = arith.constant 0 : i32
      %dma_wait3A_216 = tpu.memref_slice %arg10[%add3A, %dma_wait3A_215] : memref<32x512xf32, #tpu.memory_space<hbm>> -> memref<1x512xf32, #tpu.memory_space<hbm>>
      %dma_wait3A_217 = tpu.memref_squeeze %dma_wait3A_216 : memref<1x512xf32, #tpu.memory_space<hbm>> -> memref<512xf32, #tpu.memory_space<hbm>>
      tpu.wait_dma2 semaphore(%run_scoped3A_205 : memref<!tpu.dma_semaphore, #tpu.memory_space<semaphore_mem>>) src(%arg24 : memref<512xf32, #tpu.memory_space<vmem>>) dst(%dma_wait3A_217 : memref<512xf32, #tpu.memory_space<hbm>>)
      tpu.yield
    }) : () -> ()
    %barrier3A_202 = arith.constant 0 : index
    tpu.barrier barrier_id(%barrier3A_202)
    %mul3A_203 = arith.constant 32 : i32
    %mul3A_204 = arith.muli %arg1, %mul3A_203 : i32
    "tpu.region"() ({
      %run_scoped3A_205 = tpu.sem_alloc : memref<!tpu.dma_semaphore, #tpu.memory_space<semaphore_mem>>
      %dma_start3A_206 = arith.constant 0 : i32
      %dma_start3A_207 = tpu.memref_slice %arg28[%mul3A_204, %dma_start3A_206] : memref<512x128xf32, #tpu.memory_space<vmem_shared>> -> memref<32x128xf32, #tpu.memory_space<vmem_shared>>
      %dma_start3A_208 = arith.constant 0 : i32
      %dma_start3A_209 = tpu.memref_slice %arg28[%mul3A_204, %dma_start3A_208] : memref<512x128xf32, #tpu.memory_space<vmem_shared>> -> memref<32x128xf32, #tpu.memory_space<vmem_shared>>
      tpu.enqueue_dma source(%dma_start3A_209 : memref<32x128xf32, #tpu.memory_space<vmem_shared>>) target(%arg26 : memref<32x128xf32, #tpu.memory_space<vmem>>) target_semaphore(%run_scoped3A_205 : memref<!tpu.dma_semaphore, #tpu.memory_space<semaphore_mem>>)
      %dma_wait3A_210 = arith.constant 0 : i32
      %dma_wait3A_211 = tpu.memref_slice %arg28[%mul3A_204, %dma_wait3A_210] : memref<512x128xf32, #tpu.memory_space<vmem_shared>> -> memref<32x128xf32, #tpu.memory_space<vmem_shared>>
      %dma_wait3A_212 = arith.constant 0 : i32
      %dma_wait3A_213 = tpu.memref_slice %arg28[%mul3A_204, %dma_wait3A_212] : memref<512x128xf32, #tpu.memory_space<vmem_shared>> -> memref<32x128xf32, #tpu.memory_space<vmem_shared>>
      tpu.wait_dma2 semaphore(%run_scoped3A_205 : memref<!tpu.dma_semaphore, #tpu.memory_space<semaphore_mem>>) src(%dma_wait3A_213 : memref<32x128xf32, #tpu.memory_space<vmem_shared>>) dst(%arg26 : memref<32x128xf32, #tpu.memory_space<vmem>>)
      tpu.yield
    }) : () -> ()
    "tpu.region"() ({
      %run_scoped3A_205 = tpu.sem_alloc : memref<!tpu.dma_semaphore, #tpu.memory_space<semaphore_mem>>
      %dma_start3A_206 = arith.constant 0 : i32
      %dma_start3A_207 = tpu.memref_slice %arg7[%arg0, %mul3A_204, %dma_start3A_206] : memref<2x512x128xf32, #tpu.memory_space<hbm>> -> memref<1x32x128xf32, #tpu.memory_space<hbm>>
      %dma_start3A_208 = tpu.memref_squeeze %dma_start3A_207 : memref<1x32x128xf32, #tpu.memory_space<hbm>> -> memref<32x128xf32, #tpu.memory_space<hbm>>
      %dma_start3A_209 = arith.constant 0 : i32
      %dma_start3A_210 = tpu.memref_slice %arg7[%arg0, %mul3A_204, %dma_start3A_209] : memref<2x512x128xf32, #tpu.memory_space<hbm>> -> memref<1x32x128xf32, #tpu.memory_space<hbm>>
      %dma_start3A_211 = tpu.memref_squeeze %dma_start3A_210 : memref<1x32x128xf32, #tpu.memory_space<hbm>> -> memref<32x128xf32, #tpu.memory_space<hbm>>
      tpu.enqueue_dma source(%arg26 : memref<32x128xf32, #tpu.memory_space<vmem>>) target(%dma_start3A_211 : memref<32x128xf32, #tpu.memory_space<hbm>>) target_semaphore(%run_scoped3A_205 : memref<!tpu.dma_semaphore, #tpu.memory_space<semaphore_mem>>)
      %dma_wait3A_212 = arith.constant 0 : i32
      %dma_wait3A_213 = tpu.memref_slice %arg7[%arg0, %mul3A_204, %dma_wait3A_212] : memref<2x512x128xf32, #tpu.memory_space<hbm>> -> memref<1x32x128xf32, #tpu.memory_space<hbm>>
      %dma_wait3A_214 = tpu.memref_squeeze %dma_wait3A_213 : memref<1x32x128xf32, #tpu.memory_space<hbm>> -> memref<32x128xf32, #tpu.memory_space<hbm>>
      %dma_wait3A_215 = arith.constant 0 : i32
      %dma_wait3A_216 = tpu.memref_slice %arg7[%arg0, %mul3A_204, %dma_wait3A_215] : memref<2x512x128xf32, #tpu.memory_space<hbm>> -> memref<1x32x128xf32, #tpu.memory_space<hbm>>
      %dma_wait3A_217 = tpu.memref_squeeze %dma_wait3A_216 : memref<1x32x128xf32, #tpu.memory_space<hbm>> -> memref<32x128xf32, #tpu.memory_space<hbm>>
      tpu.wait_dma2 semaphore(%run_scoped3A_205 : memref<!tpu.dma_semaphore, #tpu.memory_space<semaphore_mem>>) src(%arg26 : memref<32x128xf32, #tpu.memory_space<vmem>>) dst(%dma_wait3A_217 : memref<32x128xf32, #tpu.memory_space<hbm>>)
      tpu.yield
    }) : () -> ()
    "tpu.region"() ({
      %run_scoped3A_205 = tpu.sem_alloc : memref<!tpu.dma_semaphore, #tpu.memory_space<semaphore_mem>>
      %dma_start3A_206 = arith.constant 0 : i32
      %dma_start3A_207 = tpu.memref_slice %arg29[%mul3A_204, %dma_start3A_206] : memref<512x128xf32, #tpu.memory_space<vmem_shared>> -> memref<32x128xf32, #tpu.memory_space<vmem_shared>>
      %dma_start3A_208 = arith.constant 0 : i32
      %dma_start3A_209 = tpu.memref_slice %arg29[%mul3A_204, %dma_start3A_208] : memref<512x128xf32, #tpu.memory_space<vmem_shared>> -> memref<32x128xf32, #tpu.memory_space<vmem_shared>>
      tpu.enqueue_dma source(%dma_start3A_209 : memref<32x128xf32, #tpu.memory_space<vmem_shared>>) target(%arg26 : memref<32x128xf32, #tpu.memory_space<vmem>>) target_semaphore(%run_scoped3A_205 : memref<!tpu.dma_semaphore, #tpu.memory_space<semaphore_mem>>)
      %dma_wait3A_210 = arith.constant 0 : i32
      %dma_wait3A_211 = tpu.memref_slice %arg29[%mul3A_204, %dma_wait3A_210] : memref<512x128xf32, #tpu.memory_space<vmem_shared>> -> memref<32x128xf32, #tpu.memory_space<vmem_shared>>
      %dma_wait3A_212 = arith.constant 0 : i32
      %dma_wait3A_213 = tpu.memref_slice %arg29[%mul3A_204, %dma_wait3A_212] : memref<512x128xf32, #tpu.memory_space<vmem_shared>> -> memref<32x128xf32, #tpu.memory_space<vmem_shared>>
      tpu.wait_dma2 semaphore(%run_scoped3A_205 : memref<!tpu.dma_semaphore, #tpu.memory_space<semaphore_mem>>) src(%dma_wait3A_213 : memref<32x128xf32, #tpu.memory_space<vmem_shared>>) dst(%arg26 : memref<32x128xf32, #tpu.memory_space<vmem>>)
      tpu.yield
    }) : () -> ()
    "tpu.region"() ({
      %run_scoped3A_205 = tpu.sem_alloc : memref<!tpu.dma_semaphore, #tpu.memory_space<semaphore_mem>>
      %dma_start3A_206 = arith.constant 0 : i32
      %dma_start3A_207 = tpu.memref_slice %arg8[%arg0, %mul3A_204, %dma_start3A_206] : memref<2x512x128xf32, #tpu.memory_space<hbm>> -> memref<1x32x128xf32, #tpu.memory_space<hbm>>
      %dma_start3A_208 = tpu.memref_squeeze %dma_start3A_207 : memref<1x32x128xf32, #tpu.memory_space<hbm>> -> memref<32x128xf32, #tpu.memory_space<hbm>>
      %dma_start3A_209 = arith.constant 0 : i32
      %dma_start3A_210 = tpu.memref_slice %arg8[%arg0, %mul3A_204, %dma_start3A_209] : memref<2x512x128xf32, #tpu.memory_space<hbm>> -> memref<1x32x128xf32, #tpu.memory_space<hbm>>
      %dma_start3A_211 = tpu.memref_squeeze %dma_start3A_210 : memref<1x32x128xf32, #tpu.memory_space<hbm>> -> memref<32x128xf32, #tpu.memory_space<hbm>>
      tpu.enqueue_dma source(%arg26 : memref<32x128xf32, #tpu.memory_space<vmem>>) target(%dma_start3A_211 : memref<32x128xf32, #tpu.memory_space<hbm>>) target_semaphore(%run_scoped3A_205 : memref<!tpu.dma_semaphore, #tpu.memory_space<semaphore_mem>>)
      %dma_wait3A_212 = arith.constant 0 : i32
      %dma_wait3A_213 = tpu.memref_slice %arg8[%arg0, %mul3A_204, %dma_wait3A_212] : memref<2x512x128xf32, #tpu.memory_space<hbm>> -> memref<1x32x128xf32, #tpu.memory_space<hbm>>
      %dma_wait3A_214 = tpu.memref_squeeze %dma_wait3A_213 : memref<1x32x128xf32, #tpu.memory_space<hbm>> -> memref<32x128xf32, #tpu.memory_space<hbm>>
      %dma_wait3A_215 = arith.constant 0 : i32
      %dma_wait3A_216 = tpu.memref_slice %arg8[%arg0, %mul3A_204, %dma_wait3A_215] : memref<2x512x128xf32, #tpu.memory_space<hbm>> -> memref<1x32x128xf32, #tpu.memory_space<hbm>>
      %dma_wait3A_217 = tpu.memref_squeeze %dma_wait3A_216 : memref<1x32x128xf32, #tpu.memory_space<hbm>> -> memref<32x128xf32, #tpu.memory_space<hbm>>
      tpu.wait_dma2 semaphore(%run_scoped3A_205 : memref<!tpu.dma_semaphore, #tpu.memory_space<semaphore_mem>>) src(%arg26 : memref<32x128xf32, #tpu.memory_space<vmem>>) dst(%dma_wait3A_217 : memref<32x128xf32, #tpu.memory_space<hbm>>)
      tpu.yield
    }) : () -> ()
    return
  }
}

module attributes {stable_mosaic.version = 14 : i64} {
  func.func @body(%arg0: i32, %arg1: memref<8000x64xf32, #tpu.memory_space<vmem>>, %arg2: memref<64x128xf32, #tpu.memory_space<vmem>>, %arg3: memref<1x128xf32, #tpu.memory_space<vmem>>, %arg4: memref<8000x128xf32, #tpu.memory_space<vmem>>) attributes {dimension_semantics = [#tpu.dimension_semantics<arbitrary>], iteration_bounds = array<i64: 100>, scalar_prefetch = 0 : i64, scratch_operands = 0 : i64, tpu.core_type = #tpu.core_type<tc>, window_params = [{transform_indices = @transform_0, window_bounds = array<i64: 8000, 64>}, {pipeline_mode = #tpu.pipeline_mode<synchronous>, transform_indices = @transform_1, window_bounds = array<i64: 64, 128>}, {pipeline_mode = #tpu.pipeline_mode<synchronous>, transform_indices = @transform_2, window_bounds = array<i64: 1, 128>}, {transform_indices = @transform_3, window_bounds = array<i64: 8000, 128>}]} {
    %get3A = arith.constant 0 : index
    %get3A_0 = arith.constant 0 : index
    %get3A_1 = vector.load %arg1[%get3A, %get3A_0] : memref<8000x64xf32, #tpu.memory_space<vmem>>, vector<8000x64xf32>
    %get3A_2 = arith.constant 0 : index
    %get3A_3 = arith.constant 0 : index
    %get3A_4 = vector.load %arg2[%get3A_2, %get3A_3] : memref<64x128xf32, #tpu.memory_space<vmem>>, vector<64x128xf32>
    %convert_element_type3A = arith.truncf %get3A_1 : vector<8000x64xf32> to vector<8000x64xbf16>
    %convert_element_type3A_5 = arith.extf %convert_element_type3A : vector<8000x64xbf16> to vector<8000x64xf32>
    %sub3A = arith.subf %get3A_1, %convert_element_type3A_5 : vector<8000x64xf32>
    %convert_element_type3A_6 = arith.truncf %sub3A : vector<8000x64xf32> to vector<8000x64xbf16>
    %convert_element_type3A_7 = arith.truncf %get3A_4 : vector<64x128xf32> to vector<64x128xbf16>
    %convert_element_type3A_8 = arith.extf %convert_element_type3A_7 : vector<64x128xbf16> to vector<64x128xf32>
    %sub3A_9 = arith.subf %get3A_4, %convert_element_type3A_8 : vector<64x128xf32>
    %convert_element_type3A_10 = arith.truncf %sub3A_9 : vector<64x128xf32> to vector<64x128xbf16>
    %dot_general3A = arith.constant dense<0.000000e+00> : vector<8000x128xf32>
    %dot_general3A_11 = tpu.matmul %convert_element_type3A, %convert_element_type3A_7, %dot_general3A {dimension_numbers = #tpu.dot_dimension_numbers<[1], [0], [0], [1], [0, 0, 1, 1], [], []>, transpose_lhs_hint = false} : vector<8000x64xbf16>, vector<64x128xbf16>, vector<8000x128xf32> -> vector<8000x128xf32>
    %dot_general3A_12 = arith.constant dense<0.000000e+00> : vector<8000x128xf32>
    %dot_general3A_13 = tpu.matmul %convert_element_type3A, %convert_element_type3A_10, %dot_general3A_12 {dimension_numbers = #tpu.dot_dimension_numbers<[1], [0], [0], [1], [0, 0, 1, 1], [], []>, transpose_lhs_hint = false} : vector<8000x64xbf16>, vector<64x128xbf16>, vector<8000x128xf32> -> vector<8000x128xf32>
    %add3A = arith.addf %dot_general3A_11, %dot_general3A_13 : vector<8000x128xf32>
    %dot_general3A_14 = arith.constant dense<0.000000e+00> : vector<8000x128xf32>
    %dot_general3A_15 = tpu.matmul %convert_element_type3A_6, %convert_element_type3A_7, %dot_general3A_14 {dimension_numbers = #tpu.dot_dimension_numbers<[1], [0], [0], [1], [0, 0, 1, 1], [], []>, transpose_lhs_hint = false} : vector<8000x64xbf16>, vector<64x128xbf16>, vector<8000x128xf32> -> vector<8000x128xf32>
    %add3A_16 = arith.addf %add3A, %dot_general3A_15 : vector<8000x128xf32>
    %get3A_17 = arith.constant 0 : index
    %get3A_18 = arith.constant 0 : index
    %get3A_19 = vector.load %arg3[%get3A_17, %get3A_18] : memref<1x128xf32, #tpu.memory_space<vmem>>, vector<1x128xf32>
    %add3A_20 = vector.broadcast %get3A_19 : vector<1x128xf32> to vector<8000x128xf32>
    %add3A_21 = arith.addf %add3A_16, %add3A_20 : vector<8000x128xf32>
    %swap3A = arith.constant 0 : index
    %swap3A_22 = arith.constant 0 : index
    %swap3A_23 = vector.load %arg4[%swap3A, %swap3A_22] : memref<8000x128xf32, #tpu.memory_space<vmem>>, vector<8000x128xf32>
    tpu.vector_store %arg4[%swap3A, %swap3A_22], %add3A_21 {strides = array<i32>} : memref<8000x128xf32, #tpu.memory_space<vmem>>, vector<8000x128xf32>,
    return
  }
  func.func @transform_0(%arg0: i32) -> (i32, i32) {
    %c0_i32 = arith.constant 0 : i32
    %c0_i32_0 = arith.constant 0 : i32
    return %arg0, %c0_i32 : i32, i32
  }
  func.func @transform_1(%arg0: i32) -> (i32, i32) {
    %c0_i32 = arith.constant 0 : i32
    %c0_i32_0 = arith.constant 0 : i32
    %c0_i32_1 = arith.constant 0 : i32
    return %c0_i32, %c0_i32_0 : i32, i32
  }
  func.func @transform_2(%arg0: i32) -> (i32, i32) {
    %c0_i32 = arith.constant 0 : i32
    %c0_i32_0 = arith.constant 0 : i32
    %c0_i32_1 = arith.constant 0 : i32
    return %c0_i32, %c0_i32_0 : i32, i32
  }
  func.func @transform_3(%arg0: i32) -> (i32, i32) {
    %c0_i32 = arith.constant 0 : i32
    %c0_i32_0 = arith.constant 0 : i32
    return %arg0, %c0_i32 : i32, i32
  }
}

module attributes {stable_mosaic.version = 14 : i64} {
  func.func @body(%arg0: i32, %arg1: memref<2000x64xf32, #tpu.memory_space<vmem>>, %arg2: memref<64x128xf32, #tpu.memory_space<vmem>>, %arg3: memref<64x128xf32, #tpu.memory_space<vmem>>, %arg4: memref<2000x128xf32, #tpu.memory_space<vmem>>, %arg5: memref<2000x128xf32, #tpu.memory_space<vmem>>) attributes {dimension_semantics = [#tpu.dimension_semantics<arbitrary>], iteration_bounds = array<i64: 25>, scalar_prefetch = 0 : i64, scratch_operands = 0 : i64, tpu.core_type = #tpu.core_type<tc>, window_params = [{transform_indices = @transform_0, window_bounds = array<i64: 2000, 64>}, {pipeline_mode = #tpu.pipeline_mode<synchronous>, transform_indices = @transform_1, window_bounds = array<i64: 64, 128>}, {pipeline_mode = #tpu.pipeline_mode<synchronous>, transform_indices = @transform_2, window_bounds = array<i64: 64, 128>}, {transform_indices = @transform_3, window_bounds = array<i64: 2000, 128>}, {transform_indices = @transform_4, window_bounds = array<i64: 2000, 128>}]} {
    %get3A = arith.constant 0 : index
    %get3A_0 = arith.constant 0 : index
    %get3A_1 = vector.load %arg1[%get3A, %get3A_0] : memref<2000x64xf32, #tpu.memory_space<vmem>>, vector<2000x64xf32>
    %get3A_2 = arith.constant 0 : index
    %get3A_3 = arith.constant 0 : index
    %get3A_4 = vector.load %arg2[%get3A_2, %get3A_3] : memref<64x128xf32, #tpu.memory_space<vmem>>, vector<64x128xf32>
    %convert_element_type3A = arith.truncf %get3A_1 : vector<2000x64xf32> to vector<2000x64xbf16>
    %convert_element_type3A_5 = arith.extf %convert_element_type3A : vector<2000x64xbf16> to vector<2000x64xf32>
    %sub3A = arith.subf %get3A_1, %convert_element_type3A_5 : vector<2000x64xf32>
    %convert_element_type3A_6 = arith.truncf %sub3A : vector<2000x64xf32> to vector<2000x64xbf16>
    %convert_element_type3A_7 = arith.truncf %get3A_4 : vector<64x128xf32> to vector<64x128xbf16>
    %convert_element_type3A_8 = arith.extf %convert_element_type3A_7 : vector<64x128xbf16> to vector<64x128xf32>
    %sub3A_9 = arith.subf %get3A_4, %convert_element_type3A_8 : vector<64x128xf32>
    %convert_element_type3A_10 = arith.truncf %sub3A_9 : vector<64x128xf32> to vector<64x128xbf16>
    %dot_general3A = arith.constant dense<0.000000e+00> : vector<2000x128xf32>
    %dot_general3A_11 = tpu.matmul %convert_element_type3A, %convert_element_type3A_7, %dot_general3A {dimension_numbers = #tpu.dot_dimension_numbers<[1], [0], [0], [1], [0, 0, 1, 1], [], []>, transpose_lhs_hint = false} : vector<2000x64xbf16>, vector<64x128xbf16>, vector<2000x128xf32> -> vector<2000x128xf32>
    %dot_general3A_12 = arith.constant dense<0.000000e+00> : vector<2000x128xf32>
    %dot_general3A_13 = tpu.matmul %convert_element_type3A, %convert_element_type3A_10, %dot_general3A_12 {dimension_numbers = #tpu.dot_dimension_numbers<[1], [0], [0], [1], [0, 0, 1, 1], [], []>, transpose_lhs_hint = false} : vector<2000x64xbf16>, vector<64x128xbf16>, vector<2000x128xf32> -> vector<2000x128xf32>
    %add3A = arith.addf %dot_general3A_11, %dot_general3A_13 : vector<2000x128xf32>
    %dot_general3A_14 = arith.constant dense<0.000000e+00> : vector<2000x128xf32>
    %dot_general3A_15 = tpu.matmul %convert_element_type3A_6, %convert_element_type3A_7, %dot_general3A_14 {dimension_numbers = #tpu.dot_dimension_numbers<[1], [0], [0], [1], [0, 0, 1, 1], [], []>, transpose_lhs_hint = false} : vector<2000x64xbf16>, vector<64x128xbf16>, vector<2000x128xf32> -> vector<2000x128xf32>
    %add3A_16 = arith.addf %add3A, %dot_general3A_15 : vector<2000x128xf32>
    %swap3A = arith.constant 0 : index
    %swap3A_17 = arith.constant 0 : index
    %swap3A_18 = vector.load %arg4[%swap3A, %swap3A_17] : memref<2000x128xf32, #tpu.memory_space<vmem>>, vector<2000x128xf32>
    tpu.vector_store %arg4[%swap3A, %swap3A_17], %add3A_16 {strides = array<i32>} : memref<2000x128xf32, #tpu.memory_space<vmem>>, vector<2000x128xf32>,
    %get3A_19 = arith.constant 0 : index
    %get3A_20 = arith.constant 0 : index
    %get3A_21 = vector.load %arg3[%get3A_19, %get3A_20] : memref<64x128xf32, #tpu.memory_space<vmem>>, vector<64x128xf32>
    %convert_element_type3A_22 = arith.truncf %get3A_1 : vector<2000x64xf32> to vector<2000x64xbf16>
    %convert_element_type3A_23 = arith.extf %convert_element_type3A_22 : vector<2000x64xbf16> to vector<2000x64xf32>
    %sub3A_24 = arith.subf %get3A_1, %convert_element_type3A_23 : vector<2000x64xf32>
    %convert_element_type3A_25 = arith.truncf %sub3A_24 : vector<2000x64xf32> to vector<2000x64xbf16>
    %convert_element_type3A_26 = arith.truncf %get3A_21 : vector<64x128xf32> to vector<64x128xbf16>
    %convert_element_type3A_27 = arith.extf %convert_element_type3A_26 : vector<64x128xbf16> to vector<64x128xf32>
    %sub3A_28 = arith.subf %get3A_21, %convert_element_type3A_27 : vector<64x128xf32>
    %convert_element_type3A_29 = arith.truncf %sub3A_28 : vector<64x128xf32> to vector<64x128xbf16>
    %dot_general3A_30 = arith.constant dense<0.000000e+00> : vector<2000x128xf32>
    %dot_general3A_31 = tpu.matmul %convert_element_type3A_22, %convert_element_type3A_26, %dot_general3A_30 {dimension_numbers = #tpu.dot_dimension_numbers<[1], [0], [0], [1], [0, 0, 1, 1], [], []>, transpose_lhs_hint = false} : vector<2000x64xbf16>, vector<64x128xbf16>, vector<2000x128xf32> -> vector<2000x128xf32>
    %dot_general3A_32 = arith.constant dense<0.000000e+00> : vector<2000x128xf32>
    %dot_general3A_33 = tpu.matmul %convert_element_type3A_22, %convert_element_type3A_29, %dot_general3A_32 {dimension_numbers = #tpu.dot_dimension_numbers<[1], [0], [0], [1], [0, 0, 1, 1], [], []>, transpose_lhs_hint = false} : vector<2000x64xbf16>, vector<64x128xbf16>, vector<2000x128xf32> -> vector<2000x128xf32>
    %add3A_34 = arith.addf %dot_general3A_31, %dot_general3A_33 : vector<2000x128xf32>
    %dot_general3A_35 = arith.constant dense<0.000000e+00> : vector<2000x128xf32>
    %dot_general3A_36 = tpu.matmul %convert_element_type3A_25, %convert_element_type3A_26, %dot_general3A_35 {dimension_numbers = #tpu.dot_dimension_numbers<[1], [0], [0], [1], [0, 0, 1, 1], [], []>, transpose_lhs_hint = false} : vector<2000x64xbf16>, vector<64x128xbf16>, vector<2000x128xf32> -> vector<2000x128xf32>
    %add3A_37 = arith.addf %add3A_34, %dot_general3A_36 : vector<2000x128xf32>
    %swap3A_38 = arith.constant 0 : index
    %swap3A_39 = arith.constant 0 : index
    %swap3A_40 = vector.load %arg5[%swap3A_38, %swap3A_39] : memref<2000x128xf32, #tpu.memory_space<vmem>>, vector<2000x128xf32>
    tpu.vector_store %arg5[%swap3A_38, %swap3A_39], %add3A_37 {strides = array<i32>} : memref<2000x128xf32, #tpu.memory_space<vmem>>, vector<2000x128xf32>,
    return
  }
  func.func @transform_0(%arg0: i32) -> (i32, i32) {
    %c0_i32 = arith.constant 0 : i32
    %c0_i32_0 = arith.constant 0 : i32
    return %arg0, %c0_i32 : i32, i32
  }
  func.func @transform_1(%arg0: i32) -> (i32, i32) {
    %c0_i32 = arith.constant 0 : i32
    %c0_i32_0 = arith.constant 0 : i32
    %c0_i32_1 = arith.constant 0 : i32
    return %c0_i32, %c0_i32_0 : i32, i32
  }
  func.func @transform_2(%arg0: i32) -> (i32, i32) {
    %c0_i32 = arith.constant 0 : i32
    %c0_i32_0 = arith.constant 0 : i32
    %c0_i32_1 = arith.constant 0 : i32
    return %c0_i32, %c0_i32_0 : i32, i32
  }
  func.func @transform_3(%arg0: i32) -> (i32, i32) {
    %c0_i32 = arith.constant 0 : i32
    %c0_i32_0 = arith.constant 0 : i32
    return %arg0, %c0_i32 : i32, i32
  }
  func.func @transform_4(%arg0: i32) -> (i32, i32) {
    %c0_i32 = arith.constant 0 : i32
    %c0_i32_0 = arith.constant 0 : i32
    return %arg0, %c0_i32 : i32, i32
  }
}

module attributes {stable_mosaic.version = 14 : i64} {
  func.func @body(%arg0: memref<2x512x128xf32, #tpu.memory_space<vmem>>, %arg1: memref<2x512x128xf32, #tpu.memory_space<vmem>>, %arg2: memref<32x128xf32, #tpu.memory_space<vmem>>, %arg3: memref<32x512xf32, #tpu.memory_space<vmem>>, %arg4: memref<128x128xf32, #tpu.memory_space<vmem>>, %arg5: memref<1x128xf32, #tpu.memory_space<vmem>>, %arg6: memref<1x128xf32, #tpu.memory_space<vmem>>, %arg7: memref<1x128xf32, #tpu.memory_space<vmem>>, %arg8: memref<192x128xf32, #tpu.memory_space<vmem>>, %arg9: memref<1x128xf32, #tpu.memory_space<vmem>>, %arg10: memref<1x128xf32, #tpu.memory_space<vmem>>, %arg11: memref<1x128xf32, #tpu.memory_space<vmem>>, %arg12: memref<128x128xf32, #tpu.memory_space<vmem>>, %arg13: memref<1x128xf32, #tpu.memory_space<vmem>>, %arg14: memref<1x128xf32, #tpu.memory_space<vmem>>, %arg15: memref<1x128xf32, #tpu.memory_space<vmem>>, %arg16: memref<128x128xf32, #tpu.memory_space<vmem>>, %arg17: memref<1x128xf32, #tpu.memory_space<vmem>>, %arg18: memref<512x128xf32, #tpu.memory_space<vmem>>) attributes {dimension_semantics = [], scalar_prefetch = 0 : i64, scratch_operands = 0 : i64, tpu.core_type = #tpu.core_type<tc>} {
    %get3A = arith.constant 0 : index
    %get3A_0 = arith.constant 0 : index
    %get3A_1 = arith.constant 0 : index
    %get3A_2 = vector.load %arg0[%get3A, %get3A_0, %get3A_1] : memref<2x512x128xf32, #tpu.memory_space<vmem>>, vector<1x512x128xf32>
    %get3A_3 = vector.shape_cast %get3A_2 : vector<1x512x128xf32> to vector<512x128xf32>
    %get3A_4 = arith.constant 1 : index
    %get3A_5 = arith.constant 0 : index
    %get3A_6 = arith.constant 0 : index
    %get3A_7 = vector.load %arg0[%get3A_4, %get3A_5, %get3A_6] : memref<2x512x128xf32, #tpu.memory_space<vmem>>, vector<1x512x128xf32>
    %get3A_8 = vector.shape_cast %get3A_7 : vector<1x512x128xf32> to vector<512x128xf32>
    %add3A = arith.addf %get3A_3, %get3A_8 : vector<512x128xf32>
    %get3A_9 = arith.constant 0 : index
    %get3A_10 = arith.constant 0 : index
    %get3A_11 = vector.load %arg3[%get3A_9, %get3A_10] : memref<32x512xf32, #tpu.memory_space<vmem>>, vector<32x512xf32>
    %broadcast_in_dim3A = arith.constant 1.000000e+00 : f32
    %broadcast_in_dim3A_12 = vector.broadcast %broadcast_in_dim3A : f32 to vector<32x1xf32>
    %dot_general3A = arith.constant dense<0.000000e+00> : vector<512x1xf32>
    %dot_general3A_13 = tpu.matmul %get3A_11, %broadcast_in_dim3A_12, %dot_general3A {dimension_numbers = #tpu.dot_dimension_numbers<[0], [0], [1], [1], [0, 1, 1, 1], [], []>, precision = #tpu.contract_precision<fp32>, transpose_lhs_hint = false} : vector<32x512xf32>, vector<32x1xf32>, vector<512x1xf32> -> vector<512x1xf32>
    %get3A_14 = arith.constant 0 : index
    %get3A_15 = arith.constant 0 : index
    %get3A_16 = arith.constant 0 : index
    %get3A_17 = vector.load %arg1[%get3A_14, %get3A_15, %get3A_16] : memref<2x512x128xf32, #tpu.memory_space<vmem>>, vector<1x512x128xf32>
    %get3A_18 = vector.shape_cast %get3A_17 : vector<1x512x128xf32> to vector<512x128xf32>
    %get3A_19 = arith.constant 1 : index
    %get3A_20 = arith.constant 0 : index
    %get3A_21 = arith.constant 0 : index
    %get3A_22 = vector.load %arg1[%get3A_19, %get3A_20, %get3A_21] : memref<2x512x128xf32, #tpu.memory_space<vmem>>, vector<1x512x128xf32>
    %get3A_23 = vector.shape_cast %get3A_22 : vector<1x512x128xf32> to vector<512x128xf32>
    %add3A_24 = arith.addf %get3A_18, %get3A_23 : vector<512x128xf32>
    %get3A_25 = arith.constant 0 : index
    %get3A_26 = arith.constant 0 : index
    %get3A_27 = vector.load %arg2[%get3A_25, %get3A_26] : memref<32x128xf32, #tpu.memory_space<vmem>>, vector<32x128xf32>
    %reduce_sum3A = arith.constant dense<0.000000e+00> : vector<128xf32>
    %reduce_sum3A_28 = vector.multi_reduction <add>, %get3A_27, %reduce_sum3A [0] : vector<32x128xf32> to vector<128xf32>
    %broadcast_in_dim3A_29 = vector.shape_cast %reduce_sum3A_28 : vector<128xf32> to vector<1x128xf32>
    %reduce_sum3A_30 = arith.constant dense<0.000000e+00> : vector<128xf32>
    %reduce_sum3A_31 = vector.multi_reduction <add>, %add3A, %reduce_sum3A_30 [0] : vector<512x128xf32> to vector<128xf32>
    %broadcast_in_dim3A_32 = vector.shape_cast %reduce_sum3A_31 : vector<128xf32> to vector<1x128xf32>
    %div3A = arith.constant 8.000000e+05 : f32
    %div3A_33 = vector.broadcast %div3A : f32 to vector<1x128xf32>
    %div3A_34 = arith.divf %broadcast_in_dim3A_32, %div3A_33 : vector<1x128xf32>
    %div3A_35 = arith.constant 8.000000e+05 : f32
    %div3A_36 = vector.broadcast %div3A_35 : f32 to vector<1x128xf32>
    %div3A_37 = arith.divf %broadcast_in_dim3A_29, %div3A_36 : vector<1x128xf32>
    %mul3A = arith.mulf %div3A_34, %div3A_34 : vector<1x128xf32>
    %sub3A = arith.subf %div3A_37, %mul3A : vector<1x128xf32>
    %get3A_38 = arith.constant 0 : index
    %get3A_39 = arith.constant 0 : index
    %get3A_40 = vector.load %arg6[%get3A_38, %get3A_39] : memref<1x128xf32, #tpu.memory_space<vmem>>, vector<1x128xf32>
    %add3A_41 = arith.constant 9.99999974E-6 : f32
    %add3A_42 = vector.broadcast %add3A_41 : f32 to vector<1x128xf32>
    %add3A_43 = arith.addf %sub3A, %add3A_42 : vector<1x128xf32>
    %rsqrt3A = math.rsqrt %add3A_43 : vector<1x128xf32>
    %mul3A_44 = arith.mulf %get3A_40, %rsqrt3A : vector<1x128xf32>
    %get3A_45 = arith.constant 0 : index
    %get3A_46 = arith.constant 0 : index
    %get3A_47 = vector.load %arg7[%get3A_45, %get3A_46] : memref<1x128xf32, #tpu.memory_space<vmem>>, vector<1x128xf32>
    %mul3A_48 = arith.mulf %div3A_34, %mul3A_44 : vector<1x128xf32>
    %sub3A_49 = arith.subf %get3A_47, %mul3A_48 : vector<1x128xf32>
    %get3A_50 = arith.constant 0 : index
    %get3A_51 = arith.constant 0 : index
    %get3A_52 = vector.load %arg4[%get3A_50, %get3A_51] : memref<128x128xf32, #tpu.memory_space<vmem>>, vector<128x128xf32>
    %dot_general3A_53 = arith.constant dense<0.000000e+00> : vector<1x128xf32>
    %dot_general3A_54 = tpu.matmul %sub3A_49, %get3A_52, %dot_general3A_53 {dimension_numbers = #tpu.dot_dimension_numbers<[1], [0], [0], [1], [0, 0, 1, 1], [], []>, precision = #tpu.contract_precision<fp32>, transpose_lhs_hint = false} : vector<1x128xf32>, vector<128x128xf32>, vector<1x128xf32> -> vector<1x128xf32>
    %get3A_55 = arith.constant 0 : index
    %get3A_56 = arith.constant 0 : index
    %get3A_57 = vector.load %arg5[%get3A_55, %get3A_56] : memref<1x128xf32, #tpu.memory_space<vmem>>, vector<1x128xf32>
    %add3A_58 = arith.addf %dot_general3A_54, %get3A_57 : vector<1x128xf32>
    %mul3A_59 = vector.broadcast %mul3A_44 : vector<1x128xf32> to vector<512x128xf32>
    %mul3A_60 = arith.mulf %add3A, %mul3A_59 : vector<512x128xf32>
    %get3A_61 = arith.constant 0 : index
    %get3A_62 = arith.constant 0 : index
    %get3A_63 = vector.load %arg4[%get3A_61, %get3A_62] : memref<128x128xf32, #tpu.memory_space<vmem>>, vector<128x128xf32>
    %dot_general3A_64 = arith.constant dense<0.000000e+00> : vector<512x128xf32>
    %dot_general3A_65 = tpu.matmul %mul3A_60, %get3A_63, %dot_general3A_64 {dimension_numbers = #tpu.dot_dimension_numbers<[1], [0], [0], [1], [0, 0, 1, 1], [], []>, precision = #tpu.contract_precision<fp32>, transpose_lhs_hint = false} : vector<512x128xf32>, vector<128x128xf32>, vector<512x128xf32> -> vector<512x128xf32>
    %mul3A_66 = vector.broadcast %dot_general3A_13 : vector<512x1xf32> to vector<512x128xf32>
    %mul3A_67 = vector.broadcast %add3A_58 : vector<1x128xf32> to vector<512x128xf32>
    %mul3A_68 = arith.mulf %mul3A_66, %mul3A_67 : vector<512x128xf32>
    %add3A_69 = arith.addf %dot_general3A_65, %mul3A_68 : vector<512x128xf32>
    %get3A_70 = arith.constant 64 : index
    %get3A_71 = arith.constant 0 : index
    %get3A_72 = vector.load %arg8[%get3A_70, %get3A_71] : memref<192x128xf32, #tpu.memory_space<vmem>>, vector<128x128xf32>
    %dot_general3A_73 = arith.constant dense<0.000000e+00> : vector<512x128xf32>
    %dot_general3A_74 = tpu.matmul %add3A_69, %get3A_72, %dot_general3A_73 {dimension_numbers = #tpu.dot_dimension_numbers<[1], [0], [0], [1], [0, 0, 1, 1], [], []>, precision = #tpu.contract_precision<fp32>, transpose_lhs_hint = false} : vector<512x128xf32>, vector<128x128xf32>, vector<512x128xf32> -> vector<512x128xf32>
    %add3A_75 = arith.addf %add3A_24, %dot_general3A_74 : vector<512x128xf32>
    %get3A_76 = arith.constant 0 : index
    %get3A_77 = arith.constant 0 : index
    %get3A_78 = vector.load %arg9[%get3A_76, %get3A_77] : memref<1x128xf32, #tpu.memory_space<vmem>>, vector<1x128xf32>
    %add3A_79 = vector.broadcast %get3A_78 : vector<1x128xf32> to vector<512x128xf32>
    %add3A_80 = arith.addf %add3A_75, %add3A_79 : vector<512x128xf32>
    %mul3A_81 = arith.constant 0.00999999977 : f32
    %mul3A_82 = vector.broadcast %mul3A_81 : f32 to vector<512x128xf32>
    %mul3A_83 = arith.mulf %mul3A_82, %add3A_80 : vector<512x128xf32>
    %max3A = arith.maximumf %add3A_80, %mul3A_83 : vector<512x128xf32>
    %get3A_84 = arith.constant 0 : index
    %get3A_85 = arith.constant 0 : index
    %get3A_86 = vector.load %arg10[%get3A_84, %get3A_85] : memref<1x128xf32, #tpu.memory_space<vmem>>, vector<1x128xf32>
    %get3A_87 = arith.constant 0 : index
    %get3A_88 = arith.constant 0 : index
    %get3A_89 = vector.load %arg11[%get3A_87, %get3A_88] : memref<1x128xf32, #tpu.memory_space<vmem>>, vector<1x128xf32>
    %reduce_sum3A_90 = arith.constant dense<0.000000e+00> : vector<128xf32>
    %reduce_sum3A_91 = vector.multi_reduction <add>, %max3A, %reduce_sum3A_90 [0] : vector<512x128xf32> to vector<128xf32>
    %broadcast_in_dim3A_92 = vector.shape_cast %reduce_sum3A_91 : vector<128xf32> to vector<1x128xf32>
    %div3A_93 = arith.constant 5.120000e+02 : f32
    %div3A_94 = vector.broadcast %div3A_93 : f32 to vector<1x128xf32>
    %div3A_95 = arith.divf %broadcast_in_dim3A_92, %div3A_94 : vector<1x128xf32>
    %mul3A_96 = arith.mulf %max3A, %max3A : vector<512x128xf32>
    %reduce_sum3A_97 = arith.constant dense<0.000000e+00> : vector<128xf32>
    %reduce_sum3A_98 = vector.multi_reduction <add>, %mul3A_96, %reduce_sum3A_97 [0] : vector<512x128xf32> to vector<128xf32>
    %broadcast_in_dim3A_99 = vector.shape_cast %reduce_sum3A_98 : vector<128xf32> to vector<1x128xf32>
    %div3A_100 = arith.constant 5.120000e+02 : f32
    %div3A_101 = vector.broadcast %div3A_100 : f32 to vector<1x128xf32>
    %div3A_102 = arith.divf %broadcast_in_dim3A_99, %div3A_101 : vector<1x128xf32>
    %mul3A_103 = arith.mulf %div3A_95, %div3A_95 : vector<1x128xf32>
    %sub3A_104 = arith.subf %div3A_102, %mul3A_103 : vector<1x128xf32>
    %sub3A_105 = vector.broadcast %div3A_95 : vector<1x128xf32> to vector<512x128xf32>
    %sub3A_106 = arith.subf %max3A, %sub3A_105 : vector<512x128xf32>
    %mul3A_107 = vector.broadcast %get3A_86 : vector<1x128xf32> to vector<512x128xf32>
    %mul3A_108 = arith.mulf %mul3A_107, %sub3A_106 : vector<512x128xf32>
    %add3A_109 = arith.constant 9.99999974E-6 : f32
    %add3A_110 = vector.broadcast %add3A_109 : f32 to vector<1x128xf32>
    %add3A_111 = arith.addf %sub3A_104, %add3A_110 : vector<1x128xf32>
    %rsqrt3A_112 = math.rsqrt %add3A_111 : vector<1x128xf32>
    %mul3A_113 = vector.broadcast %rsqrt3A_112 : vector<1x128xf32> to vector<512x128xf32>
    %mul3A_114 = arith.mulf %mul3A_108, %mul3A_113 : vector<512x128xf32>
    %add3A_115 = vector.broadcast %get3A_89 : vector<1x128xf32> to vector<512x128xf32>
    %add3A_116 = arith.addf %mul3A_114, %add3A_115 : vector<512x128xf32>
    %get3A_117 = arith.constant 0 : index
    %get3A_118 = arith.constant 0 : index
    %get3A_119 = vector.load %arg12[%get3A_117, %get3A_118] : memref<128x128xf32, #tpu.memory_space<vmem>>, vector<128x128xf32>
    %dot_general3A_120 = arith.constant dense<0.000000e+00> : vector<512x128xf32>
    %dot_general3A_121 = tpu.matmul %add3A_116, %get3A_119, %dot_general3A_120 {dimension_numbers = #tpu.dot_dimension_numbers<[1], [0], [0], [1], [0, 0, 1, 1], [], []>, precision = #tpu.contract_precision<fp32>, transpose_lhs_hint = false} : vector<512x128xf32>, vector<128x128xf32>, vector<512x128xf32> -> vector<512x128xf32>
    %get3A_122 = arith.constant 0 : index
    %get3A_123 = arith.constant 0 : index
    %get3A_124 = vector.load %arg13[%get3A_122, %get3A_123] : memref<1x128xf32, #tpu.memory_space<vmem>>, vector<1x128xf32>
    %add3A_125 = vector.broadcast %get3A_124 : vector<1x128xf32> to vector<512x128xf32>
    %add3A_126 = arith.addf %dot_general3A_121, %add3A_125 : vector<512x128xf32>
    %mul3A_127 = arith.constant 0.00999999977 : f32
    %mul3A_128 = vector.broadcast %mul3A_127 : f32 to vector<512x128xf32>
    %mul3A_129 = arith.mulf %mul3A_128, %add3A_126 : vector<512x128xf32>
    %max3A_130 = arith.maximumf %add3A_126, %mul3A_129 : vector<512x128xf32>
    %get3A_131 = arith.constant 0 : index
    %get3A_132 = arith.constant 0 : index
    %get3A_133 = vector.load %arg14[%get3A_131, %get3A_132] : memref<1x128xf32, #tpu.memory_space<vmem>>, vector<1x128xf32>
    %get3A_134 = arith.constant 0 : index
    %get3A_135 = arith.constant 0 : index
    %get3A_136 = vector.load %arg15[%get3A_134, %get3A_135] : memref<1x128xf32, #tpu.memory_space<vmem>>, vector<1x128xf32>
    %reduce_sum3A_137 = arith.constant dense<0.000000e+00> : vector<128xf32>
    %reduce_sum3A_138 = vector.multi_reduction <add>, %max3A_130, %reduce_sum3A_137 [0] : vector<512x128xf32> to vector<128xf32>
    %broadcast_in_dim3A_139 = vector.shape_cast %reduce_sum3A_138 : vector<128xf32> to vector<1x128xf32>
    %div3A_140 = arith.constant 5.120000e+02 : f32
    %div3A_141 = vector.broadcast %div3A_140 : f32 to vector<1x128xf32>
    %div3A_142 = arith.divf %broadcast_in_dim3A_139, %div3A_141 : vector<1x128xf32>
    %mul3A_143 = arith.mulf %max3A_130, %max3A_130 : vector<512x128xf32>
    %reduce_sum3A_144 = arith.constant dense<0.000000e+00> : vector<128xf32>
    %reduce_sum3A_145 = vector.multi_reduction <add>, %mul3A_143, %reduce_sum3A_144 [0] : vector<512x128xf32> to vector<128xf32>
    %broadcast_in_dim3A_146 = vector.shape_cast %reduce_sum3A_145 : vector<128xf32> to vector<1x128xf32>
    %div3A_147 = arith.constant 5.120000e+02 : f32
    %div3A_148 = vector.broadcast %div3A_147 : f32 to vector<1x128xf32>
    %div3A_149 = arith.divf %broadcast_in_dim3A_146, %div3A_148 : vector<1x128xf32>
    %mul3A_150 = arith.mulf %div3A_142, %div3A_142 : vector<1x128xf32>
    %sub3A_151 = arith.subf %div3A_149, %mul3A_150 : vector<1x128xf32>
    %sub3A_152 = vector.broadcast %div3A_142 : vector<1x128xf32> to vector<512x128xf32>
    %sub3A_153 = arith.subf %max3A_130, %sub3A_152 : vector<512x128xf32>
    %mul3A_154 = vector.broadcast %get3A_133 : vector<1x128xf32> to vector<512x128xf32>
    %mul3A_155 = arith.mulf %mul3A_154, %sub3A_153 : vector<512x128xf32>
    %add3A_156 = arith.constant 9.99999974E-6 : f32
    %add3A_157 = vector.broadcast %add3A_156 : f32 to vector<1x128xf32>
    %add3A_158 = arith.addf %sub3A_151, %add3A_157 : vector<1x128xf32>
    %rsqrt3A_159 = math.rsqrt %add3A_158 : vector<1x128xf32>
    %mul3A_160 = vector.broadcast %rsqrt3A_159 : vector<1x128xf32> to vector<512x128xf32>
    %mul3A_161 = arith.mulf %mul3A_155, %mul3A_160 : vector<512x128xf32>
    %add3A_162 = vector.broadcast %get3A_136 : vector<1x128xf32> to vector<512x128xf32>
    %add3A_163 = arith.addf %mul3A_161, %add3A_162 : vector<512x128xf32>
    %get3A_164 = arith.constant 0 : index
    %get3A_165 = arith.constant 0 : index
    %get3A_166 = vector.load %arg16[%get3A_164, %get3A_165] : memref<128x128xf32, #tpu.memory_space<vmem>>, vector<128x128xf32>
    %dot_general3A_167 = arith.constant dense<0.000000e+00> : vector<512x128xf32>
    %dot_general3A_168 = tpu.matmul %add3A_163, %get3A_166, %dot_general3A_167 {dimension_numbers = #tpu.dot_dimension_numbers<[1], [0], [0], [1], [0, 0, 1, 1], [], []>, precision = #tpu.contract_precision<fp32>, transpose_lhs_hint = false} : vector<512x128xf32>, vector<128x128xf32>, vector<512x128xf32> -> vector<512x128xf32>
    %get3A_169 = arith.constant 0 : index
    %get3A_170 = arith.constant 0 : index
    %get3A_171 = vector.load %arg17[%get3A_169, %get3A_170] : memref<1x128xf32, #tpu.memory_space<vmem>>, vector<1x128xf32>
    %add3A_172 = vector.broadcast %get3A_171 : vector<1x128xf32> to vector<512x128xf32>
    %add3A_173 = arith.addf %dot_general3A_168, %add3A_172 : vector<512x128xf32>
    %swap3A = arith.constant 0 : index
    %swap3A_174 = arith.constant 0 : index
    %swap3A_175 = vector.load %arg18[%swap3A, %swap3A_174] : memref<512x128xf32, #tpu.memory_space<vmem>>, vector<512x128xf32>
    tpu.vector_store %arg18[%swap3A, %swap3A_174], %add3A_173 {strides = array<i32>} : memref<512x128xf32, #tpu.memory_space<vmem>>, vector<512x128xf32>,
    return
  }
}

</mosaic_0001>

<sc_bundles>
// kernel: kernel.6.cloned.1.call-start
scs
__scs_entry_jumppad:
0x0: {  	(pc) =	sbr.rel $0x88, $3  }
0x1: {  	(tag) =	ssettag $0x0;
	lr =	simm.s32 $0x1  }
0x2: {  	[smem:$0x3F8D] =	sst lr;
	_ =	strace $0xD0000000  }
0x3: {  	_ = 	snop  }
0x4: {  	_ = 	snop  }
0x5: {  	_ = 	snop  }
0x6: {  	_ = 	snop  }
0x7: {  	_ = 	snop  }
__scs_overlays_trampoline_lowered:
0x8: {  	[smem:$0x3F9C] =	sst s0  }
0x9: {  	[smem:$0x3F9D] =	sst s1  }
0xa: {  	[smem:$0x3F9E] =	sst s2  }
0xb: {  	[smem:$0x3F9F] =	sst s3  }
0xc: {  	[smem:$0x3FA0] =	sst s4  }
0xd: {  	[smem:$0x3FA1] =	sst s5  }
0xe: {  	[smem:$0x3FA2] =	sst s6  }
0xf: {  	[smem:$0x3FA3] =	sst s7  }
0x10: {  	[smem:$0x3FA4] =	sst s8  }
0x11: {  	[smem:$0x3FA5] =	sst s9;
	s0 =	simm.s32 @!p0 $0x0  }
0x12: {  	s1 =	sld [smem:$0x3F8B];
	s0 =	simm.s32 @p0 $0x1  }
0x13: {  	[smem:$0x3FA6] =	sst s0;
	s0 =	simm.s32 @!p1 $0x0  }
0x14: {  	s2 =	sld [smem:$0x3F8A];
	s0 =	simm.s32 @p1 $0x1  }
0x15: {  	[smem:$0x3FA7] =	sst s0;
	s0 =	simm.s32 @!p2 $0x0  }
0x16: {  	s3 =	sld [smem:$0x3FDB];
	s0 =	simm.s32 @p2 $0x1  }
0x17: {  	s4 =	simm.s32 $0x1BF5;
	[smem:$0x3FA9] =	sst s0  }
0x18: {  	s0 =	sld [smem:$0x3F8C];
	_ =	swait.ge [sflag:s4], $0x0  }
0x19: {  	s7 =	sld [smem:$0x3F8D]  }
0x1a: {  	s8 =	sadd.s32 $0xFFFFE003, lr  }
0x1b: {  	s9 =	sadd.s32 $0xFFFFFEF7, lr;
	s5 =	simm.s32 $0xFFFFFFFF;
	p2 =	slt.u32 s8, $0xFFFFF086  }
0x1c: {  	p1 =	slt.u32 s9, $0xF7A;
	s5 =	simm.s32 @!p2 $0x0  }
0x1d: {  	s5 =	simm.s32 @p1 $0x1;
	p0 =	seq.s32 s7, s2  }
0x1e: {  	s7 =	smul.u32 @!p0 $0xF7A, s2;
	p2 =	seq.s32 @!p0 s5, $0x0  }
0x1f: {  	s9 =	smul.u32 $0xF7A, s1;
	s8 =	simm.s32 @!p0 $0x1BF5;
	p2 =	por !p2, p0  }
0x20: {  	[sflag:s8] =	ssyncset.s32 @!p0 $0xFFFFF086;
	s6 =	sadd.s32 @!p0 s3, s7;
	s7 =	simm.s32 @!p0 $0x108  }
0x21: {  	s3 =	sadd.s32 s3, s9;
	s6 =	sadd.s32 @!p0 $0x88, s6;
	s7 =	simm.s32 @p2 $0x1082  }
0x22: {  	[simem:s7], [sflag:s8] =	dma.local @!p0 [hbm:s6], $0xF7A  }
0x23: {  	s9 =	sor.u32 $0xD0000000, s2;
	s6 =	simm.s32 $0x108;
	_ =	swait.ge @!p0 [sflag:s8], $0x0  }
0x24: {  	s3 =	sadd.s32 $0x88, s3;
	s6 =	simm.s32 @!p1 $0x1082;
	[sflag:s4] =	ssyncset.s32 $0xFFFFF086  }
0x25: {  	[simem:s6], [sflag:s4] =	dma.local [hbm:s3], $0xF7A  }
0x26: {  	[smem:$0x3F8D] =	sst s1;
	(tag) =	ssettag s2;
	_ =	strace s9  }
0x27: {  	s1 =	sld [smem:$0x3F9D]  }
0x28: {  	s2 =	sld [smem:$0x3F9E]  }
0x29: {  	s4 =	sld [smem:$0x3FA0]  }
0x2a: {  	p0 =	seq.s32 s5, $0x0;
	s5 =	sld [smem:$0x3FA1]  }
0x2b: {  	s6 =	sld [smem:$0x3FA2]  }
0x2c: {  	s7 =	sld [smem:$0x3FA3]  }
0x2d: {  	s3 =	simm.s32 $0x108;
	s8 =	sld [smem:$0x3FA4]  }
0x2e: {  	s3 =	simm.s32 @!p0 $0x1082;
	s9 =	sld [smem:$0x3FA5]  }
0x2f: {  	lr =	sadd.s32 s0, s3;
	s0 =	sld [smem:$0x3F9C]  }
0x30: {  	s3 =	sld [smem:$0x3F9F]  }
0x31: {  	[smem:$0x3FA8] =	sst s10  }
0x32: {  	s10 =	sld [smem:$0x3FA6];
	_ =	sdelay $0x3  }
0x33: {  	p0 =	seq.s32 s10, $0x1;
	s10 =	sld [smem:$0x3FA8];
	_ =	sdelay $0x3  }
0x34: {  	[smem:$0x3FA8] =	sst s10  }
0x35: {  	s10 =	sld [smem:$0x3FA7];
	_ =	sdelay $0x3  }
0x36: {  	p1 =	seq.s32 s10, $0x1;
	s10 =	sld [smem:$0x3FA8];
	_ =	sdelay $0x3  }
0x37: {  	[smem:$0x3FA8] =	sst s10  }
0x38: {  	s10 =	sld [smem:$0x3FA9]  }
0x39: {  	_ = 	snop;
	(pc) =	sbr.ind lr, $3  }
0x3a: {  	_ = 	snop  }
0x3b: {  	_ = 	snop  }
0x3c: {  	p2 =	seq.s32 s10, $0x1;
	s10 =	sld [smem:$0x3FA8]  }
0x3d: {  	_ =	shalt  }
0x3e: {  	_ =	shalt  }
0x3f: {  	_ =	shalt  }
0x40: {  	_ =	shalt  }
0x41: {  	_ =	shalt  }
0x42: {  	_ =	shalt  }
0x43: {  	_ =	shalt  }
0x44: {  	_ =	shalt  }
0x45: {  	_ =	shalt  }
0x46: {  	_ =	shalt  }
0x47: {  	_ =	shalt  }
0x48: {  	_ =	shalt  }
0x49: {  	_ =	shalt  }
0x4a: {  	_ =	shalt  }
0x4b: {  	_ =	shalt  }
0x4c: {  	_ =	shalt  }
0x4d: {  	_ =	shalt  }
0x4e: {  	_ =	shalt  }
0x4f: {  	_ =	shalt  }
0x50: {  	_ =	shalt  }
0x51: {  	_ =	shalt  }
0x52: {  	_ =	shalt  }
0x53: {  	_ =	shalt  }
0x54: {  	_ =	shalt  }
0x55: {  	_ =	shalt  }
0x56: {  	_ =	shalt  }
0x57: {  	_ =	shalt  }
0x58: {  	_ =	shalt  }
0x59: {  	_ =	shalt  }
0x5a: {  	_ =	shalt  }
0x5b: {  	_ =	shalt  }
0x5c: {  	_ =	shalt  }
0x5d: {  	_ =	shalt  }
0x5e: {  	_ =	shalt  }
0x5f: {  	_ =	shalt  }
0x60: {  	_ =	shalt  }
0x61: {  	_ =	shalt  }
0x62: {  	_ =	shalt  }
0x63: {  	_ =	shalt  }
0x64: {  	_ =	shalt  }
0x65: {  	_ =	shalt  }
0x66: {  	_ =	shalt  }
0x67: {  	_ =	shalt  }
0x68: {  	_ =	shalt  }
0x69: {  	_ =	shalt  }
0x6a: {  	_ =	shalt  }
0x6b: {  	_ =	shalt  }
0x6c: {  	_ =	shalt  }
0x6d: {  	_ =	shalt  }
0x6e: {  	_ =	shalt  }
0x6f: {  	_ =	shalt  }
0x70: {  	_ =	shalt  }
0x71: {  	_ =	shalt  }
0x72: {  	_ =	shalt  }
0x73: {  	_ =	shalt  }
0x74: {  	_ =	shalt  }
0x75: {  	_ =	shalt  }
0x76: {  	_ =	shalt  }
0x77: {  	_ =	shalt  }
0x78: {  	_ =	shalt  }
0x79: {  	_ =	shalt  }
0x7a: {  	_ =	shalt  }
0x7b: {  	_ =	shalt  }
0x7c: {  	_ =	shalt  }
0x7d: {  	_ =	shalt  }
0x7e: {  	_ =	shalt  }
0x7f: {  	_ =	shalt  }
0x80: {  	_ =	shalt  }
0x81: {  	_ =	shalt  }
0x82: {  	_ =	shalt  }
0x83: {  	_ =	shalt  }
0x84: {  	_ =	shalt  }
0x85: {  	_ =	shalt  }
0x86: {  	_ =	shalt  }
0x87: {  	_ =	shalt  }
.Lfunc_end0:
.L_simem_size_0:
called_computation_lowered:
.L_overlay_start_0:
0x88: {  	s2 =	sld [smem:$0x3FD9]  }
0x89: {  	s3 =	sld [smem:$0x3FFE];
	_ =	sdelay $0x1  }
0x8a: {  	s1 =	srdreg.scid  }
0x8b: {  	s0 =	sand.u32 $0x1, s1  }
0x8c: {  	s17 =	sshll.u32 s0, $0xA;
	s2 =	sadd.s32 s3, s2  }
0x8d: {  	s2 =	sadd.s32 s2, s17  }
0x8e: {  	[smem:$0x3FB4] =	sst s2  }
0x8f: {  	_ = 	snop  }
0x90: {  	s2 =	sld [smem:$0x3FC8]  }
0x91: {  	s18 =	sld [smem:$0x3FC6]  }
0x92: {  	s4 =	sld [smem:$0x3FD0];
	(tm) =	ssettm $0x1  }
0x93: {  	s5 =	sld [smem:$0x3FFB];
	_ =	sdelay $0x3  }
0x94: {  	_ =	strace s5  }
0x95: {  	s5 =	sld [smem:$0x3FFC];
	_ =	sdelay $0x3  }
0x96: {  	_ =	strace s5  }
0x97: {  	s5 =	sld [smem:$0x3FFD];
	_ =	sdelay $0x3  }
0x98: {  	_ =	strace s5  }
0x99: {  	_ =	strace $0x8FFFFFFF  }
0x9a: {  	s19 =	sld [smem:$0x3FDB];
	_ =	sdelay $0x1  }
0x9b: {  	s6 =	simm.s32 $_scs_section_size  }
0x9c: {  	s7 =	simm.s32 $_size__tile_overlayer_lowered;
	s8 =	simm.s32 $_tile_overlayer_lowered  }
0x9d: {  	s22 =	simm.s32 $0x1BFF;
	s21 =	sshll.u32 s8, $0x1;
	s5 =	sadd.s32 s6, s19  }
0x9e: {  	s9 =	simm.s32 $0x0;
	s20 =	sshll.u32 s7, $0x1;
	s7 =	sadd.s32 s21, s5  }
0x9f: {  	[timem:s9], [sflag:s22] =	dma.local [hbm:s7], s20  }
0xa0: {  	_ =	swait.ge [sflag:s22], s20  }
0xa1: {  	s6 =	ssub.s32 $0x0, s20;
	[sflag:s22] =	ssyncset.done $0x0  }
0xa2: {  	[sflag:s22] =	ssyncadd.s32 s6;
	_ =	sdelay $0x1  }
0xa3: {  	s23 =	simm.s32 $0x1B8B  }
0xa4: {  	_ =	swait.ge [sflag:s23], $0x1  }
0xa5: {  	[sflag:s23] =	ssyncset.done $0x0  }
0xa6: {  	s25 =	simm.s32 $0x1B8E;
	s24 =	sld [smem:$0x3FFE];
	[sflag:s23] =	ssyncadd.s32 $0xFFFFFFFF  }
0xa7: {  	s26 =	simm.s32 $execute0_lowered;
	[smem:$0x3FD2] =	sst s25  }
0xa8: {  	s7 =	sshll.u32 s26, $0x1;
	_ =	strace $0x80000046;
	[dreg:$0x1] =	wrdreg $0xFFFFFFFF  }
0xa9: {  	s28 =	simm.s32 $_size_execute0_lowered;
	s5 =	sadd.s32 s5, s7;
	[dreg:$0x0] =	wrdreg $0x0  }
0xaa: {  	s7 =	sshll.u32 s28, $0x1;
	[dreg:$0x2] =	wrdreg s5  }
0xab: {  	[dreg:$0x3] =	wrdreg s7  }
0xac: {  	[dreg:$0x4] =	wrdreg $0xC0  }
0xad: {  	_ =	task [dreg:s9], $0x5FFFF  }
0xae: {  	[dreg:$0x1] =	wrdreg $0xFFFFFFFF  }
0xaf: {  	[dreg:$0x0] =	wrdreg $0x60  }
0xb0: {  	[dreg:$0x2] =	wrdreg s24  }
0xb1: {  	[dreg:$0x3] =	wrdreg s2  }
0xb2: {  	[dreg:$0x4] =	wrdreg s18  }
0xb3: {  	[dreg:$0x5] =	wrdreg s4  }
0xb4: {  	[dreg:$0x6] =	wrdreg $0x1BE000  }
0xb5: {  	[dreg:$0x7] =	wrdreg $0x1CE000  }
0xb6: {  	[dreg:$0x8] =	wrdreg $0x9  }
0xb7: {  	_ =	task.clear_ibuf [dreg:s9], $0x9FFFF;
	_ =	strace $0x90000046  }
0xb8: {  	s29 =	simm.s32 $0x9;
	_ =	strace $0x80000048  }
0xb9: {  	_ =	swait.ge [sflag:s29], $0x1  }
0xba: {  	[sflag:s29] =	ssyncadd.s32 $0xFFFFFFFF  }
0xbb: {  	_ =	strace $0x90000048  }
0xbc: {  	_ =	sfence  }
0xbd: {  	s30 =	sld [smem:$0x0];
	_ =	sdelay $0x2  }
0xbe: {  	s31 =	sshll.u32 s1, $0xD;
	s1 =	sshrl.u32 s1, $0x2  }
0xbf: {  	s3 =	sand.u32 $0x4000, s31;
	s1 =	sadd.s32 s1, s30  }
0xc0: {  	s0 =	sor.u32 s3, s0;
	s1 =	sshll.u32 s1, $0x11  }
0xc1: {  	s0 =	sor.u32 s1, s0  }
0xc2: {  	s0 =	sadd.s32 $0x8F2B, s0  }
0xc3: {  	[sflag:s0] =	ssyncadd.remote.s32 $0x1  }
0xc4: {  	_ =	sfence.sel $0xFFFF  }
0xc5: {  	[dreg:$0x0] =	wrdreg $0xFFFFFFFF;
	(pc) =	sbr.abs _section_cstart, $3  }
0xc6: {  	[dreg:$0x1] =	wrdreg $0xFFFFFFFF  }
0xc7: {  	_ =	task.clear_ibuf [dreg:s9], $0x2FFFF;
	_ =	strace $0x9FFFFFFF  }
0xc8: {  	(tm) =	ssettm $0x7FFFFFFF  }
0xc9: {  	_ =	shalt  }
tec
execute0_lowered:
.L_overlay_start_1:
0x0: {  	(tag) =	ssettag $0x1  }
0x1: {  	s0 =	rddreg [dreg:$0x0]  }
0x2: {  	s19 =	rddreg [dreg:$0x1]  }
0x3: {  	s2 =	rddreg [dreg:$0x2]  }
0x4: {  	s1 =	rddreg [dreg:$0x3]  }
0x5: {  	s17 =	rddreg [dreg:$0x4]  }
0x6: {  	s4 =	rddreg [dreg:$0x5];
	s6 =	simm.s32 $0x0  }
0x7: {  	s3 =	srdreg.scid;
	s18 =	stileid.u32;
	s31 =	simm.s32 $0xC  }
0x8: {  	s28 =	simm.s32 $0x7;
	s29 =	simm.s32 $0x18380;
	s30 =	simm.s32 $0x300  }
0x9: {  	[smem:$0x7FF] =	sst s6;
	s7 =	sadd.s32 $0xCFC600, s0;
	s3 =	sand.u32 $0x1, s3  }
0xa: {  	s5 =	sshll.u32 s18, $0x1;
	s22 =	sadd.s32 $0xE83200, s0;
	s9 =	sadd.s32 $0xDBFC00, s0  }
0xb: {  	s8 =	sshll.u32 s18, $0xC;
	s10 =	sshrl.u32 s18, $0x2;
	s21 =	smul.u32 $0xA0, s18  }
0xc: {  	s25 =	smul.u32 $0x5000, s18;
	_ =	strace $0x80000047;
	s5 =	sor.u32 s3, s5  }
0xd: {  	s12 =	sshll.u32 s3, $0x10;
	s13 =	sshll.u32 s10, $0xA;
	s14 =	ssub.s32 $0x2, s3  }
0xe: {  	s26 =	sadd.s32 s8, s17;
	s10 =	sshll.u32 s10, $0xC;
	s23 =	smul.u32 $0x50, s3  }
0xf: {  	s17 =	smov.u32 s19;
	s11 =	sshll.u32 s5, $0x7;
	s12 =	sor.u32 s8, s12  }
0x10: {  	s15 =	sshrl.u32 s14, $0x1;
	s8 =	sadd.s32 s8, s4;
	p0 =	slt.u32 s5, $0x15  }
0x11: {  	s20 =	smul.u32 $0xC2, s5;
	[dreg:$0x7] =	wrdreg s26;
	s11 =	sand.u32 $0x380, s11  }
0x12: {  	s12 =	sshrl.u32 s12, $0x3;
	s14 =	ssub.s32 s14, s15;
	[dreg:$0x8] =	wrdreg s8  }
0x13: {  	s8 =	smul.u32 $0xC4, s5;
	s21 =	sadd.s32 s23, s21;
	s13 =	sor.u32 s13, s11  }
0x14: {  	s16 =	sadd.s32 s12, s0;
	s12 =	simm.s32 $0x62;
	s15 =	sadd.s32 $0x2A, s20  }
0x15: {  	s10 =	sor.u32 s10, s11;
	s20 =	smul.u32 $0x2800, s3;
	[dreg:$0xb] =	wrdreg s21  }
0x16: {  	s13 =	sshrl.u32 s13, $0x3;
	s12 =	simm.s32 @!p0 $0x61;
	s15 =	smov.u32 @p0 s8  }
0x17: {  	s24 =	sshrl.u32 s10, $0x3;
	s13 =	sadd.s32 s13, s0;
	s18 =	sshll.u32 s15, $0x5  }
0x18: {  	s1 =	sadd.s32 s1, s24;
	s23 =	sshll.u32 s15, $0xB;
	s24 =	sadd.s32 $0x10, s19  }
0x19: {  	s11 =	sshll.u32 s15, $0x7;
	s0 =	sadd.s32 $0xE83A00, s0;
	[dreg:$0x9] =	wrdreg s1  }
0x1a: {  	s8 =	sadd.s32 s19, s18;
	s1 =	sadd.s32 s20, s25;
	[dreg:$0xf] =	wrdreg s11  }
0x1b: {  	s25 =	sand.u32 $0x1FFFF000, s23;
	s21 =	smov.u32 s24;
	[dreg:$0x10] =	wrdreg s0  }
0x1c: {  	s10 =	sadd.s32 s18, s24;
	s20 =	smov.u32 s22;
	[dreg:$0xc] =	wrdreg s1  }
0x1d: {  	s15 =	sadd.s32 $0xB800, s13;
	s18 =	sadd.s32 $0x3800, s16;
	[dreg:$0xd] =	wrdreg s10  }
0x1e: {  	s19 =	sadd.s32 $0x7800, s16;
	s23 =	ssub.s32 $0x290, s5;
	[dreg:$0x11] =	wrdreg s15  }
0x1f: {  	s5 =	simm.s32 $0x18600;
	s11 =	simm.s32 $0x4;
	[dreg:$0x12] =	wrdreg s18  }
0x20: {  	s16 =	simm.s32 $0x8;
	s13 =	simm.s32 $0x0;
	[dreg:$0x13] =	wrdreg s19  }
0x21: {  	s1 =	sadd.s32 s22, s25;
	s22 =	smax.u32 s14, $0x1;
	[dreg:$0xa] =	wrdreg s8  }
0x22: {  	s0 =	sshrl.u32 s23, $0x5;
	s24 =	sadd.s32 $0x20, s8;
	[dreg:$0xe] =	wrdreg s1  }
0x23: {  	s25 =	sadd.s32 $0x30, s8;
	s18 =	simm.s32 $0x2;
	[dreg:$0x14] =	wrdreg s22  }
0x24: {  	s23 =	simm.s32 $0x200;
	s10 =	simm.s32 $0x280;
	[dreg:$0x15] =	wrdreg s0  }
0x25: {  	s15 =	simm.s32 $0x6;
	s19 =	simm.s32 $0x19600;
	[dreg:$0x16] =	wrdreg s24  }
0x26: {  	s14 =	simm.s32 $0x50;
	[dreg:$0x17] =	wrdreg s25;
	s0 =	simm.s32 $0x80  }
0x27: {  	v0 =	vimm.f32 $0.0e+00;
	v1 =	vimm.f32 $1.000000000e+00;
	s24 =	simm.s32 $0x3;
	s25 =	simm.s32 $0x5;
	s22 =	simm.s32 $0xB  }
.LBB2_1:
0x28: {  	[tilespmem:$0x18380] =	vst v0  }
0x29: {  	[tilespmem:$0x18390] =	vst v0  }
0x2a: {  	[tilespmem:$0x183A0] =	vst v0  }
0x2b: {  	[tilespmem:$0x183B0] =	vst v0  }
0x2c: {  	[tilespmem:$0x183C0] =	vst v0  }
0x2d: {  	[tilespmem:$0x183D0] =	vst v0  }
0x2e: {  	[tilespmem:$0x183E0] =	vst v0  }
0x2f: {  	[tilespmem:$0x183F0] =	vst v0  }
0x30: {  	[tilespmem:$0x18400] =	vst v0  }
0x31: {  	[tilespmem:$0x18410] =	vst v0  }
0x32: {  	[tilespmem:$0x18420] =	vst v0  }
0x33: {  	[tilespmem:$0x18430] =	vst v0  }
0x34: {  	[tilespmem:$0x18440] =	vst v0  }
0x35: {  	[tilespmem:$0x18450] =	vst v0  }
0x36: {  	[tilespmem:$0x18460] =	vst v0  }
0x37: {  	[tilespmem:$0x18470] =	vst v0  }
0x38: {  	[tilespmem:$0x18480] =	vst v0  }
0x39: {  	[tilespmem:$0x18490] =	vst v0  }
0x3a: {  	[tilespmem:$0x184A0] =	vst v0  }
0x3b: {  	[tilespmem:$0x184B0] =	vst v0  }
0x3c: {  	[tilespmem:$0x184C0] =	vst v0  }
0x3d: {  	[tilespmem:$0x184D0] =	vst v0  }
0x3e: {  	[tilespmem:$0x184E0] =	vst v0  }
0x3f: {  	[tilespmem:$0x184F0] =	vst v0  }
0x40: {  	[tilespmem:$0x18500] =	vst v0  }
0x41: {  	[tilespmem:$0x18510] =	vst v0  }
0x42: {  	[tilespmem:$0x18520] =	vst v0  }
0x43: {  	[tilespmem:$0x18530] =	vst v0  }
0x44: {  	[tilespmem:$0x18540] =	vst v0  }
0x45: {  	[tilespmem:$0x18550] =	vst v0  }
0x46: {  	[tilespmem:$0x18560] =	vst v0  }
0x47: {  	[dreg:$0x18] =	wrdreg s13;
	[tilespmem:$0x18570] =	vst v0;
	s1 =	simm.s32 $0x0;
	s3 =	simm.s32 $0x200  }
.LBB2_2:
0x48: {  	p0 =	sne.s32 s3, $0x3E00;
	[tilespmem:s1+$0x18670] =	vst v0  }
0x49: {  	[tilespmem:s1+$0x18600] =	vst v0  }
0x4a: {  	[tilespmem:s1+$0x18610] =	vst v0  }
.Ltmp0:
0x4b: {  	[tilespmem:s1+$0x18620] =	vst v0;
	(pc) =	sbr.rel @p0 .LBB2_2-.Ltmp0, $4  }
0x4c: {  	[tilespmem:s1+$0x18630] =	vst v0  }
0x4d: {  	[tilespmem:s1+$0x18640] =	vst v0  }
0x4e: {  	[tilespmem:s1+$0x18650] =	vst v0  }
0x4f: {  	[tilespmem:s1+$0x18660] =	vst v0;
	s1 =	sshra.s32 s3, $0x2;
	s3 =	sadd.s32 $0x200, s3  }
0x50: {  	[tilespmem:s1+$0x18670] =	vst v0  }
0x51: {  	[tilespmem:s1+$0x18600] =	vst v0  }
0x52: {  	[tilespmem:s1+$0x18610] =	vst v0  }
0x53: {  	[tilespmem:s1+$0x18620] =	vst v0  }
0x54: {  	[tilespmem:s1+$0x18630] =	vst v0  }
0x55: {  	[tilespmem:s1+$0x18640] =	vst v0  }
0x56: {  	[tilespmem:s1+$0x18650] =	vst v0  }
0x57: {  	[tilespmem:s1+$0x18660] =	vst v0  }
0x58: {  	[spmem:s26] =	stream.linear.scatter [tilespmem:s5], [sflag:$0xC], $0x1000, $0x38;
	[tilespmem:$0x1DE00] =	vst v63  }
0x59: {  	_ =	swait.ge [sflag:s31], $0x1000  }
0x5a: {  	[sflag:s31] =	ssyncset.done $0x0  }
0x5b: {  	s8 =	rddreg [dreg:$0x8];
	[sflag:s31] =	ssyncadd.s32 $0xFFFFF000  }
0x5c: {  	[spmem:s8] =	stream.linear.scatter [tilespmem:s5], [sflag:$0xC], $0x1000, $0x38;
	[tilespmem:$0x1DE00] =	vst v63  }
0x5d: {  	_ =	swait.ge [sflag:s31], $0x1000  }
0x5e: {  	[sflag:s31] =	ssyncset.done $0x0  }
0x5f: {  	[sflag:s31] =	ssyncadd.s32 $0xFFFFF000  }
0x60: {  	[bflag:$0x0] =	sbarrier.arrive $0xFFFF  }
0x61: {  	s26 =	simm.s32 $0x0;
	s13 =	rddreg [dreg:$0xa]  }
0x62: {  	[tilespmem:s26], [sflag:$0xC] =	stream.linear.gather [hbm4b:s13+s26], $0x80, $0x38;
	[tilespmem:$0x1DE00] =	vst v63  }
0x63: {  	_ =	swait.ge [sflag:s31], $0x80  }
0x64: {  	[sflag:s31] =	ssyncset.done $0x0  }
0x65: {  	s3 =	rddreg [dreg:$0xd];
	[sflag:s31] =	ssyncadd.s32 $0xFFFFFF80  }
0x66: {  	[tilespmem:s0], [sflag:$0xC] =	stream.linear.gather [hbm4b:s3+s26], $0x80, $0x38;
	[tilespmem:$0x1DE00] =	vst v63  }
0x67: {  	_ =	swait.ge [sflag:s31], $0x80  }
0x68: {  	[sflag:s31] =	ssyncset.done $0x0  }
0x69: {  	s3 =	simm.s32 $0x100;
	s5 =	rddreg [dreg:$0x16];
	[sflag:s31] =	ssyncadd.s32 $0xFFFFFF80  }
0x6a: {  	[tilespmem:s3], [sflag:$0x2] =	stream.linear.gather [hbm4b:s5+s26], $0x80, $0x38;
	[tilespmem:$0x1DE00] =	vst v63  }
0x6b: {  	s13 =	simm.s32 $0x180;
	s8 =	rddreg [dreg:$0x17]  }
0x6c: {  	[tilespmem:s13], [sflag:$0x2] =	stream.linear.gather [hbm4b:s8+s26], $0x80, $0x38;
	[tilespmem:$0x1DE00] =	vst v63  }
0x6d: {  	s5 =	rddreg [dreg:$0xe];
	s8 =	simm.s32 $0x380  }
0x6e: {  	v9 =	vimm.f32 $0.0e+00;
	v7 =	vimm.f32 $0.0e+00;
	[tilespmem:s8], [sflag:$0x3] =	stream.linear.gather [hbm4b:s5+s26], $0x4000, $0x38;
	[tilespmem:$0x1DE00] =	vst v63  }
0x6f: {  	v5 =	vimm.f32 $0.0e+00;
	v3 =	vimm.f32 $0.0e+00;
	v8 =	vimm.f32 $0.0e+00;
	s13 =	simm.s32 $0x8380  }
0x70: {  	v4 =	vimm.f32 $0.0e+00;
	v6 =	vimm.f32 $0.0e+00;
	v2 =	vimm.f32 $0.0e+00;
	[tilespmem:s13], [sflag:$0x5] =	stream.indirect.gather [hbm4b:s7+s0], $0x80, s26, s0, $0xb8;
	[tilespmem:$0x1DE00] =	vst v63  }
.LBB2_4:
0x71: {  	_ =	swait.ge [sflag:s18], $0x80  }
0x72: {  	s1 =	sshll.u32 s26, $0x8;
	[sflag:s18] =	ssyncset.done $0x0;
	s3 =	rddreg [dreg:$0xf]  }
0x73: {  	s5 =	sadd.s32 s3, s1;
	[sflag:s18] =	ssyncadd.s32 $0xFFFFFF80  }
0x74: {  	s13 =	simm.s32 $0x4380;
	_ =	swait.ge [sflag:s18], $0x80;
	s1 =	sshll.u32 s5, $0x4  }
0x75: {  	[sflag:s18] =	ssyncset.done $0x0;
	s1 =	sand.u32 $0x1FFFF000, s1;
	s8 =	rddreg [dreg:$0x10]  }
0x76: {  	p1 =	seq.s32 s26, $0x0;
	[sflag:s18] =	ssyncadd.s32 $0xFFFFFF80;
	s1 =	sadd.s32 s1, s8  }
0x77: {  	[tilespmem:s13], [sflag:$0x4] =	stream.linear.gather [hbm4b:s1+s6], $0x4000, $0x38;
	[tilespmem:$0x1DE00] =	vst v63  }
0x78: {  	s8 =	simm.s32 $0x100;
	s13 =	simm.s32 $0xC380;
	s1 =	simm.s32 @!p1 $0x9  }
0x79: {  	[tilespmem:s13], [sflag:$0x6] =	stream.indirect.gather [hbm4b:s7+s0], $0x80, s8, s0, $0xb8;
	[tilespmem:$0x1DE00] =	vst v63  }
0x7a: {  	_ =	swait.ge @!p1 [sflag:s1], $0x4000  }
0x7b: {  	[sflag:s1] =	ssyncset.done @!p1 $0x0  }
0x7c: {  	[sflag:s1] =	ssyncadd.s32 @!p1 $0xFFFFC000  }
0x7d: {  	[tilespmem:s23], [sflag:$0x7] =	stream.indirect.gather [hbm4b:s2+s0], $0x1, s0, s0, $0xb8;
	[tilespmem:$0x1DE00] =	vst v63  }
0x7e: {  	_ =	swait.ge [sflag:s24], $0x4000  }
0x7f: {  	[sflag:s24] =	ssyncset.done $0x0  }
0x80: {  	[sflag:s24] =	ssyncadd.s32 $0xFFFFC000  }
0x81: {  	_ =	swait.ge [sflag:s25], $0x4000  }
0x82: {  	[sflag:s25] =	ssyncset.done $0x0  }
0x83: {  	s26 =	sadd.s32 $0x1, s26;
	[sflag:s25] =	ssyncadd.s32 $0xFFFFC000  }
0x84: {  	p0 =	sge.u32 s26, s12;
	s13 =	sadd.s32 $0x100, s5;
	_ =	swait.ge [sflag:s28], $0x80  }
0x85: {  	s1 =	sshrl.u32 @!p0 s13, $0x2;
	[sflag:s28] =	ssyncset.done $0x0  }
0x86: {  	s8 =	simm.s32 @!p0 $0x0;
	s3 =	sadd.s32 @!p0 s17, s1;
	[sflag:s28] =	ssyncadd.s32 $0xFFFFFF80  }
0x87: {  	[tilespmem:s8], [sflag:$0x1] =	stream.linear.gather @!p0 [hbm4b:s3+s8], $0x80, $0x38;
	[tilespmem:$0x1DE00] =	vst v63  }
0x88: {  	s1 =	sadd.s32 @!p0 s1, s21;
	s3 =	simm.s32 @!p0 $0x80  }
0x89: {  	[tilespmem:s3], [sflag:$0x1] =	stream.linear.gather @!p0 [hbm4b:s1+s8], $0x80, $0x38;
	[tilespmem:$0x1DE00] =	vst v63  }
0x8a: {  	s1 =	simm.s32 $0x0  }
0x8b: {  	v10 =	vld [tilespmem:s1+$0x8440]  }
0x8c: {  	v14 =	vld [tilespmem:s1+$0x8430]  }
0x8d: {  	v15 =	vld [tilespmem:s1+$0x430]  }
0x8e: {  	v11 =	vld [tilespmem:s1+$0x3B0]  }
0x8f: {  	v16 =	vld [tilespmem:s1+$0x420]  }
0x90: {  	v13 =	vld [tilespmem:s1+$0x8410]  }
0x91: {  	v17 =	vld [tilespmem:s1+$0x83A0]  }
0x92: {  	v20 =	vld [tilespmem:s1+$0x83B0]  }
0x93: {  	v28 =	vld [tilespmem:s1+$0x8420]  }
0x94: {  	v18 =	vld [tilespmem:s1+$0x8400]  }
0x95: {  	v12 =	vld [tilespmem:s1+$0x8470]  }
0x96: {  	v23 =	vld [tilespmem:s1+$0x400]  }
0x97: {  	v19 =	vld [tilespmem:s1+$0x410]  }
0x98: {  	v29 =	vld [tilespmem:s1+$0x3A0]  }
0x99: {  	v21 =	vld [tilespmem:s1+$0x83F0]  }
0x9a: {  	v24 =	vld [tilespmem:s1+$0x83E0]  }
0x9b: {  	v25 =	vld [tilespmem:s1+$0x3E0]  }
0x9c: {  	v22 =	vld [tilespmem:s1+$0x3F0]  }
0x9d: {  	v26 =	vld [tilespmem:s1+$0x8390]  }
0x9e: {  	v27 =	vld [tilespmem:s1+$0x390]  }
0x9f: {  	v30 =	vld [tilespmem:s1+$0x8460]  }
0xa0: {  	v31 =	vld [tilespmem:s1+$0x460];
	v25 =	vadd.f32 v24, v25  }
0xa1: {  	v33 =	vld [tilespmem:s1+$0x8450];
	v21 =	vadd.f32 v21, v22  }
0xa2: {  	v34 =	vld [tilespmem:s1+$0x450];
	v35 =	vadd.f32 v13, v19;
	v62 =	vmul.f32 $9.999999770e-03, v25  }
0xa3: {  	v22 =	vld [tilespmem:s1+$0x8380];
	v32 =	vmul.f32 $9.999999770e-03, v21  }
0xa4: {  	v24 =	vld [tilespmem:s1+$0x380];
	v63 =	vmul.f32 $9.999999770e-03, v35;
	v13 =	vmax.f32 v25, v62;
	v25 =	vadd.f32 v26, v27  }
0xa5: {  	v19 =	vld [tilespmem:s1+$0x3C0];
	v21 =	vmax.f32 v21, v32;
	v26 =	vadd.f32 v18, v23;
	v18 =	vadd.f32 v30, v31  }
0xa6: {  	v27 =	vld [tilespmem:s1+$0x83D0];
	v23 =	vadd.f32 v17, v29;
	v30 =	vadd.f32 v20, v11;
	v11 =	vmax.f32 v35, v63  }
0xa7: {  	v29 =	vld [tilespmem:s1+$0x3D0];
	v20 =	vadd.f32 v28, v16;
	v17 =	vadd.f32 v14, v15;
	v36 =	vmul.f32 v21, v21;
	[tilespmem:s1+$0x103E0] =	vst v13  }
0xa8: {  	v28 =	vld [tilespmem:s1+$0x440];
	v16 =	vadd.f32 v33, v34;
	v13 =	vmul.f32 v13, v13;
	[tilespmem:s1+$0x10410] =	vst v11;
	v11 =	vmul.f32 v11, v11  }
0xa9: {  	s3 =	simm.s32 $0x400;
	[tilespmem:s1+$0x103F0] =	vst v21;
	v21 =	vld [tilespmem:s1+$0x83C0];
	v31 =	vmul.f32 $9.999999770e-03, v25;
	v32 =	vmul.f32 $9.999999770e-03, v30;
	v9 =	vadd.f32 v36, v9  }
.LBB2_5:
0xaa: {  	s8 =	sshra.s32 s3, $0x2;
	p2 =	sne.s32 s3, $0xFC00;
	s3 =	sadd.s32 $0x400, s3;
	v22 =	vadd.f32 v22, v24;
	v15 =	vmul.f32 $9.999999770e-03, v26;
	v24 =	vmul.f32 $9.999999770e-03, v18;
	v33 =	vld [tilespmem:s1+$0x470]  }
0xab: {  	v25 =	vmax.f32 v25, v31;
	v7 =	vadd.f32 v13, v7;
	v34 =	vld [tilespmem:s8+$0x8440];
	v30 =	vmax.f32 v30, v32  }
0xac: {  	v14 =	vld [tilespmem:s8+$0x8430];
	v13 =	vmul.f32 $9.999999770e-03, v22;
	[tilespmem:s1+$0x103B0] =	vst v30;
	v30 =	vmul.f32 v30, v30;
	v26 =	vmax.f32 v26, v15  }
0xad: {  	v31 =	vmul.f32 v25, v25;
	v15 =	vld [tilespmem:s8+$0x430];
	v27 =	vadd.f32 v27, v29;
	[tilespmem:s1+$0x10400] =	vst v26;
	v26 =	vmul.f32 v26, v26  }
0xae: {  	v29 =	vld [tilespmem:s8+$0x3B0];
	[tilespmem:s1+$0x10390] =	vst v25;
	v25 =	vmul.f32 $9.999999770e-03, v23;
	v8 =	vadd.f32 v30, v8;
	v28 =	vadd.f32 v10, v28  }
0xaf: {  	v19 =	vadd.f32 v21, v19;
	v32 =	vld [tilespmem:s8+$0x420];
	v21 =	vmul.f32 $9.999999770e-03, v27;
	v30 =	vadd.f32 v12, v33  }
0xb0: {  	v13 =	vmax.f32 v22, v13;
	v22 =	vmul.f32 $9.999999770e-03, v20;
	v33 =	vld [tilespmem:s8+$0x8410];
	v12 =	vmax.f32 v23, v25;
	v10 =	vmovc v34  }
0xb1: {  	v6 =	vadd.f32 v31, v6;
	v23 =	vld [tilespmem:s8+$0x83A0];
	[tilespmem:s1+$0x103A0] =	vst v12;
	v12 =	vmul.f32 v12, v12;
	v21 =	vmax.f32 v27, v21  }
0xb2: {  	v18 =	vmax.f32 v18, v24;
	v25 =	vmul.f32 $9.999999770e-03, v19;
	v20 =	vmax.f32 v20, v22;
	v27 =	vld [tilespmem:s8+$0x83B0];
	[tilespmem:s1+$0x103D0] =	vst v21  }
0xb3: {  	v22 =	vmul.f32 $9.999999770e-03, v28;
	v34 =	vld [tilespmem:s8+$0x8420];
	v4 =	vadd.f32 v12, v4;
	[tilespmem:s1+$0x10460] =	vst v18;
	v18 =	vmul.f32 v18, v18  }
0xb4: {  	v24 =	vmul.f32 $9.999999770e-03, v30;
	v19 =	vmax.f32 v19, v25;
	v21 =	vmul.f32 v21, v21;
	v31 =	vld [tilespmem:s8+$0x8400];
	[tilespmem:s1+$0x10380] =	vst v13  }
0xb5: {  	v25 =	vmul.f32 $9.999999770e-03, v17;
	v22 =	vmax.f32 v28, v22;
	v12 =	vld [tilespmem:s8+$0x8470];
	[tilespmem:s1+$0x103C0] =	vst v19;
	v19 =	vmul.f32 v19, v19  }
0xb6: {  	v5 =	vadd.f32 v21, v5;
	v21 =	vmul.f32 $9.999999770e-03, v16;
	v28 =	vld [tilespmem:s8+$0x400];
	[tilespmem:s1+$0x10420] =	vst v20;
	v20 =	vmul.f32 v20, v20  }
0xb7: {  	v13 =	vmul.f32 v13, v13;
	v35 =	vld [tilespmem:s8+$0x410];
	v3 =	vadd.f32 v19, v3;
	v19 =	vmul.f32 v22, v22  }
0xb8: {  	v17 =	vmax.f32 v17, v25;
	v36 =	vld [tilespmem:s8+$0x3A0];
	v4 =	vadd.f32 v20, v4;
	v20 =	vmax.f32 v30, v24  }
0xb9: {  	v25 =	vmul.f32 v17, v17;
	v7 =	vadd.f32 v18, v7;
	v16 =	vmax.f32 v16, v21;
	v24 =	vld [tilespmem:s8+$0x83F0];
	[tilespmem:s1+$0x10440] =	vst v22  }
0xba: {  	v6 =	vadd.f32 v11, v6;
	v3 =	vadd.f32 v19, v3;
	v11 =	vmul.f32 v20, v20;
	v18 =	vld [tilespmem:s8+$0x3F0];
	[tilespmem:s1+$0x10470] =	vst v20  }
0xbb: {  	v2 =	vadd.f32 v13, v2;
	v13 =	vmul.f32 v16, v16;
	v19 =	vld [tilespmem:s8+$0x83E0];
	[tilespmem:s1+$0x10430] =	vst v17  }
0xbc: {  	v8 =	vadd.f32 v25, v8;
	v9 =	vadd.f32 v11, v9;
	v17 =	vld [tilespmem:s8+$0x3E0];
	[tilespmem:s1+$0x10450] =	vst v16;
	s1 =	smov.u32 s8  }
0xbd: {  	v2 =	vadd.f32 v26, v2;
	v5 =	vadd.f32 v13, v5;
	v11 =	vld [tilespmem:s1+$0x8390]  }
0xbe: {  	v13 =	vld [tilespmem:s1+$0x390]  }
0xbf: {  	v16 =	vadd.f32 v24, v18;
	v37 =	vld [tilespmem:s1+$0x8450]  }
0xc0: {  	v18 =	vld [tilespmem:s1+$0x8460]  }
0xc1: {  	v17 =	vadd.f32 v19, v17;
	v19 =	vmul.f32 $9.999999770e-03, v16;
	v20 =	vld [tilespmem:s1+$0x460]  }
0xc2: {  	v22 =	vld [tilespmem:s1+$0x8380]  }
0xc3: {  	v33 =	vadd.f32 v33, v35;
	v21 =	vmul.f32 $9.999999770e-03, v17;
	v16 =	vmax.f32 v16, v19;
	v35 =	vld [tilespmem:s1+$0x450]  }
0xc4: {  	v25 =	vadd.f32 v11, v13;
	v24 =	vld [tilespmem:s1+$0x380];
	[tilespmem:s1+$0x103F0] =	vst v16;
	v11 =	vmul.f32 v16, v16  }
.Ltmp1:
0xc5: {  	v26 =	vadd.f32 v31, v28;
	v16 =	vmul.f32 $9.999999770e-03, v33;
	v19 =	vld [tilespmem:s1+$0x3C0];
	v13 =	vmax.f32 v17, v21;
	(pc) =	sbr.rel @p2 .LBB2_5-.Ltmp1, $4  }
0xc6: {  	v21 =	vld [tilespmem:s1+$0x83C0];
	[tilespmem:s1+$0x103E0] =	vst v13;
	v13 =	vmul.f32 v13, v13;
	v9 =	vadd.f32 v11, v9;
	v18 =	vadd.f32 v18, v20  }
0xc7: {  	v30 =	vadd.f32 v27, v29;
	v23 =	vadd.f32 v23, v36;
	v11 =	vmax.f32 v33, v16;
	v27 =	vld [tilespmem:s1+$0x83D0]  }
0xc8: {  	v31 =	vmul.f32 $9.999999770e-03, v25;
	v20 =	vadd.f32 v34, v32;
	v29 =	vld [tilespmem:s1+$0x3D0];
	[tilespmem:s1+$0x10410] =	vst v11;
	v11 =	vmul.f32 v11, v11  }
0xc9: {  	v17 =	vadd.f32 v14, v15;
	v32 =	vmul.f32 $9.999999770e-03, v30;
	v16 =	vadd.f32 v37, v35;
	v28 =	vld [tilespmem:s1+$0x440]  }
0xca: {  	v14 =	vmul.f32 $9.999999770e-03, v26  }
0xcb: {  	v15 =	vld [tilespmem:s1+$0x470];
	v22 =	vadd.f32 v22, v24;
	v24 =	vmax.f32 v25, v31  }
0xcc: {  	v30 =	vmax.f32 v30, v32;
	[tilespmem:s1+$0x10390] =	vst v24;
	v14 =	vmax.f32 v26, v14;
	v26 =	vmul.f32 $9.999999770e-03, v23  }
0xcd: {  	v19 =	vadd.f32 v21, v19;
	[tilespmem:s1+$0x103B0] =	vst v30;
	v27 =	vadd.f32 v27, v29;
	v29 =	vmul.f32 $9.999999770e-03, v18  }
0xce: {  	[tilespmem:s1+$0x10400] =	vst v14;
	v21 =	vmax.f32 v23, v26;
	v23 =	vmul.f32 $9.999999770e-03, v22  }
0xcf: {  	v10 =	vadd.f32 v10, v28;
	v26 =	vmul.f32 $9.999999770e-03, v19;
	[tilespmem:s1+$0x103A0] =	vst v21;
	v18 =	vmax.f32 v18, v29  }
0xd0: {  	v25 =	vmul.f32 $9.999999770e-03, v27;
	v12 =	vadd.f32 v12, v15;
	v15 =	vmax.f32 v22, v23;
	[tilespmem:s1+$0x10460] =	vst v18  }
0xd1: {  	v22 =	vmul.f32 $9.999999770e-03, v20;
	v19 =	vmax.f32 v19, v26;
	[tilespmem:s1+$0x10380] =	vst v15  }
0xd2: {  	v23 =	vmul.f32 $9.999999770e-03, v10;
	v25 =	vmax.f32 v27, v25;
	[tilespmem:s1+$0x103C0] =	vst v19  }
0xd3: {  	v26 =	vmul.f32 $9.999999770e-03, v17;
	[tilespmem:s1+$0x103D0] =	vst v25;
	v20 =	vmax.f32 v20, v22  }
0xd4: {  	v22 =	vmul.f32 $9.999999770e-03, v12;
	v23 =	vmax.f32 v10, v23;
	[tilespmem:s1+$0x10420] =	vst v20  }
0xd5: {  	v10 =	vmul.f32 $9.999999770e-03, v16;
	v17 =	vmax.f32 v17, v26;
	[tilespmem:s1+$0x10440] =	vst v23  }
0xd6: {  	[tilespmem:s1+$0x10430] =	vst v17;
	v22 =	vmax.f32 v12, v22  }
0xd7: {  	v16 =	vmax.f32 v16, v10;
	[tilespmem:s1+$0x10470] =	vst v22  }
0xd8: {  	[tilespmem:s1+$0x10450] =	vst v16  }
0xd9: {  	v10 =	vld [tilespmem:$0x200];
	_ =	sdelay $0x7  }
0xda: {  	[tilespmem:v10+s29+$0x0] =	vst.idx.add.f32.msk $0xffff, v1  }
0xdb: {  	v10 =	vld [tilespmem:$0x210];
	_ =	sdelay $0x7  }
0xdc: {  	[tilespmem:v10+s29+$0x0] =	vst.idx.add.f32.msk $0xffff, v1  }
0xdd: {  	v10 =	vld [tilespmem:$0x220];
	_ =	sdelay $0x7  }
0xde: {  	[tilespmem:v10+s29+$0x0] =	vst.idx.add.f32.msk $0xffff, v1  }
0xdf: {  	v10 =	vld [tilespmem:$0x230];
	_ =	sdelay $0x7  }
0xe0: {  	[tilespmem:v10+s29+$0x0] =	vst.idx.add.f32.msk $0xffff, v1  }
0xe1: {  	v10 =	vld [tilespmem:$0x240];
	_ =	sdelay $0x7  }
0xe2: {  	[tilespmem:v10+s29+$0x0] =	vst.idx.add.f32.msk $0xffff, v1  }
0xe3: {  	v10 =	vld [tilespmem:$0x250];
	_ =	sdelay $0x7  }
0xe4: {  	[tilespmem:v10+s29+$0x0] =	vst.idx.add.f32.msk $0xffff, v1  }
0xe5: {  	v10 =	vld [tilespmem:$0x260];
	_ =	sdelay $0x7  }
0xe6: {  	[tilespmem:v10+s29+$0x0] =	vst.idx.add.f32.msk $0xffff, v1  }
0xe7: {  	v10 =	vld [tilespmem:$0x270];
	_ =	sdelay $0x7  }
0xe8: {  	s8 =	rddreg [dreg:$0x4];
	s3 =	simm.s32 $0x10380;
	s1 =	simm.s32 @!p0 $0x1;
	[tilespmem:v10+s29+$0x0] =	vst.idx.add.f32.msk $0xffff, v1  }
0xe9: {  	[spmem:s8] =	stream.indirect.scatter.add.f32 [tilespmem:s3], [sflag:$0x9], $0x80, s23, s0, $0xb8;
	[tilespmem:$0x1DE00] =	vst v63  }
0xea: {  	_ =	swait.ge @!p0 [sflag:s1], $0x80  }
0xeb: {  	[sflag:s1] =	ssyncset.done @!p0 $0x0  }
0xec: {  	[sflag:s1] =	ssyncadd.s32 @!p0 $0xFFFFFF80  }
0xed: {  	_ =	swait.ge @!p0 [sflag:s1], $0x80  }
0xee: {  	[sflag:s1] =	ssyncset.done @!p0 $0x0  }
0xef: {  	[sflag:s1] =	ssyncadd.s32 @!p0 $0xFFFFFF80;
	s1 =	sshll.u32 @!p0 s13, $0x4  }
0xf0: {  	s3 =	simm.s32 @!p0 $0x0;
	s8 =	simm.s32 @!p0 $0x380;
	s1 =	sadd.s32 @!p0 s20, s1  }
0xf1: {  	[tilespmem:s8], [sflag:$0x3] =	stream.linear.gather @!p0 [hbm4b:s1+s3], $0x4000, $0x38;
	[tilespmem:$0x1DE00] =	vst v63  }
0xf2: {  	s1 =	simm.s32 @!p0 $0x80;
	s8 =	simm.s32 @!p0 $0x8380  }
0xf3: {  	[tilespmem:s8], [sflag:$0x5] =	stream.indirect.gather @!p0 [hbm4b:s7+s1], $0x80, s3, s1, $0xb8;
	[tilespmem:$0x1DE00] =	vst v63  }
0xf4: {  	s1 =	simm.s32 @!p1 $0xA  }
0xf5: {  	_ =	swait.ge @!p1 [sflag:s1], $0x4000  }
0xf6: {  	[sflag:s1] =	ssyncset.done @!p1 $0x0  }
0xf7: {  	s13 =	simm.s32 $0x180;
	[sflag:s1] =	ssyncadd.s32 @!p1 $0xFFFFC000  }
0xf8: {  	[tilespmem:s10], [sflag:$0x8] =	stream.indirect.gather [hbm4b:s2+s0], $0x1, s13, s0, $0xb8;
	[tilespmem:$0x1DE00] =	vst v63  }
0xf9: {  	_ =	swait.ge [sflag:s11], $0x4000  }
0xfa: {  	[sflag:s11] =	ssyncset.done $0x0  }
0xfb: {  	[sflag:s11] =	ssyncadd.s32 $0xFFFFC000  }
0xfc: {  	_ =	swait.ge [sflag:s15], $0x4000  }
0xfd: {  	[sflag:s15] =	ssyncset.done $0x0  }
0xfe: {  	s1 =	sshrl.u32 @!p0 s5, $0x2;
	[sflag:s15] =	ssyncadd.s32 $0xFFFFC000  }
0xff: {  	s1 =	sand.u32 @!p0 $0x1FFFFFFF, s1;
	_ =	swait.ge [sflag:s16], $0x80  }
0x100: {  	s1 =	sadd.s32 @!p0 s17, s1;
	[sflag:s16] =	ssyncset.done $0x0  }
0x101: {  	s8 =	simm.s32 @!p0 $0x100;
	s5 =	sadd.s32 @!p0 $0x60, s1;
	[sflag:s16] =	ssyncadd.s32 $0xFFFFFF80  }
0x102: {  	[tilespmem:s8], [sflag:$0x2] =	stream.linear.gather @!p0 [hbm4b:s5+s3], $0x80, $0x38;
	[tilespmem:$0x1DE00] =	vst v63  }
0x103: {  	s1 =	sadd.s32 @!p0 $0x70, s1;
	s5 =	simm.s32 @!p0 $0x180  }
0x104: {  	[tilespmem:s5], [sflag:$0x2] =	stream.linear.gather @!p0 [hbm4b:s1+s3], $0x80, $0x38;
	[tilespmem:$0x1DE00] =	vst v63  }
0x105: {  	s5 =	simm.s32 $0x0  }
0x106: {  	v10 =	vld [tilespmem:s5+$0xC440]  }
0x107: {  	v28 =	vld [tilespmem:s5+$0xC430]  }
0x108: {  	v33 =	vld [tilespmem:s5+$0x4430]  }
0x109: {  	v29 =	vld [tilespmem:s5+$0x43B0]  }
0x10a: {  	v61 =	vld [tilespmem:s5+$0x4420]  }
0x10b: {  	v26 =	vld [tilespmem:s5+$0xC410]  }
0x10c: {  	v31 =	vld [tilespmem:s5+$0xC3A0]  }
0x10d: {  	v34 =	vld [tilespmem:s5+$0xC3B0]  }
0x10e: {  	v35 =	vld [tilespmem:s5+$0xC420]  }
0x10f: {  	v27 =	vld [tilespmem:s5+$0xC400]  }
0x110: {  	v12 =	vld [tilespmem:s5+$0xC470]  }
0x111: {  	v36 =	vld [tilespmem:s5+$0x4400]  }
0x112: {  	v7 =	vadd.f32 v13, v7;
	v13 =	vmul.f32 v24, v24;
	v37 =	vld [tilespmem:s5+$0x4410]  }
0x113: {  	v30 =	vmul.f32 v30, v30;
	v38 =	vld [tilespmem:s5+$0x43A0]  }
0x114: {  	v6 =	vadd.f32 v13, v6;
	v39 =	vld [tilespmem:s5+$0xC3F0]  }
0x115: {  	v14 =	vmul.f32 v14, v14;
	v30 =	vadd.f32 v30, v8;
	v21 =	vmul.f32 v21, v21;
	v40 =	vld [tilespmem:s5+$0x43F0]  }
0x116: {  	v6 =	vadd.f32 v11, v6;
	v19 =	vmul.f32 v19, v19;
	v15 =	vmul.f32 v15, v15;
	v41 =	vld [tilespmem:s5+$0xC3E0]  }
0x117: {  	v4 =	vadd.f32 v21, v4;
	v8 =	vmul.f32 v25, v25;
	v13 =	vmul.f32 v20, v20;
	v24 =	vld [tilespmem:s5+$0x43E0]  }
0x118: {  	v3 =	vadd.f32 v19, v3;
	v17 =	vmul.f32 v17, v17;
	v2 =	vadd.f32 v15, v2;
	v25 =	vld [tilespmem:s5+$0xC390]  }
0x119: {  	v5 =	vadd.f32 v8, v5;
	v4 =	vadd.f32 v13, v4;
	v13 =	vmul.f32 v23, v23;
	v20 =	vld [tilespmem:s5+$0x4390]  }
0x11a: {  	v8 =	vmul.f32 v18, v18;
	v11 =	vadd.f32 v17, v30;
	v2 =	vadd.f32 v14, v2;
	v42 =	vld [tilespmem:s5+$0xC450]  }
0x11b: {  	v3 =	vadd.f32 v13, v3;
	v13 =	vmul.f32 v22, v22;
	v23 =	vld [tilespmem:s5+$0xC460];
	v18 =	vadd.f32 v39, v40  }
0x11c: {  	v8 =	vadd.f32 v8, v7;
	v62 =	vld [tilespmem:s5+$0x4460];
	v15 =	vadd.f32 v41, v24  }
0x11d: {  	v9 =	vadd.f32 v13, v9;
	v21 =	vld [tilespmem:s5+$0xC380];
	v14 =	vadd.f32 v26, v37;
	v7 =	vmul.f32 $9.999999770e-03, v18  }
0x11e: {  	v63 =	vld [tilespmem:s5+$0x4450];
	v25 =	vadd.f32 v25, v20;
	v30 =	vadd.f32 v34, v29;
	v13 =	vmul.f32 $9.999999770e-03, v15  }
0x11f: {  	v19 =	vld [tilespmem:s5+$0x43C0];
	v26 =	vadd.f32 v27, v36;
	v17 =	vmax.f32 v18, v7;
	v7 =	vmul.f32 v16, v16  }
0x120: {  	v24 =	vld [tilespmem:s5+$0x4380];
	v20 =	vadd.f32 v35, v61;
	v32 =	vmul.f32 $9.999999770e-03, v30;
	v13 =	vmax.f32 v15, v13  }
0x121: {  	v22 =	vld [tilespmem:s5+$0xC3C0];
	v15 =	vmul.f32 $9.999999770e-03, v14;
	v7 =	vadd.f32 v7, v5;
	v5 =	vmul.f32 v17, v17  }
0x122: {  	v27 =	vld [tilespmem:s5+$0xC3D0];
	v18 =	vadd.f32 v23, v62;
	v23 =	vadd.f32 v31, v38;
	v31 =	vmul.f32 $9.999999770e-03, v25;
	[tilespmem:s5+$0x143F0] =	vst v17  }
0x123: {  	v29 =	vld [tilespmem:s5+$0x43D0];
	v16 =	vadd.f32 v28, v33;
	[tilespmem:s5+$0x143E0] =	vst v13;
	v5 =	vadd.f32 v5, v9;
	v9 =	vmax.f32 v14, v15  }
0x124: {  	s1 =	simm.s32 $0x400;
	v28 =	vld [tilespmem:s5+$0x4440];
	v17 =	vmul.f32 v13, v13;
	v15 =	vadd.f32 v42, v63;
	[tilespmem:s5+$0x14410] =	vst v9;
	v9 =	vmul.f32 v9, v9  }
.LBB2_7:
0x125: {  	s3 =	sshra.s32 s1, $0x2;
	p0 =	sne.s32 s1, $0xFC00;
	s1 =	sadd.s32 $0x400, s1;
	v21 =	vadd.f32 v21, v24;
	v14 =	vmul.f32 $9.999999770e-03, v26;
	v24 =	vmul.f32 $9.999999770e-03, v18;
	v33 =	vld [tilespmem:s5+$0x4470]  }
0x126: {  	v25 =	vmax.f32 v25, v31;
	v8 =	vadd.f32 v17, v8;
	v34 =	vld [tilespmem:s3+$0xC440];
	v30 =	vmax.f32 v30, v32  }
0x127: {  	v13 =	vld [tilespmem:s3+$0xC430];
	v17 =	vmul.f32 $9.999999770e-03, v21;
	[tilespmem:s5+$0x143B0] =	vst v30;
	v30 =	vmul.f32 v30, v30;
	v26 =	vmax.f32 v26, v14  }
0x128: {  	v31 =	vmul.f32 v25, v25;
	v14 =	vld [tilespmem:s3+$0x4430];
	v27 =	vadd.f32 v27, v29;
	[tilespmem:s5+$0x14400] =	vst v26;
	v26 =	vmul.f32 v26, v26  }
0x129: {  	v29 =	vld [tilespmem:s3+$0x43B0];
	[tilespmem:s5+$0x14390] =	vst v25;
	v25 =	vmul.f32 $9.999999770e-03, v23;
	v11 =	vadd.f32 v30, v11;
	v28 =	vadd.f32 v10, v28  }
0x12a: {  	v19 =	vadd.f32 v22, v19;
	v32 =	vld [tilespmem:s3+$0x4420];
	v22 =	vmul.f32 $9.999999770e-03, v27;
	v30 =	vadd.f32 v12, v33  }
0x12b: {  	v17 =	vmax.f32 v21, v17;
	v21 =	vmul.f32 $9.999999770e-03, v20;
	v33 =	vld [tilespmem:s3+$0xC410];
	v12 =	vmax.f32 v23, v25;
	v10 =	vmovc v34  }
0x12c: {  	v6 =	vadd.f32 v31, v6;
	v23 =	vld [tilespmem:s3+$0xC3A0];
	[tilespmem:s5+$0x143A0] =	vst v12;
	v12 =	vmul.f32 v12, v12;
	v22 =	vmax.f32 v27, v22  }
0x12d: {  	v18 =	vmax.f32 v18, v24;
	v25 =	vmul.f32 $9.999999770e-03, v19;
	v20 =	vmax.f32 v20, v21;
	v27 =	vld [tilespmem:s3+$0xC3B0];
	[tilespmem:s5+$0x143D0] =	vst v22  }
0x12e: {  	v21 =	vmul.f32 $9.999999770e-03, v28;
	v34 =	vld [tilespmem:s3+$0xC420];
	v4 =	vadd.f32 v12, v4;
	[tilespmem:s5+$0x14460] =	vst v18;
	v18 =	vmul.f32 v18, v18  }
0x12f: {  	v24 =	vmul.f32 $9.999999770e-03, v30;
	v19 =	vmax.f32 v19, v25;
	v22 =	vmul.f32 v22, v22;
	v31 =	vld [tilespmem:s3+$0xC400];
	[tilespmem:s5+$0x14380] =	vst v17  }
0x130: {  	v25 =	vmul.f32 $9.999999770e-03, v16;
	v21 =	vmax.f32 v28, v21;
	v12 =	vld [tilespmem:s3+$0xC470];
	[tilespmem:s5+$0x143C0] =	vst v19;
	v19 =	vmul.f32 v19, v19  }
0x131: {  	v7 =	vadd.f32 v22, v7;
	v22 =	vmul.f32 $9.999999770e-03, v15;
	v28 =	vld [tilespmem:s3+$0x4400];
	[tilespmem:s5+$0x14420] =	vst v20;
	v20 =	vmul.f32 v20, v20  }
0x132: {  	v17 =	vmul.f32 v17, v17;
	v35 =	vld [tilespmem:s3+$0x4410];
	v3 =	vadd.f32 v19, v3;
	v19 =	vmul.f32 v21, v21  }
0x133: {  	v16 =	vmax.f32 v16, v25;
	v36 =	vld [tilespmem:s3+$0x43A0];
	v4 =	vadd.f32 v20, v4;
	v20 =	vmax.f32 v30, v24  }
0x134: {  	v25 =	vmul.f32 v16, v16;
	v8 =	vadd.f32 v18, v8;
	v15 =	vmax.f32 v15, v22;
	v24 =	vld [tilespmem:s3+$0xC3F0];
	[tilespmem:s5+$0x14440] =	vst v21  }
0x135: {  	v6 =	vadd.f32 v9, v6;
	v3 =	vadd.f32 v19, v3;
	v9 =	vmul.f32 v20, v20;
	v18 =	vld [tilespmem:s3+$0x43F0];
	[tilespmem:s5+$0x14470] =	vst v20  }
0x136: {  	v2 =	vadd.f32 v17, v2;
	v19 =	vld [tilespmem:s3+$0xC3E0];
	[tilespmem:s5+$0x14430] =	vst v16;
	v16 =	vmul.f32 v15, v15  }
0x137: {  	v11 =	vadd.f32 v25, v11;
	v5 =	vadd.f32 v9, v5;
	v17 =	vld [tilespmem:s3+$0x43E0];
	[tilespmem:s5+$0x14450] =	vst v15;
	s5 =	smov.u32 s3  }
0x138: {  	v2 =	vadd.f32 v26, v2;
	v9 =	vld [tilespmem:s5+$0xC390];
	v7 =	vadd.f32 v16, v7  }
0x139: {  	v15 =	vld [tilespmem:s5+$0x4390]  }
0x13a: {  	v16 =	vadd.f32 v24, v18;
	v37 =	vld [tilespmem:s5+$0xC450]  }
0x13b: {  	v18 =	vld [tilespmem:s5+$0xC460]  }
0x13c: {  	v17 =	vadd.f32 v19, v17;
	v19 =	vmul.f32 $9.999999770e-03, v16;
	v20 =	vld [tilespmem:s5+$0x4460]  }
0x13d: {  	v21 =	vld [tilespmem:s5+$0xC380]  }
0x13e: {  	v33 =	vadd.f32 v33, v35;
	v22 =	vmul.f32 $9.999999770e-03, v17;
	v16 =	vmax.f32 v16, v19;
	v35 =	vld [tilespmem:s5+$0x4450]  }
0x13f: {  	v25 =	vadd.f32 v9, v15;
	v24 =	vld [tilespmem:s5+$0x4380];
	[tilespmem:s5+$0x143F0] =	vst v16;
	v9 =	vmul.f32 v16, v16  }
.Ltmp2:
0x140: {  	v26 =	vadd.f32 v31, v28;
	v16 =	vmul.f32 $9.999999770e-03, v33;
	v19 =	vld [tilespmem:s5+$0x43C0];
	v15 =	vmax.f32 v17, v22;
	(pc) =	sbr.rel @p0 .LBB2_7-.Ltmp2, $4  }
0x141: {  	v22 =	vld [tilespmem:s5+$0xC3C0];
	[tilespmem:s5+$0x143E0] =	vst v15;
	v17 =	vmul.f32 v15, v15;
	v5 =	vadd.f32 v9, v5;
	v18 =	vadd.f32 v18, v20  }
0x142: {  	v30 =	vadd.f32 v27, v29;
	v23 =	vadd.f32 v23, v36;
	v9 =	vmax.f32 v33, v16;
	v27 =	vld [tilespmem:s5+$0xC3D0]  }
0x143: {  	v31 =	vmul.f32 $9.999999770e-03, v25;
	v20 =	vadd.f32 v34, v32;
	v29 =	vld [tilespmem:s5+$0x43D0];
	[tilespmem:s5+$0x14410] =	vst v9;
	v9 =	vmul.f32 v9, v9  }
0x144: {  	v32 =	vmul.f32 $9.999999770e-03, v30;
	v16 =	vadd.f32 v13, v14;
	v15 =	vadd.f32 v37, v35;
	v28 =	vld [tilespmem:s5+$0x4440]  }
0x145: {  	v13 =	vmul.f32 $9.999999770e-03, v26;
	v46 =	vmax.f32 v25, v31  }
0x146: {  	v45 =	vmul.f32 $9.999999770e-03, v23;
	v30 =	vmax.f32 v30, v32;
	[tilespmem:s5+$0x14390] =	vst v46  }
0x147: {  	v48 =	vmul.f32 $9.999999770e-03, v18;
	[tilespmem:s5+$0x143B0] =	vst v30;
	v13 =	vmax.f32 v26, v13  }
0x148: {  	v14 =	vld [tilespmem:s5+$0x4470];
	v53 =	vmul.f32 $9.999999770e-03, v20;
	v49 =	vmax.f32 v23, v45;
	[tilespmem:s5+$0x14400] =	vst v13  }
0x149: {  	v21 =	vadd.f32 v21, v24;
	v56 =	vmul.f32 $9.999999770e-03, v16;
	v18 =	vmax.f32 v18, v48;
	[tilespmem:s5+$0x143A0] =	vst v49  }
0x14a: {  	v19 =	vadd.f32 v22, v19;
	v57 =	vmul.f32 $9.999999770e-03, v15;
	v20 =	vmax.f32 v20, v53;
	[tilespmem:s5+$0x14460] =	vst v18  }
0x14b: {  	v50 =	vmul.f32 $9.999999770e-03, v21;
	v27 =	vadd.f32 v27, v29;
	[tilespmem:s5+$0x14420] =	vst v20;
	v16 =	vmax.f32 v16, v56  }
0x14c: {  	v51 =	vmul.f32 $9.999999770e-03, v19;
	v15 =	vmax.f32 v15, v57;
	v10 =	vadd.f32 v10, v28;
	[tilespmem:s5+$0x14430] =	vst v16  }
0x14d: {  	v52 =	vmax.f32 v21, v50;
	[tilespmem:s5+$0x14450] =	vst v15;
	v47 =	vmul.f32 $9.999999770e-03, v27;
	v12 =	vadd.f32 v12, v14  }
0x14e: {  	[tilespmem:s5+$0x14380] =	vst v52;
	v19 =	vmax.f32 v19, v51;
	v54 =	vmul.f32 $9.999999770e-03, v10  }
0x14f: {  	[tilespmem:s5+$0x143C0] =	vst v19;
	v25 =	vmax.f32 v27, v47;
	v55 =	vmul.f32 $9.999999770e-03, v12  }
0x150: {  	[tilespmem:s5+$0x143D0] =	vst v25;
	v10 =	vmax.f32 v10, v54  }
0x151: {  	v12 =	vmax.f32 v12, v55;
	[tilespmem:s5+$0x14440] =	vst v10  }
0x152: {  	[tilespmem:s5+$0x14470] =	vst v12  }
0x153: {  	v58 =	vld [tilespmem:$0x280];
	_ =	sdelay $0x7  }
0x154: {  	[tilespmem:v58+s29+$0x0] =	vst.idx.add.f32.msk $0xffff, v1  }
0x155: {  	v21 =	vld [tilespmem:$0x290];
	_ =	sdelay $0x7  }
0x156: {  	[tilespmem:v21+s29+$0x0] =	vst.idx.add.f32.msk $0xffff, v1  }
0x157: {  	v21 =	vld [tilespmem:$0x2A0];
	_ =	sdelay $0x7  }
0x158: {  	[tilespmem:v21+s29+$0x0] =	vst.idx.add.f32.msk $0xffff, v1  }
0x159: {  	v21 =	vld [tilespmem:$0x2B0];
	_ =	sdelay $0x7  }
0x15a: {  	[tilespmem:v21+s29+$0x0] =	vst.idx.add.f32.msk $0xffff, v1  }
0x15b: {  	v21 =	vld [tilespmem:$0x2C0];
	_ =	sdelay $0x7  }
0x15c: {  	[tilespmem:v21+s29+$0x0] =	vst.idx.add.f32.msk $0xffff, v1  }
0x15d: {  	v21 =	vld [tilespmem:$0x2D0];
	_ =	sdelay $0x7  }
0x15e: {  	[tilespmem:v21+s29+$0x0] =	vst.idx.add.f32.msk $0xffff, v1  }
0x15f: {  	v21 =	vld [tilespmem:$0x2E0];
	_ =	sdelay $0x7  }
0x160: {  	v60 =	vmul.f32 v46, v46;
	[tilespmem:v21+s29+$0x0] =	vst.idx.add.f32.msk $0xffff, v1  }
0x161: {  	v59 =	vmul.f32 v30, v30;
	v22 =	vmul.f32 v49, v49;
	v21 =	vld [tilespmem:$0x2F0]  }
0x162: {  	v8 =	vadd.f32 v17, v8;
	v13 =	vmul.f32 v13, v13;
	v18 =	vmul.f32 v18, v18  }
0x163: {  	v6 =	vadd.f32 v60, v6;
	v14 =	vmul.f32 v52, v52;
	v62 =	vmul.f32 v19, v19  }
0x164: {  	v11 =	vadd.f32 v59, v11;
	v4 =	vadd.f32 v22, v4;
	v61 =	vmul.f32 v25, v25  }
0x165: {  	p0 =	sne.s32 s26, s12;
	v16 =	vmul.f32 v16, v16;
	v2 =	vadd.f32 v14, v2;
	v3 =	vadd.f32 v62, v3  }
.Ltmp3:
0x166: {  	v10 =	vmul.f32 v10, v10;
	v63 =	vadd.f32 v61, v7;
	v7 =	vmul.f32 v20, v20;
	(pc) =	sbr.rel @p0 .LBB2_4-.Ltmp3, $4  }
0x167: {  	v6 =	vadd.f32 v9, v6;
	v2 =	vadd.f32 v13, v2;
	v9 =	vmul.f32 v12, v12  }
0x168: {  	v3 =	vadd.f32 v10, v3;
	v10 =	vmul.f32 v15, v15;
	v4 =	vadd.f32 v7, v4  }
0x169: {  	s1 =	rddreg [dreg:$0x4];
	s3 =	simm.s32 $0x14380;
	v7 =	vadd.f32 v18, v8;
	v8 =	vadd.f32 v16, v11;
	[tilespmem:v21+s29+$0x0] =	vst.idx.add.f32.msk $0xffff, v1  }
0x16a: {  	v9 =	vadd.f32 v9, v5;
	v5 =	vadd.f32 v10, v63;
	[spmem:s1] =	stream.indirect.scatter.add.f32 [tilespmem:s3], [sflag:$0xA], $0x80, s10, s0, $0xb8;
	[tilespmem:$0x1DE00] =	vst v63  }
0x16b: {  	s1 =	simm.s32 $0x9  }
0x16c: {  	_ =	swait.ge [sflag:s1], $0x4000  }
0x16d: {  	[sflag:s1] =	ssyncset.done $0x0  }
0x16e: {  	s13 =	simm.s32 $0xA;
	[sflag:s1] =	ssyncadd.s32 $0xFFFFC000  }
0x16f: {  	_ =	swait.ge [sflag:s13], $0x4000  }
0x170: {  	[sflag:s13] =	ssyncset.done $0x0  }
0x171: {  	[sflag:s13] =	ssyncadd.s32 $0xFFFFC000  }
0x172: {  	[tilespmem:$0x18580] =	vst v2  }
0x173: {  	s26 =	rddreg [dreg:$0x15];
	[tilespmem:$0x18590] =	vst v6  }
0x174: {  	p1 =	sne.s32 s26, $0x1;
	[tilespmem:$0x185A0] =	vst v4  }
.Ltmp4:
0x175: {  	[tilespmem:$0x185B0] =	vst v8;
	(pc) =	sbr.rel @!p1 .LBB2_10-.Ltmp4, $4  }
0x176: {  	[tilespmem:$0x185C0] =	vst v3  }
0x177: {  	[tilespmem:$0x185D0] =	vst v5  }
0x178: {  	s13 =	rddreg [dreg:$0xb];
	[tilespmem:$0x185E0] =	vst v7  }
0x179: {  	p0 =	por $0x0, $0x0;
	s1 =	sadd.s32 $0xFFFFFFFF, s26;
	[tilespmem:$0x185F0] =	vst v9;
	s8 =	sshrl.u32 s13, $0x3  }
0x17a: {  	s26 =	rddreg [dreg:$0xc]  }
0x17b: {  	s3 =	sadd.s32 s2, s8;
	s5 =	sshrl.u32 s26, $0x3  }
0x17c: {  	[tilespmem:s30], [sflag:$0xB] =	stream.linear.gather [hbm4b:s3+s6], $0x50, $0x38;
	[tilespmem:$0x1DE00] =	vst v63  }
0x17d: {  	s8 =	sadd.s32 s9, s5  }
0x17e: {  	[tilespmem:s19], [sflag:$0xC] =	stream.linear.gather [hbm4b:s8+s6], $0x2800, $0x38;
	[tilespmem:$0x1DE00] =	vst v63  }
0x17f: {  	_ =	swait.ge [sflag:s31], $0x2800  }
0x180: {  	[sflag:s31] =	ssyncset.done $0x0  }
0x181: {  	[sflag:s31] =	ssyncadd.s32 $0xFFFFD800  }
0x182: {  	p1 =	sne.s32 s1, $0x1;
	_ =	swait.ge [sflag:s22], $0x50  }
.Ltmp5:
0x183: {  	[sflag:s22] =	ssyncset.done $0x0;
	(pc) =	sbr.rel @!p1 .LBB2_12-.Ltmp5, $4  }
0x184: {  	p0 =	por $0x1, $0x1;
	s3 =	sadd.s32 $0xA00, s13;
	[sflag:s22] =	ssyncadd.s32 $0xFFFFFFB0  }
0x185: {  	[spmem:s4] =	stream.indirect.scatter.add.f32 [tilespmem:s19], [sflag:$0xC], $0x80, s30, s14, $0xb8;
	[tilespmem:$0x1DE00] =	vst v63  }
0x186: {  	s5 =	sadd.s32 $0xFFFFFFFF, s1;
	s1 =	sadd.s32 $0x50000, s26;
	_ =	swait.ge [sflag:s31], $0x2800  }
0x187: {  	s8 =	sshrl.u32 s3, $0x3;
	[sflag:s31] =	ssyncset.done $0x0;
	s26 =	rddreg [dreg:$0x7]  }
.LBB2_13:
0x188: {  	s8 =	sadd.s32 s2, s8;
	s13 =	sshrl.u32 s1, $0x3;
	[sflag:s31] =	ssyncadd.s32 $0xFFFFD800  }
0x189: {  	[tilespmem:s30], [sflag:$0xB] =	stream.linear.gather [hbm4b:s8+s6], $0x50, $0x38;
	[tilespmem:$0x1DE00] =	vst v63  }
0x18a: {  	p1 =	sne.s32 s5, $0x1;
	s5 =	sadd.s32 $0xFFFFFFFF, s5;
	s8 =	sadd.s32 s9, s13  }
0x18b: {  	[tilespmem:s19], [sflag:$0xC] =	stream.linear.gather [hbm4b:s8+s6], $0x2800, $0x38;
	[tilespmem:$0x1DE00] =	vst v63  }
0x18c: {  	_ =	swait.ge [sflag:s31], $0x2800  }
0x18d: {  	[sflag:s31] =	ssyncset.done $0x0  }
0x18e: {  	[sflag:s31] =	ssyncadd.s32 $0xFFFFD800  }
0x18f: {  	_ =	swait.ge [sflag:s22], $0x50  }
.Ltmp6:
0x190: {  	[sflag:s22] =	ssyncset.done $0x0;
	(pc) =	sbr.rel @p1 .LBB2_13-.Ltmp6, $4  }
0x191: {  	[sflag:s22] =	ssyncadd.s32 $0xFFFFFFB0  }
0x192: {  	[spmem:s4] =	stream.indirect.scatter.add.f32 [tilespmem:s19], [sflag:$0xC], $0x80, s30, s14, $0xb8;
	[tilespmem:$0x1DE00] =	vst v63  }
0x193: {  	s3 =	sadd.s32 $0xA00, s3;
	_ =	swait.ge [sflag:s31], $0x2800  }
0x194: {  	s1 =	sadd.s32 $0x50000, s1;
	s8 =	sshrl.u32 s3, $0x3;
	[sflag:s31] =	ssyncset.done $0x0  }
0x195: {  	s13 =	rddreg [dreg:$0x18]  }
.LBB2_15:
0x196: {  	s3 =	sadd.s32 s2, s8;
	s1 =	sshrl.u32 s1, $0x3;
	[sflag:s31] =	ssyncadd.s32 @p0 $0xFFFFD800  }
0x197: {  	[tilespmem:s30], [sflag:$0xB] =	stream.linear.gather [hbm4b:s3+s6], $0x50, $0x38;
	[tilespmem:$0x1DE00] =	vst v63  }
0x198: {  	s1 =	sadd.s32 s9, s1  }
0x199: {  	[tilespmem:s19], [sflag:$0xC] =	stream.linear.gather [hbm4b:s1+s6], $0x2800, $0x38;
	[tilespmem:$0x1DE00] =	vst v63  }
0x19a: {  	_ =	swait.ge [sflag:s31], $0x2800  }
0x19b: {  	[sflag:s31] =	ssyncset.done $0x0  }
0x19c: {  	[sflag:s31] =	ssyncadd.s32 $0xFFFFD800  }
0x19d: {  	_ =	swait.ge [sflag:s22], $0x50  }
0x19e: {  	[sflag:s22] =	ssyncset.done $0x0  }
0x19f: {  	[sflag:s22] =	ssyncadd.s32 $0xFFFFFFB0  }
0x1a0: {  	[spmem:s4] =	stream.indirect.scatter.add.f32 [tilespmem:s19], [sflag:$0xC], $0x80, s30, s14, $0xb8;
	[tilespmem:$0x1DE00] =	vst v63  }
0x1a1: {  	_ =	swait.ge [sflag:s31], $0x2800  }
0x1a2: {  	[sflag:s31] =	ssyncset.done $0x0  }
0x1a3: {  	s8 =	simm.s32 $0x18580;
	s5 =	rddreg [dreg:$0x11];
	[sflag:s31] =	ssyncadd.s32 $0xFFFFD800  }
0x1a4: {  	[hbm4b:s5+s6] =	stream.linear.scatter [tilespmem:s8], [sflag:$0xC], $0x80, $0x38;
	[tilespmem:$0x1DE00] =	vst v63  }
0x1a5: {  	_ =	swait.ge [sflag:s31], $0x80  }
0x1a6: {  	[sflag:s31] =	ssyncset.done $0x0  }
0x1a7: {  	s8 =	simm.s32 $0x400;
	s5 =	rddreg [dreg:$0x9];
	[sflag:s31] =	ssyncadd.s32 $0xFFFFFF80  }
0x1a8: {  	[hbm4b:s5+s0] =	stream.strided.scatter [tilespmem:s29], [sflag:$0xC], $0x200, s8, s0, $0x38;
	[tilespmem:$0x1DE00] =	vst v63  }
0x1a9: {  	_ =	swait.ge [sflag:s31], $0x200  }
0x1aa: {  	[sflag:s31] =	ssyncset.done $0x0  }
0x1ab: {  	[sflag:s31] =	ssyncadd.s32 $0xFFFFFE00  }
0x1ac: {  	s5 =	simm.s32 $0x18600;
	[bflag:$0x0] =	sbarrier.arrive $0xFFFF  }
0x1ad: {  	[tilespmem:s5], [sflag:$0xC] =	stream.linear.gather [spmem:s26], $0x1000, $0x38;
	[tilespmem:$0x1DE00] =	vst v63  }
0x1ae: {  	_ =	swait.ge [sflag:s31], $0x1000  }
0x1af: {  	[sflag:s31] =	ssyncset.done $0x0  }
0x1b0: {  	s3 =	rddreg [dreg:$0x12];
	[sflag:s31] =	ssyncadd.s32 $0xFFFFF000  }
0x1b1: {  	[hbm4b:s3+s6] =	stream.linear.scatter [tilespmem:s5], [sflag:$0xC], $0x1000, $0x38;
	[tilespmem:$0x1DE00] =	vst v63  }
0x1b2: {  	_ =	swait.ge [sflag:s31], $0x1000  }
0x1b3: {  	[sflag:s31] =	ssyncset.done $0x0  }
0x1b4: {  	s8 =	rddreg [dreg:$0x8];
	[sflag:s31] =	ssyncadd.s32 $0xFFFFF000  }
0x1b5: {  	[tilespmem:s5], [sflag:$0xC] =	stream.linear.gather [spmem:s8], $0x1000, $0x38;
	[tilespmem:$0x1DE00] =	vst v63  }
0x1b6: {  	_ =	swait.ge [sflag:s31], $0x1000  }
0x1b7: {  	[sflag:s31] =	ssyncset.done $0x0  }
0x1b8: {  	s3 =	rddreg [dreg:$0x13];
	[sflag:s31] =	ssyncadd.s32 $0xFFFFF000  }
0x1b9: {  	[hbm4b:s3+s6] =	stream.linear.scatter [tilespmem:s5], [sflag:$0xC], $0x1000, $0x38;
	[tilespmem:$0x1DE00] =	vst v63  }
0x1ba: {  	_ =	swait.ge [sflag:s31], $0x1000  }
0x1bb: {  	s13 =	sadd.s32 $0x1, s13;
	s8 =	rddreg [dreg:$0x14]  }
0x1bc: {  	p0 =	sne.s32 s13, s8  }
.Ltmp7:
0x1bd: {  	_ = 	snop;
	(pc) =	sbr.rel @p0 .LBB2_1-.Ltmp7, $4  }
.Ltmp8:
0x1be: {  	_ = 	snop;
	(pc) =	sbr.rel @!p0 .LBB2_16-.Ltmp8, $4  }
0x1bf: {  	_ = 	snop  }
0x1c0: {  	[sflag:s31] =	ssyncset.done $0x0  }
0x1c1: {  	[sflag:s31] =	ssyncadd.s32 $0xFFFFF000  }
0x1c2: {  	_ = 	snop  }
.LBB2_10:
.Ltmp9:
0x1c3: {  	(pc) =	sbr.rel .LBB2_15-.Ltmp9, $4  }
0x1c4: {  	_ = 	snop  }
0x1c5: {  	s1 =	rddreg [dreg:$0xc]  }
0x1c6: {  	s26 =	rddreg [dreg:$0x7]  }
0x1c7: {  	s13 =	rddreg [dreg:$0x18]  }
.LBB2_12:
.Ltmp10:
0x1c8: {  	(pc) =	sbr.rel .LBB2_15-.Ltmp10, $2  }
0x1c9: {  	_ =	sdelay $0x2  }
0x1ca: {  	s13 =	rddreg [dreg:$0x18]  }
.LBB2_16:
0x1cb: {  	_ =	sfence.sel $0x180000  }
0x1cc: {  	[bflag:$0x0] =	sbarrier.arrive $0xFFFF  }
0x1cd: {  	_ =	strace $0x90000047  }
0x1ce: {  	s0 =	stileid.u32;
	[bflag:$0x2] =	sbarrier.arrive $0xFFFF  }
0x1cf: {  	p0 =	sne.s32 s0, $0x0;
	s0 =	rddreg [dreg:$0x6]  }
0x1d0: {  	s0 =	sadd.s32 @!p0 $0x100000, s0  }
0x1d1: {  	[sflag:s0] =	ssyncadd.tile.s32 @!p0 $0x1;
	_ =	shalt  }
.Lfunc_end2:
_tile_overlayer_lowered:
.L_overlay_start_2:
0x1d2: {  	(tag) =	ssettag $0x2  }
0x1d3: {  	s0 =	rddreg [dreg:$0x0];
	s2 =	stileid.u32  }
0x1d4: {  	s1 =	rddreg [dreg:$0x1];
	p0 =	sne.s32 s2, $0x0  }
0x1d5: {  	s3 =	rddreg [dreg:$0x2];
	[bflag:$0x3] =	sbarrier.arrive $0xFFFF;
	s2 =	simm.s32 @!p0 $0x1C0C  }
0x1d6: {  	[timem:s3], [sflag:s2] =	dma.local @!p0 [hbm:s0], s1  }
0x1d7: {  	s0 =	simm.s32 @!p0 $0xC  }
0x1d8: {  	_ =	swait.ge @!p0 [sflag:s0], s1  }
0x1d9: {  	s1 =	ssub.s32 @!p0 $0x0, s1;
	[sflag:s0] =	ssyncset.done @!p0 $0x0  }
0x1da: {  	[sflag:s0] =	ssyncadd.s32 @!p0 s1  }
0x1db: {  	[bflag:$0x3] =	sbarrier.arrive $0xFFFF  }
0x1dc: {  	_ =	shalt  }

</sc_bundles>
